<compile_context>
chip_gen: v7x
topology: tpu7x:2x2x1
jax: 0.10.2.dev20260603
libtpu: 0.0.44.dev20260713+nightly
codegen_flags: <defaults>
</compile_context>

<pallas_src>
import functools

import jax
import jax.numpy as jnp
import numpy as np
from jax import lax
from jax.experimental import pallas as pl
from jax.experimental.pallas import tpu as pltpu
from jax.experimental.pallas import tpu_sc as plsc

N_NODES = 10000
N_EDGES = 320000
D = 128
D_EDGE = 16
D_GLOBAL = 16
N_GRAPHS = 8
DC = D + 16
NC, NS = 2, 16
NW = NC * NS
EPW = N_EDGES // NW
CH = 128
NROW = N_EDGES // CH
N_PAD = 10240
ROWS_PER_SUB = N_PAD // NS


def _pack_bf16(a, b):
    a = lax.bitcast_convert_type(a, jnp.int32)
    b = lax.bitcast_convert_type(b, jnp.int32)
    a = a + 0x7FFF + jnp.bitwise_and(lax.shift_right_logical(a, 16), 1)
    b = b + 0x7FFF + jnp.bitwise_and(lax.shift_right_logical(b, 16), 1)
    lo = lax.shift_right_logical(a, 16)
    hi = jnp.bitwise_and(b, jnp.int32(-65536))
    return jnp.bitwise_or(hi, lo)


def _mm_kernel(a_ref, b_ref, o_ref):
    m = jnp.dot(a_ref[...], b_ref[...], preferred_element_type=jnp.float32)
    o_ref[...] = _pack_bf16(m[:, :D // 2], m[:, D // 2:])


def _edge_pre_kernel(eat_ref, w_ref, b_ref, o_ref):
    m = lax.dot_general(
        eat_ref[...], w_ref[...], (((0,), (0,)), ((), ())),
        preferred_element_type=jnp.float32) + b_ref[...]
    m3 = m.reshape(m.shape[0] // CH, CH, D)
    w3 = _pack_bf16(m3[:, :CH // 2, :], m3[:, CH // 2:, :])
    o_ref[...] = w3.reshape(m.shape[0] // 2, D)


def _sc_body(xw1_hbm, eb_hbm, row_hbm, col_hbm, out_hbm,
             acc_sh, row_v, col_v, e_v, g_v, h_v, rs0, rs1, gsem, esem, ssem):
    cid = lax.axis_index("c")
    sid = lax.axis_index("s")
    wid = sid * NC + cid
    rsem = (rs0, rs1)

    zero16 = jnp.zeros((16,), jnp.float32)
    one16 = jnp.ones((16,), jnp.float32)

    @plsc.parallel_loop(0, CH, 1, unroll=4)
    def zfill(i):
        for j in range(DC // 16):
            h_v[i, pl.ds(j * 16, 16)] = zero16

    def zcopy(i, _):
        pltpu.sync_copy(h_v, acc_sh.at[pl.ds(sid * ROWS_PER_SUB + i * CH, CH), :])
        return 0
    lax.fori_loop(0, ROWS_PER_SUB // CH, zcopy, 0)

    @plsc.parallel_loop(0, CH, 1, unroll=4)
    def onefill(i):
        h_v[i, pl.ds(D, 16)] = one16
    plsc.subcore_barrier()

    nrows = jnp.where(wid < 4, NROW // NW + 1, NROW // NW)
    rstart = NROW // NW * wid + jnp.minimum(wid, 4)

    def idx_issue(r, b):
        pltpu.async_copy(row_hbm.at[pl.ds(r, 1), :], row_v.at[pl.ds(b, 1), :],
                         rsem[b])
        pltpu.async_copy(col_hbm.at[pl.ds(r, 1), :], col_v.at[pl.ds(b, 1), :],
                         rsem[b])

    def data_issue(r, bb):
        pltpu.async_copy(eb_hbm.at[pl.ds(r * (CH // 2), CH // 2), :], e_v, esem)
        pltpu.async_copy(xw1_hbm.at[row_v.at[bb]], g_v, gsem)

    idx_issue(rstart, 0)
    pltpu.make_async_copy(row_hbm.at[pl.ds(0, 1), :],
                          row_v.at[pl.ds(0, 1), :], rsem[0]).wait()
    pltpu.make_async_copy(col_hbm.at[pl.ds(0, 1), :],
                          col_v.at[pl.ds(0, 1), :], rsem[0]).wait()
    data_issue(rstart, 0)

    @pl.when(1 < nrows)
    def _():
        idx_issue(rstart + 1, 1)

    mask_hi = jnp.full((16,), -65536, jnp.int32)

    def chunk(c, _):
        r = rstart + c
        b = lax.rem(c, 2)
        pltpu.make_async_copy(eb_hbm.at[pl.ds(0, CH // 2), :], e_v, esem).wait()
        pltpu.make_async_copy(xw1_hbm.at[row_v.at[0]], g_v, gsem).wait()

        @plsc.parallel_loop(0, CH // 2, 1, unroll=4)
        def fuse(q):
            for j in range(D // 32):
                sl = pl.ds(j * 16, 16)
                sh = pl.ds(D // 2 + j * 16, 16)
                ew = e_v[q, sl]
                ew2 = e_v[q, sh]
                gw = g_v[q, sl]
                gw2 = g_v[CH // 2 + q, sl]
                glo = plsc.bitcast(lax.shift_left(gw, 16), jnp.float32)
                ghi = plsc.bitcast(jnp.bitwise_and(gw, mask_hi), jnp.float32)
                glo2 = plsc.bitcast(lax.shift_left(gw2, 16), jnp.float32)
                ghi2 = plsc.bitcast(jnp.bitwise_and(gw2, mask_hi), jnp.float32)
                elo = plsc.bitcast(lax.shift_left(ew, 16), jnp.float32)
                ehi = plsc.bitcast(jnp.bitwise_and(ew, mask_hi), jnp.float32)
                elo2 = plsc.bitcast(lax.shift_left(ew2, 16), jnp.float32)
                ehi2 = plsc.bitcast(jnp.bitwise_and(ew2, mask_hi), jnp.float32)
                h_v[q, sl] = jnp.maximum(elo + glo, 0.0)
                h_v[q, sh] = jnp.maximum(elo2 + ghi, 0.0)
                h_v[CH // 2 + q, sl] = jnp.maximum(ehi + glo2, 0.0)
                h_v[CH // 2 + q, sh] = jnp.maximum(ehi2 + ghi2, 0.0)

        @pl.when(c + 1 < nrows)
        def _():
            for bb in range(2):
                @pl.when(b == bb)
                def _():
                    b1 = 1 - bb
                    pltpu.make_async_copy(row_hbm.at[pl.ds(0, 1), :],
                                          row_v.at[pl.ds(b1, 1), :],
                                          rsem[b1]).wait()
                    pltpu.make_async_copy(col_hbm.at[pl.ds(0, 1), :],
                                          col_v.at[pl.ds(b1, 1), :],
                                          rsem[b1]).wait()
                    data_issue(r + 1, b1)

        for bb in range(2):
            @pl.when(b == bb)
            def _():
                pltpu.async_copy(h_v, acc_sh.at[col_v.at[bb]], ssem,
                                 add=True).wait()

        @pl.when(c + 2 < nrows)
        def _():
            for bb in range(2):
                @pl.when(b == bb)
                def _():
                    idx_issue(r + 2, bb)
        return 0
    lax.fori_loop(0, nrows, chunk, 0)

    plsc.subcore_barrier()
    pltpu.sync_copy(
        acc_sh.at[pl.ds(sid * ROWS_PER_SUB, ROWS_PER_SUB), :],
        out_hbm.at[cid, pl.ds(sid * ROWS_PER_SUB, ROWS_PER_SUB), :],
    )


def _node_mlp_kernel(x_ref, s_ref, batch_ref, u_ref, w2_ref, b2_ref,
                     w3_ref, b3_ref, w4_ref, b4_ref, o_ref):
    s = s_ref[0, :, :D] + s_ref[1, :, :D]
    c = (s_ref[0, :, D:D + 1] + s_ref[1, :, D:D + 1])
    inv = 1.0 / jnp.maximum(c, 1.0)
    mean = (jnp.dot(s, w2_ref[...], preferred_element_type=jnp.float32)
            + c * b2_ref[...]) * inv
    b = batch_ref[0, 0, :]
    oh = (b[:, None] == lax.broadcasted_iota(jnp.int32, (b.shape[0], N_GRAPHS), 1))
    uc = jnp.dot(u_ref[...], w3_ref[D + D:, :], preferred_element_type=jnp.float32)
    t = (jnp.dot(x_ref[...], w3_ref[:D, :], preferred_element_type=jnp.float32)
         + jnp.dot(mean, w3_ref[D:D + D, :], preferred_element_type=jnp.float32)
         + jnp.dot(oh.astype(jnp.float32), uc, preferred_element_type=jnp.float32)
         + b3_ref[...])
    o_ref[...] = (jnp.dot(jnp.maximum(t, 0.0), w4_ref[...],
                          preferred_element_type=jnp.float32) + b4_ref[...])


def kernel(x, edge_index, edge_attr, u, batch, W1, b1, W2, b2, W3, b3, W4, b4):
    row = edge_index[0].astype(jnp.int32)
    col = edge_index[1].astype(jnp.int32)
    W1a = W1[:D]
    W1b = W1[D:]

    xw1 = pl.pallas_call(
        _mm_kernel,
        grid=(5,),
        in_specs=[
            pl.BlockSpec((N_NODES // 5, D), lambda i: (i, 0)),
            pl.BlockSpec((D, D), lambda i: (0, 0)),
        ],
        out_specs=pl.BlockSpec((N_NODES // 5, D // 2), lambda i: (i, 0)),
        out_shape=jax.ShapeDtypeStruct((N_NODES, D // 2), jnp.int32),
    )(x, W1a)

    EB_BLK = 6400
    eb = pl.pallas_call(
        _edge_pre_kernel,
        grid=(N_EDGES // EB_BLK,),
        in_specs=[
            pl.BlockSpec((D_EDGE, EB_BLK), lambda i: (0, i)),
            pl.BlockSpec((D_EDGE, D), lambda i: (0, 0)),
            pl.BlockSpec((D,), lambda i: (0,)),
        ],
        out_specs=pl.BlockSpec((EB_BLK // 2, D), lambda i: (i, 0)),
        out_shape=jax.ShapeDtypeStruct((N_EDGES // 2, D), jnp.int32),
    )(edge_attr.T, W1b, b1)

    mesh = plsc.VectorSubcoreMesh(core_axis_name="c", subcore_axis_name="s")
    sc = functools.partial(
        pl.kernel,
        mesh=mesh,
        out_type=jax.ShapeDtypeStruct((NC, N_PAD, DC), jnp.float32),
        scratch_types=[
            pltpu.VMEM_SHARED((N_PAD, DC), jnp.float32),
            pltpu.VMEM((2, CH), jnp.int32),
            pltpu.VMEM((2, CH), jnp.int32),
            pltpu.VMEM((CH // 2, D), jnp.int32),
            pltpu.VMEM((CH, D // 2), jnp.int32),
            pltpu.VMEM((CH, DC), jnp.float32),
            pltpu.SemaphoreType.DMA,
            pltpu.SemaphoreType.DMA,
            pltpu.SemaphoreType.DMA,
            pltpu.SemaphoreType.DMA,
            pltpu.SemaphoreType.DMA,
        ],
        compiler_params=pltpu.CompilerParams(use_tc_tiling_on_sc=False,
                                             needs_layout_passes=False),
    )(_sc_body)
    s01 = sc(xw1, eb, row.reshape(NROW, CH), col.reshape(NROW, CH))

    R = 1000
    batch3 = batch.astype(jnp.int32).reshape(N_NODES // R, 1, R)
    out = pl.pallas_call(
        _node_mlp_kernel,
        grid=(N_NODES // R,),
        in_specs=[
            pl.BlockSpec((R, D), lambda i: (i, 0)),
            pl.BlockSpec((NC, R, DC), lambda i: (0, i, 0)),
            pl.BlockSpec((1, 1, R), lambda i: (i, 0, 0)),
            pl.BlockSpec((N_GRAPHS, D_GLOBAL), lambda i: (0, 0)),
            pl.BlockSpec((D, D), lambda i: (0, 0)),
            pl.BlockSpec((D,), lambda i: (0,)),
            pl.BlockSpec((D + D + D_GLOBAL, D), lambda i: (0, 0)),
            pl.BlockSpec((D,), lambda i: (0,)),
            pl.BlockSpec((D, D), lambda i: (0, 0)),
            pl.BlockSpec((D,), lambda i: (0,)),
        ],
        out_specs=pl.BlockSpec((R, D), lambda i: (i, 0)),
        out_shape=jax.ShapeDtypeStruct((N_NODES, D), jnp.float32),
    )(x, s01, batch3, u, W2, b2, W3, b3, W4, b4)
    return out

# --- scband reference (transcript-rebuilt; emitter-appended) ---
"""Pipeline reference for scband-node-model-17497696764457 (READ-ONLY COPY).

The authoritative reference and input builder live on the scoring server;
editing this copy changes nothing except your own understanding.
"""

import jax, jax.numpy as jnp
import numpy as np

N_NODES = 10000
N_EDGES = 320000
D_NODE = 128
D_EDGE = 16
D_GLOBAL = 16
HIDDEN = 128
N_TARGETS = 128
N_GRAPHS = 8


def setup_inputs(seed: int = 0) -> dict:
    key = jax.random.key(seed)
    ks = jax.random.split(key, 16)
    x = jax.random.normal(ks[0], (N_NODES, D_NODE), dtype=jnp.float32)
    edge_index = jax.random.randint(ks[1], (2, N_EDGES), 0, N_NODES, dtype=jnp.int64)
    edge_attr = jax.random.normal(ks[2], (N_EDGES, D_EDGE), dtype=jnp.float32)
    u = jax.random.normal(ks[3], (N_GRAPHS, D_GLOBAL), dtype=jnp.float32)
    batch = jnp.sort(jax.random.randint(ks[4], (N_NODES,), 0, N_GRAPHS, dtype=jnp.int64))
    in1 = D_NODE + D_EDGE
    in2 = D_NODE + HIDDEN + D_GLOBAL
    W1 = jax.random.normal(ks[5], (in1, HIDDEN), dtype=jnp.float32) / np.sqrt(in1)
    b1 = jnp.zeros((HIDDEN,), dtype=jnp.float32)
    W2 = jax.random.normal(ks[6], (HIDDEN, HIDDEN), dtype=jnp.float32) / np.sqrt(HIDDEN)
    b2 = jnp.zeros((HIDDEN,), dtype=jnp.float32)
    W3 = jax.random.normal(ks[7], (in2, HIDDEN), dtype=jnp.float32) / np.sqrt(in2)
    b3 = jnp.zeros((HIDDEN,), dtype=jnp.float32)
    W4 = jax.random.normal(ks[8], (HIDDEN, N_TARGETS), dtype=jnp.float32) / np.sqrt(HIDDEN)
    b4 = jnp.zeros((N_TARGETS,), dtype=jnp.float32)
    return {"x": x, "edge_index": edge_index, "edge_attr": edge_attr, "u": u, "batch": batch,
            "W1": W1, "b1": b1, "W2": W2, "b2": b2, "W3": W3, "b3": b3, "W4": W4, "b4": b4}


def reference(x, edge_index, edge_attr, u, batch, W1, b1, W2, b2, W3, b3, W4, b4):
    row = edge_index[0]
    col = edge_index[1]
    # node_mlp_1 over concatenated source-node features and edge features
    out = jnp.concatenate([jnp.take(x, row, axis=0), edge_attr], axis=1)
    out = jnp.maximum(out @ W1 + b1, 0.0)
    out = out @ W2 + b2
    # scatter_mean over destination nodes
    summed = jax.ops.segment_sum(out, col, num_segments=x.shape[0])
    counts = jax.ops.segment_sum(jnp.ones((col.shape[0],), dtype=x.dtype), col, num_segments=x.shape[0])
    mean = summed / jnp.maximum(counts, 1.0)[:, None]
    # node_mlp_2 with global features gathered per node
    out2 = jnp.concatenate([x, mean, jnp.take(u, batch, axis=0)], axis=1)
    out2 = jnp.maximum(out2 @ W3 + b3, 0.0)
    return out2 @ W4 + b4

if __name__ == "__main__":
    import jax
    _d = setup_inputs()
    print(jax.jit(kernel)(*tuple(_d.values())))

</pallas_src>

<mosaic_0001>
#map = affine_map<(d0, d1) -> (0, 0)>
#map1 = affine_map<(d0, d1) -> (0, 0, 0)>
module attributes {stable_mosaic.version = 14 : i64} {
  func.func @_sc_body(%arg0: i32, %arg1: i32, %arg2: memref<10000x64xi32, #tpu.memory_space<hbm>>, %arg3: memref<160000x128xi32, #tpu.memory_space<hbm>>, %arg4: memref<2500x128xi32, #tpu.memory_space<hbm>>, %arg5: memref<2500x128xi32, #tpu.memory_space<hbm>>, %arg6: memref<2x10240x144xf32, #tpu.memory_space<hbm>>, %arg7: memref<10240x144xf32, #tpu.memory_space<vmem_shared>>, %arg8: memref<2x128xi32, #tpu.memory_space<vmem>>, %arg9: memref<2x128xi32, #tpu.memory_space<vmem>>, %arg10: memref<64x128xi32, #tpu.memory_space<vmem>>, %arg11: memref<128x64xi32, #tpu.memory_space<vmem>>, %arg12: memref<128x144xf32, #tpu.memory_space<vmem>>, %arg13: memref<!tpu.dma_semaphore, #tpu.memory_space<semaphore_mem>>, %arg14: memref<!tpu.dma_semaphore, #tpu.memory_space<semaphore_mem>>, %arg15: memref<!tpu.dma_semaphore, #tpu.memory_space<semaphore_mem>>, %arg16: memref<!tpu.dma_semaphore, #tpu.memory_space<semaphore_mem>>, %arg17: memref<!tpu.dma_semaphore, #tpu.memory_space<semaphore_mem>>) attributes {dimension_semantics = [#tpu.dimension_semantics<core_parallel>, #tpu.dimension_semantics<subcore_parallel>], iteration_bounds = array<i64: 2, 16>, scalar_prefetch = 0 : i64, scratch_operands = 11 : i64, tpu.core_type = #tpu.core_type<sc_vector_subcore>, window_params = [{transform_indices = #map}, {transform_indices = #map}, {transform_indices = #map}, {transform_indices = #map}, {transform_indices = #map1}]} {
    %mul3A = arith.constant 2 : i32
    %mul3A_0 = arith.muli %arg1, %mul3A : i32
    %add3A = arith.addi %mul3A_0, %arg0 : i32
    %broadcast_in_dim3A = arith.constant 0.000000e+00 : f32
    %broadcast_in_dim3A_1 = vector.broadcast %broadcast_in_dim3A : f32 to vector<16xf32>
    %broadcast_in_dim3A_2 = arith.constant 1.000000e+00 : f32
    %broadcast_in_dim3A_3 = vector.broadcast %broadcast_in_dim3A_2 : f32 to vector<16xf32>
    %parallel_loop3A = arith.constant 0 : i32
    %parallel_loop3A_4 = arith.constant 128 : i32
    %parallel_loop3A_5 = arith.constant 1 : i32
    scf.for %parallel_loop3A_96 = %parallel_loop3A to %parallel_loop3A_4 step %parallel_loop3A_5  : i32 {
      %parallel_loop3A_97 = arith.index_cast %parallel_loop3A_96 : i32 to index
      %parallel_loop3A_98 = arith.constant 0 : index
      %parallel_loop3A_99 = tpu.vector_load %arg12[%parallel_loop3A_97, %parallel_loop3A_98] {strides = array<i32>} : memref<128x144xf32, #tpu.memory_space<vmem>>, vector<16xf32>,
      tpu.vector_store %arg12[%parallel_loop3A_97, %parallel_loop3A_98], %broadcast_in_dim3A_1 {strides = array<i32>} : memref<128x144xf32, #tpu.memory_space<vmem>>, vector<16xf32>,
      %parallel_loop3A_100 = arith.index_cast %parallel_loop3A_96 : i32 to index
      %parallel_loop3A_101 = arith.constant 16 : index
      %parallel_loop3A_102 = tpu.vector_load %arg12[%parallel_loop3A_100, %parallel_loop3A_101] {strides = array<i32>} : memref<128x144xf32, #tpu.memory_space<vmem>>, vector<16xf32>,
      tpu.vector_store %arg12[%parallel_loop3A_100, %parallel_loop3A_101], %broadcast_in_dim3A_1 {strides = array<i32>} : memref<128x144xf32, #tpu.memory_space<vmem>>, vector<16xf32>,
      %parallel_loop3A_103 = arith.index_cast %parallel_loop3A_96 : i32 to index
      %parallel_loop3A_104 = arith.constant 32 : index
      %parallel_loop3A_105 = tpu.vector_load %arg12[%parallel_loop3A_103, %parallel_loop3A_104] {strides = array<i32>} : memref<128x144xf32, #tpu.memory_space<vmem>>, vector<16xf32>,
      tpu.vector_store %arg12[%parallel_loop3A_103, %parallel_loop3A_104], %broadcast_in_dim3A_1 {strides = array<i32>} : memref<128x144xf32, #tpu.memory_space<vmem>>, vector<16xf32>,
      %parallel_loop3A_106 = arith.index_cast %parallel_loop3A_96 : i32 to index
      %parallel_loop3A_107 = arith.constant 48 : index
      %parallel_loop3A_108 = tpu.vector_load %arg12[%parallel_loop3A_106, %parallel_loop3A_107] {strides = array<i32>} : memref<128x144xf32, #tpu.memory_space<vmem>>, vector<16xf32>,
      tpu.vector_store %arg12[%parallel_loop3A_106, %parallel_loop3A_107], %broadcast_in_dim3A_1 {strides = array<i32>} : memref<128x144xf32, #tpu.memory_space<vmem>>, vector<16xf32>,
      %parallel_loop3A_109 = arith.index_cast %parallel_loop3A_96 : i32 to index
      %parallel_loop3A_110 = arith.constant 64 : index
      %parallel_loop3A_111 = tpu.vector_load %arg12[%parallel_loop3A_109, %parallel_loop3A_110] {strides = array<i32>} : memref<128x144xf32, #tpu.memory_space<vmem>>, vector<16xf32>,
      tpu.vector_store %arg12[%parallel_loop3A_109, %parallel_loop3A_110], %broadcast_in_dim3A_1 {strides = array<i32>} : memref<128x144xf32, #tpu.memory_space<vmem>>, vector<16xf32>,
      %parallel_loop3A_112 = arith.index_cast %parallel_loop3A_96 : i32 to index
      %parallel_loop3A_113 = arith.constant 80 : index
      %parallel_loop3A_114 = tpu.vector_load %arg12[%parallel_loop3A_112, %parallel_loop3A_113] {strides = array<i32>} : memref<128x144xf32, #tpu.memory_space<vmem>>, vector<16xf32>,
      tpu.vector_store %arg12[%parallel_loop3A_112, %parallel_loop3A_113], %broadcast_in_dim3A_1 {strides = array<i32>} : memref<128x144xf32, #tpu.memory_space<vmem>>, vector<16xf32>,
      %parallel_loop3A_115 = arith.index_cast %parallel_loop3A_96 : i32 to index
      %parallel_loop3A_116 = arith.constant 96 : index
      %parallel_loop3A_117 = tpu.vector_load %arg12[%parallel_loop3A_115, %parallel_loop3A_116] {strides = array<i32>} : memref<128x144xf32, #tpu.memory_space<vmem>>, vector<16xf32>,
      tpu.vector_store %arg12[%parallel_loop3A_115, %parallel_loop3A_116], %broadcast_in_dim3A_1 {strides = array<i32>} : memref<128x144xf32, #tpu.memory_space<vmem>>, vector<16xf32>,
      %parallel_loop3A_118 = arith.index_cast %parallel_loop3A_96 : i32 to index
      %parallel_loop3A_119 = arith.constant 112 : index
      %parallel_loop3A_120 = tpu.vector_load %arg12[%parallel_loop3A_118, %parallel_loop3A_119] {strides = array<i32>} : memref<128x144xf32, #tpu.memory_space<vmem>>, vector<16xf32>,
      tpu.vector_store %arg12[%parallel_loop3A_118, %parallel_loop3A_119], %broadcast_in_dim3A_1 {strides = array<i32>} : memref<128x144xf32, #tpu.memory_space<vmem>>, vector<16xf32>,
      %parallel_loop3A_121 = arith.index_cast %parallel_loop3A_96 : i32 to index
      %parallel_loop3A_122 = arith.constant 128 : index
      %parallel_loop3A_123 = tpu.vector_load %arg12[%parallel_loop3A_121, %parallel_loop3A_122] {strides = array<i32>} : memref<128x144xf32, #tpu.memory_space<vmem>>, vector<16xf32>,
      tpu.vector_store %arg12[%parallel_loop3A_121, %parallel_loop3A_122], %broadcast_in_dim3A_1 {strides = array<i32>} : memref<128x144xf32, #tpu.memory_space<vmem>>, vector<16xf32>,
    } {sc.loop_unroll_factor = 4 : i64, sc.parallel_access}
    %scan3A = arith.constant 0 : i32
    %scan3A_6 = arith.constant 0 : i32
    %scan3A_7 = arith.constant 5 : i32
    %scan3A_8 = arith.addi %scan3A_6, %scan3A_7 : i32
    %scan3A_9 = arith.constant 1 : i32
    %scan3A_10 = scf.for %scan3A_96 = %scan3A_6 to %scan3A_8 step %scan3A_9 iter_args(%scan3A_97 = %scan3A) -> (i32)  : i32 {
      %mul3A_98 = arith.constant 640 : i32
      %mul3A_99 = arith.muli %arg1, %mul3A_98 : i32
      %mul3A_100 = arith.constant 128 : i32
      %mul3A_101 = arith.muli %scan3A_96, %mul3A_100 : i32
      %add3A_102 = arith.addi %mul3A_99, %mul3A_101 : i32
      "tpu.region"() ({
        %run_scoped3A = tpu.sem_alloc : memref<!tpu.dma_semaphore, #tpu.memory_space<semaphore_mem>>
        %dma_start3A_104 = arith.constant 0 : i32
        %dma_start3A_105 = tpu.memref_slice %arg7[%add3A_102, %dma_start3A_104] : memref<10240x144xf32, #tpu.memory_space<vmem_shared>> -> memref<128x144xf32, #tpu.memory_space<vmem_shared>>
        %dma_start3A_106 = arith.constant 0 : i32
        %dma_start3A_107 = tpu.memref_slice %arg7[%add3A_102, %dma_start3A_106] : memref<10240x144xf32, #tpu.memory_space<vmem_shared>> -> memref<128x144xf32, #tpu.memory_space<vmem_shared>>
        tpu.enqueue_dma source(%arg12 : memref<128x144xf32, #tpu.memory_space<vmem>>) target(%dma_start3A_107 : memref<128x144xf32, #tpu.memory_space<vmem_shared>>) target_semaphore(%run_scoped3A : memref<!tpu.dma_semaphore, #tpu.memory_space<semaphore_mem>>)
        %dma_wait3A_108 = arith.constant 0 : i32
        %dma_wait3A_109 = tpu.memref_slice %arg7[%add3A_102, %dma_wait3A_108] : memref<10240x144xf32, #tpu.memory_space<vmem_shared>> -> memref<128x144xf32, #tpu.memory_space<vmem_shared>>
        %dma_wait3A_110 = arith.constant 0 : i32
        %dma_wait3A_111 = tpu.memref_slice %arg7[%add3A_102, %dma_wait3A_110] : memref<10240x144xf32, #tpu.memory_space<vmem_shared>> -> memref<128x144xf32, #tpu.memory_space<vmem_shared>>
        tpu.wait_dma2 semaphore(%run_scoped3A : memref<!tpu.dma_semaphore, #tpu.memory_space<semaphore_mem>>) src(%arg12 : memref<128x144xf32, #tpu.memory_space<vmem>>) dst(%dma_wait3A_111 : memref<128x144xf32, #tpu.memory_space<vmem_shared>>)
        tpu.yield
      }) : () -> ()
      %scan3A_103 = arith.constant 0 : i32
      scf.yield %scan3A_103 : i32
    }
    %scan3A_11 = arith.constant 5 : i32
    %parallel_loop3A_12 = arith.constant 0 : i32
    %parallel_loop3A_13 = arith.constant 128 : i32
    %parallel_loop3A_14 = arith.constant 1 : i32
    scf.for %parallel_loop3A_96 = %parallel_loop3A_12 to %parallel_loop3A_13 step %parallel_loop3A_14  : i32 {
      %parallel_loop3A_97 = arith.index_cast %parallel_loop3A_96 : i32 to index
      %parallel_loop3A_98 = arith.constant 128 : index
      %parallel_loop3A_99 = tpu.vector_load %arg12[%parallel_loop3A_97, %parallel_loop3A_98] {strides = array<i32>} : memref<128x144xf32, #tpu.memory_space<vmem>>, vector<16xf32>,
      tpu.vector_store %arg12[%parallel_loop3A_97, %parallel_loop3A_98], %broadcast_in_dim3A_3 {strides = array<i32>} : memref<128x144xf32, #tpu.memory_space<vmem>>, vector<16xf32>,
    } {sc.loop_unroll_factor = 4 : i64, sc.parallel_access}
    %barrier3A = arith.constant 0 : index
    tpu.barrier barrier_id(%barrier3A)
    %lt3A = arith.constant 4 : i32
    %lt3A_15 = arith.cmpi slt, %add3A, %lt3A : i32
    %jit3A = arith.constant 79 : i32
    %jit3A_16 = arith.constant 78 : i32
    %select_n3A = arith.select %lt3A_15, %jit3A, %jit3A_16 : i32
    %mul3A_17 = arith.constant 78 : i32
    %mul3A_18 = arith.muli %mul3A_17, %add3A : i32
    %min3A = arith.constant 4 : i32
    %min3A_19 = arith.minsi %add3A, %min3A : i32
    %add3A_20 = arith.addi %mul3A_18, %min3A_19 : i32
    %dma_start3A = arith.constant 0 : i32
    %dma_start3A_21 = arith.constant 0 : i32
    %dma_start3A_22 = tpu.memref_slice %arg8[%dma_start3A, %dma_start3A_21] : memref<2x128xi32, #tpu.memory_space<vmem>> -> memref<1x128xi32, #tpu.memory_space<vmem>>
    %dma_start3A_23 = arith.constant 0 : i32
    %dma_start3A_24 = tpu.memref_slice %arg4[%add3A_20, %dma_start3A_23] : memref<2500x128xi32, #tpu.memory_space<hbm>> -> memref<1x128xi32, #tpu.memory_space<hbm>>
    %dma_start3A_25 = arith.constant 0 : i32
    %dma_start3A_26 = arith.constant 0 : i32
    %dma_start3A_27 = tpu.memref_slice %arg8[%dma_start3A_25, %dma_start3A_26] : memref<2x128xi32, #tpu.memory_space<vmem>> -> memref<1x128xi32, #tpu.memory_space<vmem>>
    %dma_start3A_28 = arith.constant 0 : i32
    %dma_start3A_29 = tpu.memref_slice %arg4[%add3A_20, %dma_start3A_28] : memref<2500x128xi32, #tpu.memory_space<hbm>> -> memref<1x128xi32, #tpu.memory_space<hbm>>
    tpu.enqueue_dma source(%dma_start3A_29 : memref<1x128xi32, #tpu.memory_space<hbm>>) target(%dma_start3A_27 : memref<1x128xi32, #tpu.memory_space<vmem>>) target_semaphore(%arg13 : memref<!tpu.dma_semaphore, #tpu.memory_space<semaphore_mem>>)
    %dma_start3A_30 = arith.constant 0 : i32
    %dma_start3A_31 = arith.constant 0 : i32
    %dma_start3A_32 = tpu.memref_slice %arg9[%dma_start3A_30, %dma_start3A_31] : memref<2x128xi32, #tpu.memory_space<vmem>> -> memref<1x128xi32, #tpu.memory_space<vmem>>
    %dma_start3A_33 = arith.constant 0 : i32
    %dma_start3A_34 = tpu.memref_slice %arg5[%add3A_20, %dma_start3A_33] : memref<2500x128xi32, #tpu.memory_space<hbm>> -> memref<1x128xi32, #tpu.memory_space<hbm>>
    %dma_start3A_35 = arith.constant 0 : i32
    %dma_start3A_36 = arith.constant 0 : i32
    %dma_start3A_37 = tpu.memref_slice %arg9[%dma_start3A_35, %dma_start3A_36] : memref<2x128xi32, #tpu.memory_space<vmem>> -> memref<1x128xi32, #tpu.memory_space<vmem>>
    %dma_start3A_38 = arith.constant 0 : i32
    %dma_start3A_39 = tpu.memref_slice %arg5[%add3A_20, %dma_start3A_38] : memref<2500x128xi32, #tpu.memory_space<hbm>> -> memref<1x128xi32, #tpu.memory_space<hbm>>
    tpu.enqueue_dma source(%dma_start3A_39 : memref<1x128xi32, #tpu.memory_space<hbm>>) target(%dma_start3A_37 : memref<1x128xi32, #tpu.memory_space<vmem>>) target_semaphore(%arg13 : memref<!tpu.dma_semaphore, #tpu.memory_space<semaphore_mem>>)
    %dma_wait3A = arith.constant 0 : i32
    %dma_wait3A_40 = arith.constant 0 : i32
    %dma_wait3A_41 = tpu.memref_slice %arg8[%dma_wait3A, %dma_wait3A_40] : memref<2x128xi32, #tpu.memory_space<vmem>> -> memref<1x128xi32, #tpu.memory_space<vmem>>
    %dma_wait3A_42 = arith.constant 0 : i32
    %dma_wait3A_43 = arith.constant 0 : i32
    %dma_wait3A_44 = tpu.memref_slice %arg4[%dma_wait3A_42, %dma_wait3A_43] : memref<2500x128xi32, #tpu.memory_space<hbm>> -> memref<1x128xi32, #tpu.memory_space<hbm>>
    %dma_wait3A_45 = arith.constant 0 : i32
    %dma_wait3A_46 = arith.constant 0 : i32
    %dma_wait3A_47 = tpu.memref_slice %arg8[%dma_wait3A_45, %dma_wait3A_46] : memref<2x128xi32, #tpu.memory_space<vmem>> -> memref<1x128xi32, #tpu.memory_space<vmem>>
    %dma_wait3A_48 = arith.constant 0 : i32
    %dma_wait3A_49 = arith.constant 0 : i32
    %dma_wait3A_50 = tpu.memref_slice %arg4[%dma_wait3A_48, %dma_wait3A_49] : memref<2500x128xi32, #tpu.memory_space<hbm>> -> memref<1x128xi32, #tpu.memory_space<hbm>>
    tpu.wait_dma2 semaphore(%arg13 : memref<!tpu.dma_semaphore, #tpu.memory_space<semaphore_mem>>) src(%dma_wait3A_50 : memref<1x128xi32, #tpu.memory_space<hbm>>) dst(%dma_wait3A_47 : memref<1x128xi32, #tpu.memory_space<vmem>>)
    %dma_wait3A_51 = arith.constant 0 : i32
    %dma_wait3A_52 = arith.constant 0 : i32
    %dma_wait3A_53 = tpu.memref_slice %arg9[%dma_wait3A_51, %dma_wait3A_52] : memref<2x128xi32, #tpu.memory_space<vmem>> -> memref<1x128xi32, #tpu.memory_space<vmem>>
    %dma_wait3A_54 = arith.constant 0 : i32
    %dma_wait3A_55 = arith.constant 0 : i32
    %dma_wait3A_56 = tpu.memref_slice %arg5[%dma_wait3A_54, %dma_wait3A_55] : memref<2500x128xi32, #tpu.memory_space<hbm>> -> memref<1x128xi32, #tpu.memory_space<hbm>>
    %dma_wait3A_57 = arith.constant 0 : i32
    %dma_wait3A_58 = arith.constant 0 : i32
    %dma_wait3A_59 = tpu.memref_slice %arg9[%dma_wait3A_57, %dma_wait3A_58] : memref<2x128xi32, #tpu.memory_space<vmem>> -> memref<1x128xi32, #tpu.memory_space<vmem>>
    %dma_wait3A_60 = arith.constant 0 : i32
    %dma_wait3A_61 = arith.constant 0 : i32
    %dma_wait3A_62 = tpu.memref_slice %arg5[%dma_wait3A_60, %dma_wait3A_61] : memref<2500x128xi32, #tpu.memory_space<hbm>> -> memref<1x128xi32, #tpu.memory_space<hbm>>
    tpu.wait_dma2 semaphore(%arg13 : memref<!tpu.dma_semaphore, #tpu.memory_space<semaphore_mem>>) src(%dma_wait3A_62 : memref<1x128xi32, #tpu.memory_space<hbm>>) dst(%dma_wait3A_59 : memref<1x128xi32, #tpu.memory_space<vmem>>)
    %mul3A_63 = arith.constant 64 : i32
    %mul3A_64 = arith.muli %add3A_20, %mul3A_63 : i32
    %dma_start3A_65 = arith.constant 0 : i32
    %dma_start3A_66 = tpu.memref_slice %arg3[%mul3A_64, %dma_start3A_65] : memref<160000x128xi32, #tpu.memory_space<hbm>> -> memref<64x128xi32, #tpu.memory_space<hbm>>
    %dma_start3A_67 = arith.constant 0 : i32
    %dma_start3A_68 = tpu.memref_slice %arg3[%mul3A_64, %dma_start3A_67] : memref<160000x128xi32, #tpu.memory_space<hbm>> -> memref<64x128xi32, #tpu.memory_space<hbm>>
    tpu.enqueue_dma source(%dma_start3A_68 : memref<64x128xi32, #tpu.memory_space<hbm>>) target(%arg10 : memref<64x128xi32, #tpu.memory_space<vmem>>) target_semaphore(%arg16 : memref<!tpu.dma_semaphore, #tpu.memory_space<semaphore_mem>>)
    %dma_start3A_69 = arith.constant 0 : i32
    %dma_start3A_70 = arith.constant 0 : i32
    %dma_start3A_71 = tpu.memref_slice %arg8[%dma_start3A_69, %dma_start3A_70] : memref<2x128xi32, #tpu.memory_space<vmem>> -> memref<1x128xi32, #tpu.memory_space<vmem>>
    %dma_start3A_72 = tpu.memref_squeeze %dma_start3A_71 : memref<1x128xi32, #tpu.memory_space<vmem>> -> memref<128xi32, #tpu.memory_space<vmem>>
    %dma_start3A_73 = arith.constant 0 : i32
    %dma_start3A_74 = arith.constant 0 : i32
    %dma_start3A_75 = tpu.memref_slice %arg2[%dma_start3A_73, %dma_start3A_74] : memref<10000x64xi32, #tpu.memory_space<hbm>> -> memref<10000x64xi32, #tpu.memory_space<hbm>>
    tpu.enqueue_indirect_dma source(%dma_start3A_75 : memref<10000x64xi32, #tpu.memory_space<hbm>>) target(%arg11 : memref<128x64xi32, #tpu.memory_space<vmem>>) offsets(%dma_start3A_72 : memref<128xi32, #tpu.memory_space<vmem>>) semaphore(%arg15 : memref<!tpu.dma_semaphore, #tpu.memory_space<semaphore_mem>>)
    %gt3A = arith.constant 1 : i32
    %gt3A_76 = arith.cmpi sgt, %select_n3A, %gt3A : i32
    %convert_element_type3A = arith.extui %gt3A_76 : i1 to i32
    %cond3A = arith.constant 0 : i32
    %cond3A_77 = arith.cmpi ne, %convert_element_type3A, %cond3A : i32
    scf.if %cond3A_77 {
      %add3A_96 = arith.constant 1 : i32
      %add3A_97 = arith.addi %add3A_20, %add3A_96 : i32
      %dma_start3A_98 = arith.constant 1 : i32
      %dma_start3A_99 = arith.constant 0 : i32
      %dma_start3A_100 = tpu.memref_slice %arg8[%dma_start3A_98, %dma_start3A_99] : memref<2x128xi32, #tpu.memory_space<vmem>> -> memref<1x128xi32, #tpu.memory_space<vmem>>
      %dma_start3A_101 = arith.constant 0 : i32
      %dma_start3A_102 = tpu.memref_slice %arg4[%add3A_97, %dma_start3A_101] : memref<2500x128xi32, #tpu.memory_space<hbm>> -> memref<1x128xi32, #tpu.memory_space<hbm>>
      %dma_start3A_103 = arith.constant 1 : i32
      %dma_start3A_104 = arith.constant 0 : i32
      %dma_start3A_105 = tpu.memref_slice %arg8[%dma_start3A_103, %dma_start3A_104] : memref<2x128xi32, #tpu.memory_space<vmem>> -> memref<1x128xi32, #tpu.memory_space<vmem>>
      %dma_start3A_106 = arith.constant 0 : i32
      %dma_start3A_107 = tpu.memref_slice %arg4[%add3A_97, %dma_start3A_106] : memref<2500x128xi32, #tpu.memory_space<hbm>> -> memref<1x128xi32, #tpu.memory_space<hbm>>
      tpu.enqueue_dma source(%dma_start3A_107 : memref<1x128xi32, #tpu.memory_space<hbm>>) target(%dma_start3A_105 : memref<1x128xi32, #tpu.memory_space<vmem>>) target_semaphore(%arg14 : memref<!tpu.dma_semaphore, #tpu.memory_space<semaphore_mem>>)
      %dma_start3A_108 = arith.constant 1 : i32
      %dma_start3A_109 = arith.constant 0 : i32
      %dma_start3A_110 = tpu.memref_slice %arg9[%dma_start3A_108, %dma_start3A_109] : memref<2x128xi32, #tpu.memory_space<vmem>> -> memref<1x128xi32, #tpu.memory_space<vmem>>
      %dma_start3A_111 = arith.constant 0 : i32
      %dma_start3A_112 = tpu.memref_slice %arg5[%add3A_97, %dma_start3A_111] : memref<2500x128xi32, #tpu.memory_space<hbm>> -> memref<1x128xi32, #tpu.memory_space<hbm>>
      %dma_start3A_113 = arith.constant 1 : i32
      %dma_start3A_114 = arith.constant 0 : i32
      %dma_start3A_115 = tpu.memref_slice %arg9[%dma_start3A_113, %dma_start3A_114] : memref<2x128xi32, #tpu.memory_space<vmem>> -> memref<1x128xi32, #tpu.memory_space<vmem>>
      %dma_start3A_116 = arith.constant 0 : i32
      %dma_start3A_117 = tpu.memref_slice %arg5[%add3A_97, %dma_start3A_116] : memref<2500x128xi32, #tpu.memory_space<hbm>> -> memref<1x128xi32, #tpu.memory_space<hbm>>
      tpu.enqueue_dma source(%dma_start3A_117 : memref<1x128xi32, #tpu.memory_space<hbm>>) target(%dma_start3A_115 : memref<1x128xi32, #tpu.memory_space<vmem>>) target_semaphore(%arg14 : memref<!tpu.dma_semaphore, #tpu.memory_space<semaphore_mem>>)
    } else {
    }
    %broadcast_in_dim3A_78 = arith.constant -65536 : i32
    %broadcast_in_dim3A_79 = vector.broadcast %broadcast_in_dim3A_78 : i32 to vector<16xi32>
    %while3A = arith.constant 0 : i32
    %while3A_80 = arith.constant 0 : i32
    %while3A_81 = arith.subi %select_n3A, %while3A : i32
    %while3A_82 = arith.addi %while3A, %while3A_81 : i32
    %while3A_83 = arith.constant 1 : i32
    %while3A_84 = arith.divsi %while3A_81, %while3A_83 : i32
    %while3A_85 = arith.muli %while3A_84, %while3A_83 : i32
    %while3A_86 = arith.addi %while3A, %while3A_85 : i32
    %while3A_87 = arith.constant 1 : i32
    %while3A_88 = scf.for %while3A_96 = %while3A to %while3A_86 step %while3A_87 iter_args(%while3A_97 = %while3A_80) -> (i32)  : i32 {
      %add3A_98 = arith.addi %add3A_20, %while3A_96 : i32
      %rem3A = arith.constant 2 : i32
      %rem3A_99 = arith.remsi %while3A_96, %rem3A : i32
      %dma_wait3A_100 = arith.constant 0 : i32
      %dma_wait3A_101 = arith.constant 0 : i32
      %dma_wait3A_102 = tpu.memref_slice %arg3[%dma_wait3A_100, %dma_wait3A_101] : memref<160000x128xi32, #tpu.memory_space<hbm>> -> memref<64x128xi32, #tpu.memory_space<hbm>>
      %dma_wait3A_103 = arith.constant 0 : i32
      %dma_wait3A_104 = arith.constant 0 : i32
      %dma_wait3A_105 = tpu.memref_slice %arg3[%dma_wait3A_103, %dma_wait3A_104] : memref<160000x128xi32, #tpu.memory_space<hbm>> -> memref<64x128xi32, #tpu.memory_space<hbm>>
      tpu.wait_dma2 semaphore(%arg16 : memref<!tpu.dma_semaphore, #tpu.memory_space<semaphore_mem>>) src(%dma_wait3A_105 : memref<64x128xi32, #tpu.memory_space<hbm>>) dst(%arg10 : memref<64x128xi32, #tpu.memory_space<vmem>>)
      %dma_wait3A_106 = arith.constant 0 : i32
      %dma_wait3A_107 = arith.constant 0 : i32
      %dma_wait3A_108 = tpu.memref_slice %arg8[%dma_wait3A_106, %dma_wait3A_107] : memref<2x128xi32, #tpu.memory_space<vmem>> -> memref<1x128xi32, #tpu.memory_space<vmem>>
      %dma_wait3A_109 = tpu.memref_squeeze %dma_wait3A_108 : memref<1x128xi32, #tpu.memory_space<vmem>> -> memref<128xi32, #tpu.memory_space<vmem>>
      %dma_wait3A_110 = arith.constant 0 : i32
      %dma_wait3A_111 = arith.constant 0 : i32
      %dma_wait3A_112 = tpu.memref_slice %arg2[%dma_wait3A_110, %dma_wait3A_111] : memref<10000x64xi32, #tpu.memory_space<hbm>> -> memref<10000x64xi32, #tpu.memory_space<hbm>>
      tpu.wait_indirect_dma semaphore(%arg15 : memref<!tpu.dma_semaphore, #tpu.memory_space<semaphore_mem>>) src(%dma_wait3A_112 : memref<10000x64xi32, #tpu.memory_space<hbm>>) dst(%arg11 : memref<128x64xi32, #tpu.memory_space<vmem>>)
      %parallel_loop3A_113 = arith.constant 0 : i32
      %parallel_loop3A_114 = arith.constant 64 : i32
      %parallel_loop3A_115 = arith.constant 1 : i32
      scf.for %parallel_loop3A_138 = %parallel_loop3A_113 to %parallel_loop3A_114 step %parallel_loop3A_115  : i32 {
        %parallel_loop3A_139 = arith.index_cast %parallel_loop3A_138 : i32 to index
        %parallel_loop3A_140 = arith.constant 0 : index
        %parallel_loop3A_141 = tpu.vector_load %arg10[%parallel_loop3A_139, %parallel_loop3A_140] {strides = array<i32>} : memref<64x128xi32, #tpu.memory_space<vmem>>, vector<16xi32>,
        %parallel_loop3A_142 = arith.index_cast %parallel_loop3A_138 : i32 to index
        %parallel_loop3A_143 = arith.constant 64 : index
        %parallel_loop3A_144 = tpu.vector_load %arg10[%parallel_loop3A_142, %parallel_loop3A_143] {strides = array<i32>} : memref<64x128xi32, #tpu.memory_space<vmem>>, vector<16xi32>,
        %parallel_loop3A_145 = arith.index_cast %parallel_loop3A_138 : i32 to index
        %parallel_loop3A_146 = arith.constant 0 : index
        %parallel_loop3A_147 = tpu.vector_load %arg11[%parallel_loop3A_145, %parallel_loop3A_146] {strides = array<i32>} : memref<128x64xi32, #tpu.memory_space<vmem>>, vector<16xi32>,
        %parallel_loop3A_148 = arith.constant 64 : i32
        %parallel_loop3A_149 = arith.addi %parallel_loop3A_148, %parallel_loop3A_138 : i32
        %parallel_loop3A_150 = arith.index_cast %parallel_loop3A_149 : i32 to index
        %parallel_loop3A_151 = arith.constant 0 : index
        %parallel_loop3A_152 = tpu.vector_load %arg11[%parallel_loop3A_150, %parallel_loop3A_151] {strides = array<i32>} : memref<128x64xi32, #tpu.memory_space<vmem>>, vector<16xi32>,
        %parallel_loop3A_153 = arith.constant 16 : i32
        %parallel_loop3A_154 = vector.broadcast %parallel_loop3A_153 : i32 to vector<16xi32>
        %parallel_loop3A_155 = arith.shli %parallel_loop3A_147, %parallel_loop3A_154 : vector<16xi32>
        %parallel_loop3A_156 = vector.bitcast %parallel_loop3A_155 : vector<16xi32> to vector<16xf32>
        %parallel_loop3A_157 = arith.andi %parallel_loop3A_147, %broadcast_in_dim3A_79 : vector<16xi32>
        %parallel_loop3A_158 = vector.bitcast %parallel_loop3A_157 : vector<16xi32> to vector<16xf32>
        %parallel_loop3A_159 = arith.constant 16 : i32
        %parallel_loop3A_160 = vector.broadcast %parallel_loop3A_159 : i32 to vector<16xi32>
        %parallel_loop3A_161 = arith.shli %parallel_loop3A_152, %parallel_loop3A_160 : vector<16xi32>
        %parallel_loop3A_162 = vector.bitcast %parallel_loop3A_161 : vector<16xi32> to vector<16xf32>
        %parallel_loop3A_163 = arith.andi %parallel_loop3A_152, %broadcast_in_dim3A_79 : vector<16xi32>
        %parallel_loop3A_164 = vector.bitcast %parallel_loop3A_163 : vector<16xi32> to vector<16xf32>
        %parallel_loop3A_165 = arith.constant 16 : i32
        %parallel_loop3A_166 = vector.broadcast %parallel_loop3A_165 : i32 to vector<16xi32>
        %parallel_loop3A_167 = arith.shli %parallel_loop3A_141, %parallel_loop3A_166 : vector<16xi32>
        %parallel_loop3A_168 = vector.bitcast %parallel_loop3A_167 : vector<16xi32> to vector<16xf32>
        %parallel_loop3A_169 = arith.andi %parallel_loop3A_141, %broadcast_in_dim3A_79 : vector<16xi32>
        %parallel_loop3A_170 = vector.bitcast %parallel_loop3A_169 : vector<16xi32> to vector<16xf32>
        %parallel_loop3A_171 = arith.constant 16 : i32
        %parallel_loop3A_172 = vector.broadcast %parallel_loop3A_171 : i32 to vector<16xi32>
        %parallel_loop3A_173 = arith.shli %parallel_loop3A_144, %parallel_loop3A_172 : vector<16xi32>
        %parallel_loop3A_174 = vector.bitcast %parallel_loop3A_173 : vector<16xi32> to vector<16xf32>
        %parallel_loop3A_175 = arith.andi %parallel_loop3A_144, %broadcast_in_dim3A_79 : vector<16xi32>
        %parallel_loop3A_176 = vector.bitcast %parallel_loop3A_175 : vector<16xi32> to vector<16xf32>
        %parallel_loop3A_177 = arith.addf %parallel_loop3A_168, %parallel_loop3A_156 : vector<16xf32>
        %parallel_loop3A_178 = arith.constant 0.000000e+00 : f32
        %parallel_loop3A_179 = vector.broadcast %parallel_loop3A_178 : f32 to vector<16xf32>
        %parallel_loop3A_180 = arith.maximumf %parallel_loop3A_177, %parallel_loop3A_179 : vector<16xf32>
        %parallel_loop3A_181 = arith.index_cast %parallel_loop3A_138 : i32 to index
        %parallel_loop3A_182 = arith.constant 0 : index
        %parallel_loop3A_183 = tpu.vector_load %arg12[%parallel_loop3A_181, %parallel_loop3A_182] {strides = array<i32>} : memref<128x144xf32, #tpu.memory_space<vmem>>, vector<16xf32>,
        tpu.vector_store %arg12[%parallel_loop3A_181, %parallel_loop3A_182], %parallel_loop3A_180 {strides = array<i32>} : memref<128x144xf32, #tpu.memory_space<vmem>>, vector<16xf32>,
        %parallel_loop3A_184 = arith.addf %parallel_loop3A_174, %parallel_loop3A_158 : vector<16xf32>
        %parallel_loop3A_185 = arith.constant 0.000000e+00 : f32
        %parallel_loop3A_186 = vector.broadcast %parallel_loop3A_185 : f32 to vector<16xf32>
        %parallel_loop3A_187 = arith.maximumf %parallel_loop3A_184, %parallel_loop3A_186 : vector<16xf32>
        %parallel_loop3A_188 = arith.index_cast %parallel_loop3A_138 : i32 to index
        %parallel_loop3A_189 = arith.constant 64 : index
        %parallel_loop3A_190 = tpu.vector_load %arg12[%parallel_loop3A_188, %parallel_loop3A_189] {strides = array<i32>} : memref<128x144xf32, #tpu.memory_space<vmem>>, vector<16xf32>,
        tpu.vector_store %arg12[%parallel_loop3A_188, %parallel_loop3A_189], %parallel_loop3A_187 {strides = array<i32>} : memref<128x144xf32, #tpu.memory_space<vmem>>, vector<16xf32>,
        %parallel_loop3A_191 = arith.addf %parallel_loop3A_170, %parallel_loop3A_162 : vector<16xf32>
        %parallel_loop3A_192 = arith.constant 0.000000e+00 : f32
        %parallel_loop3A_193 = vector.broadcast %parallel_loop3A_192 : f32 to vector<16xf32>
        %parallel_loop3A_194 = arith.maximumf %parallel_loop3A_191, %parallel_loop3A_193 : vector<16xf32>
        %parallel_loop3A_195 = arith.constant 64 : i32
        %parallel_loop3A_196 = arith.addi %parallel_loop3A_195, %parallel_loop3A_138 : i32
        %parallel_loop3A_197 = arith.index_cast %parallel_loop3A_196 : i32 to index
        %parallel_loop3A_198 = arith.constant 0 : index
        %parallel_loop3A_199 = tpu.vector_load %arg12[%parallel_loop3A_197, %parallel_loop3A_198] {strides = array<i32>} : memref<128x144xf32, #tpu.memory_space<vmem>>, vector<16xf32>,
        tpu.vector_store %arg12[%parallel_loop3A_197, %parallel_loop3A_198], %parallel_loop3A_194 {strides = array<i32>} : memref<128x144xf32, #tpu.memory_space<vmem>>, vector<16xf32>,
        %parallel_loop3A_200 = arith.addf %parallel_loop3A_176, %parallel_loop3A_164 : vector<16xf32>
        %parallel_loop3A_201 = arith.constant 0.000000e+00 : f32
        %parallel_loop3A_202 = vector.broadcast %parallel_loop3A_201 : f32 to vector<16xf32>
        %parallel_loop3A_203 = arith.maximumf %parallel_loop3A_200, %parallel_loop3A_202 : vector<16xf32>
        %parallel_loop3A_204 = arith.constant 64 : i32
        %parallel_loop3A_205 = arith.addi %parallel_loop3A_204, %parallel_loop3A_138 : i32
        %parallel_loop3A_206 = arith.index_cast %parallel_loop3A_205 : i32 to index
        %parallel_loop3A_207 = arith.constant 64 : index
        %parallel_loop3A_208 = tpu.vector_load %arg12[%parallel_loop3A_206, %parallel_loop3A_207] {strides = array<i32>} : memref<128x144xf32, #tpu.memory_space<vmem>>, vector<16xf32>,
        tpu.vector_store %arg12[%parallel_loop3A_206, %parallel_loop3A_207], %parallel_loop3A_203 {strides = array<i32>} : memref<128x144xf32, #tpu.memory_space<vmem>>, vector<16xf32>,
        %parallel_loop3A_209 = arith.index_cast %parallel_loop3A_138 : i32 to index
        %parallel_loop3A_210 = arith.constant 16 : index
        %parallel_loop3A_211 = tpu.vector_load %arg10[%parallel_loop3A_209, %parallel_loop3A_210] {strides = array<i32>} : memref<64x128xi32, #tpu.memory_space<vmem>>, vector<16xi32>,
        %parallel_loop3A_212 = arith.index_cast %parallel_loop3A_138 : i32 to index
        %parallel_loop3A_213 = arith.constant 80 : index
        %parallel_loop3A_214 = tpu.vector_load %arg10[%parallel_loop3A_212, %parallel_loop3A_213] {strides = array<i32>} : memref<64x128xi32, #tpu.memory_space<vmem>>, vector<16xi32>,
        %parallel_loop3A_215 = arith.index_cast %parallel_loop3A_138 : i32 to index
        %parallel_loop3A_216 = arith.constant 16 : index
        %parallel_loop3A_217 = tpu.vector_load %arg11[%parallel_loop3A_215, %parallel_loop3A_216] {strides = array<i32>} : memref<128x64xi32, #tpu.memory_space<vmem>>, vector<16xi32>,
        %parallel_loop3A_218 = arith.constant 64 : i32
        %parallel_loop3A_219 = arith.addi %parallel_loop3A_218, %parallel_loop3A_138 : i32
        %parallel_loop3A_220 = arith.index_cast %parallel_loop3A_219 : i32 to index
        %parallel_loop3A_221 = arith.constant 16 : index
        %parallel_loop3A_222 = tpu.vector_load %arg11[%parallel_loop3A_220, %parallel_loop3A_221] {strides = array<i32>} : memref<128x64xi32, #tpu.memory_space<vmem>>, vector<16xi32>,
        %parallel_loop3A_223 = arith.constant 16 : i32
        %parallel_loop3A_224 = vector.broadcast %parallel_loop3A_223 : i32 to vector<16xi32>
        %parallel_loop3A_225 = arith.shli %parallel_loop3A_217, %parallel_loop3A_224 : vector<16xi32>
        %parallel_loop3A_226 = vector.bitcast %parallel_loop3A_225 : vector<16xi32> to vector<16xf32>
        %parallel_loop3A_227 = arith.andi %parallel_loop3A_217, %broadcast_in_dim3A_79 : vector<16xi32>
        %parallel_loop3A_228 = vector.bitcast %parallel_loop3A_227 : vector<16xi32> to vector<16xf32>
        %parallel_loop3A_229 = arith.constant 16 : i32
        %parallel_loop3A_230 = vector.broadcast %parallel_loop3A_229 : i32 to vector<16xi32>
        %parallel_loop3A_231 = arith.shli %parallel_loop3A_222, %parallel_loop3A_230 : vector<16xi32>
        %parallel_loop3A_232 = vector.bitcast %parallel_loop3A_231 : vector<16xi32> to vector<16xf32>
        %parallel_loop3A_233 = arith.andi %parallel_loop3A_222, %broadcast_in_dim3A_79 : vector<16xi32>
        %parallel_loop3A_234 = vector.bitcast %parallel_loop3A_233 : vector<16xi32> to vector<16xf32>
        %parallel_loop3A_235 = arith.constant 16 : i32
        %parallel_loop3A_236 = vector.broadcast %parallel_loop3A_235 : i32 to vector<16xi32>
        %parallel_loop3A_237 = arith.shli %parallel_loop3A_211, %parallel_loop3A_236 : vector<16xi32>
        %parallel_loop3A_238 = vector.bitcast %parallel_loop3A_237 : vector<16xi32> to vector<16xf32>
        %parallel_loop3A_239 = arith.andi %parallel_loop3A_211, %broadcast_in_dim3A_79 : vector<16xi32>
        %parallel_loop3A_240 = vector.bitcast %parallel_loop3A_239 : vector<16xi32> to vector<16xf32>
        %parallel_loop3A_241 = arith.constant 16 : i32
        %parallel_loop3A_242 = vector.broadcast %parallel_loop3A_241 : i32 to vector<16xi32>
        %parallel_loop3A_243 = arith.shli %parallel_loop3A_214, %parallel_loop3A_242 : vector<16xi32>
        %parallel_loop3A_244 = vector.bitcast %parallel_loop3A_243 : vector<16xi32> to vector<16xf32>
        %parallel_loop3A_245 = arith.andi %parallel_loop3A_214, %broadcast_in_dim3A_79 : vector<16xi32>
        %parallel_loop3A_246 = vector.bitcast %parallel_loop3A_245 : vector<16xi32> to vector<16xf32>
        %parallel_loop3A_247 = arith.addf %parallel_loop3A_238, %parallel_loop3A_226 : vector<16xf32>
        %parallel_loop3A_248 = arith.constant 0.000000e+00 : f32
        %parallel_loop3A_249 = vector.broadcast %parallel_loop3A_248 : f32 to vector<16xf32>
        %parallel_loop3A_250 = arith.maximumf %parallel_loop3A_247, %parallel_loop3A_249 : vector<16xf32>
        %parallel_loop3A_251 = arith.index_cast %parallel_loop3A_138 : i32 to index
        %parallel_loop3A_252 = arith.constant 16 : index
        %parallel_loop3A_253 = tpu.vector_load %arg12[%parallel_loop3A_251, %parallel_loop3A_252] {strides = array<i32>} : memref<128x144xf32, #tpu.memory_space<vmem>>, vector<16xf32>,
        tpu.vector_store %arg12[%parallel_loop3A_251, %parallel_loop3A_252], %parallel_loop3A_250 {strides = array<i32>} : memref<128x144xf32, #tpu.memory_space<vmem>>, vector<16xf32>,
        %parallel_loop3A_254 = arith.addf %parallel_loop3A_244, %parallel_loop3A_228 : vector<16xf32>
        %parallel_loop3A_255 = arith.constant 0.000000e+00 : f32
        %parallel_loop3A_256 = vector.broadcast %parallel_loop3A_255 : f32 to vector<16xf32>
        %parallel_loop3A_257 = arith.maximumf %parallel_loop3A_254, %parallel_loop3A_256 : vector<16xf32>
        %parallel_loop3A_258 = arith.index_cast %parallel_loop3A_138 : i32 to index
        %parallel_loop3A_259 = arith.constant 80 : index
        %parallel_loop3A_260 = tpu.vector_load %arg12[%parallel_loop3A_258, %parallel_loop3A_259] {strides = array<i32>} : memref<128x144xf32, #tpu.memory_space<vmem>>, vector<16xf32>,
        tpu.vector_store %arg12[%parallel_loop3A_258, %parallel_loop3A_259], %parallel_loop3A_257 {strides = array<i32>} : memref<128x144xf32, #tpu.memory_space<vmem>>, vector<16xf32>,
        %parallel_loop3A_261 = arith.addf %parallel_loop3A_240, %parallel_loop3A_232 : vector<16xf32>
        %parallel_loop3A_262 = arith.constant 0.000000e+00 : f32
        %parallel_loop3A_263 = vector.broadcast %parallel_loop3A_262 : f32 to vector<16xf32>
        %parallel_loop3A_264 = arith.maximumf %parallel_loop3A_261, %parallel_loop3A_263 : vector<16xf32>
        %parallel_loop3A_265 = arith.constant 64 : i32
        %parallel_loop3A_266 = arith.addi %parallel_loop3A_265, %parallel_loop3A_138 : i32
        %parallel_loop3A_267 = arith.index_cast %parallel_loop3A_266 : i32 to index
        %parallel_loop3A_268 = arith.constant 16 : index
        %parallel_loop3A_269 = tpu.vector_load %arg12[%parallel_loop3A_267, %parallel_loop3A_268] {strides = array<i32>} : memref<128x144xf32, #tpu.memory_space<vmem>>, vector<16xf32>,
        tpu.vector_store %arg12[%parallel_loop3A_267, %parallel_loop3A_268], %parallel_loop3A_264 {strides = array<i32>} : memref<128x144xf32, #tpu.memory_space<vmem>>, vector<16xf32>,
        %parallel_loop3A_270 = arith.addf %parallel_loop3A_246, %parallel_loop3A_234 : vector<16xf32>
        %parallel_loop3A_271 = arith.constant 0.000000e+00 : f32
        %parallel_loop3A_272 = vector.broadcast %parallel_loop3A_271 : f32 to vector<16xf32>
        %parallel_loop3A_273 = arith.maximumf %parallel_loop3A_270, %parallel_loop3A_272 : vector<16xf32>
        %parallel_loop3A_274 = arith.constant 64 : i32
        %parallel_loop3A_275 = arith.addi %parallel_loop3A_274, %parallel_loop3A_138 : i32
        %parallel_loop3A_276 = arith.index_cast %parallel_loop3A_275 : i32 to index
        %parallel_loop3A_277 = arith.constant 80 : index
        %parallel_loop3A_278 = tpu.vector_load %arg12[%parallel_loop3A_276, %parallel_loop3A_277] {strides = array<i32>} : memref<128x144xf32, #tpu.memory_space<vmem>>, vector<16xf32>,
        tpu.vector_store %arg12[%parallel_loop3A_276, %parallel_loop3A_277], %parallel_loop3A_273 {strides = array<i32>} : memref<128x144xf32, #tpu.memory_space<vmem>>, vector<16xf32>,
        %parallel_loop3A_279 = arith.index_cast %parallel_loop3A_138 : i32 to index
        %parallel_loop3A_280 = arith.constant 32 : index
        %parallel_loop3A_281 = tpu.vector_load %arg10[%parallel_loop3A_279, %parallel_loop3A_280] {strides = array<i32>} : memref<64x128xi32, #tpu.memory_space<vmem>>, vector<16xi32>,
        %parallel_loop3A_282 = arith.index_cast %parallel_loop3A_138 : i32 to index
        %parallel_loop3A_283 = arith.constant 96 : index
        %parallel_loop3A_284 = tpu.vector_load %arg10[%parallel_loop3A_282, %parallel_loop3A_283] {strides = array<i32>} : memref<64x128xi32, #tpu.memory_space<vmem>>, vector<16xi32>,
        %parallel_loop3A_285 = arith.index_cast %parallel_loop3A_138 : i32 to index
        %parallel_loop3A_286 = arith.constant 32 : index
        %parallel_loop3A_287 = tpu.vector_load %arg11[%parallel_loop3A_285, %parallel_loop3A_286] {strides = array<i32>} : memref<128x64xi32, #tpu.memory_space<vmem>>, vector<16xi32>,
        %parallel_loop3A_288 = arith.constant 64 : i32
        %parallel_loop3A_289 = arith.addi %parallel_loop3A_288, %parallel_loop3A_138 : i32
        %parallel_loop3A_290 = arith.index_cast %parallel_loop3A_289 : i32 to index
        %parallel_loop3A_291 = arith.constant 32 : index
        %parallel_loop3A_292 = tpu.vector_load %arg11[%parallel_loop3A_290, %parallel_loop3A_291] {strides = array<i32>} : memref<128x64xi32, #tpu.memory_space<vmem>>, vector<16xi32>,
        %parallel_loop3A_293 = arith.constant 16 : i32
        %parallel_loop3A_294 = vector.broadcast %parallel_loop3A_293 : i32 to vector<16xi32>
        %parallel_loop3A_295 = arith.shli %parallel_loop3A_287, %parallel_loop3A_294 : vector<16xi32>
        %parallel_loop3A_296 = vector.bitcast %parallel_loop3A_295 : vector<16xi32> to vector<16xf32>
        %parallel_loop3A_297 = arith.andi %parallel_loop3A_287, %broadcast_in_dim3A_79 : vector<16xi32>
        %parallel_loop3A_298 = vector.bitcast %parallel_loop3A_297 : vector<16xi32> to vector<16xf32>
        %parallel_loop3A_299 = arith.constant 16 : i32
        %parallel_loop3A_300 = vector.broadcast %parallel_loop3A_299 : i32 to vector<16xi32>
        %parallel_loop3A_301 = arith.shli %parallel_loop3A_292, %parallel_loop3A_300 : vector<16xi32>
        %parallel_loop3A_302 = vector.bitcast %parallel_loop3A_301 : vector<16xi32> to vector<16xf32>
        %parallel_loop3A_303 = arith.andi %parallel_loop3A_292, %broadcast_in_dim3A_79 : vector<16xi32>
        %parallel_loop3A_304 = vector.bitcast %parallel_loop3A_303 : vector<16xi32> to vector<16xf32>
        %parallel_loop3A_305 = arith.constant 16 : i32
        %parallel_loop3A_306 = vector.broadcast %parallel_loop3A_305 : i32 to vector<16xi32>
        %parallel_loop3A_307 = arith.shli %parallel_loop3A_281, %parallel_loop3A_306 : vector<16xi32>
        %parallel_loop3A_308 = vector.bitcast %parallel_loop3A_307 : vector<16xi32> to vector<16xf32>
        %parallel_loop3A_309 = arith.andi %parallel_loop3A_281, %broadcast_in_dim3A_79 : vector<16xi32>
        %parallel_loop3A_310 = vector.bitcast %parallel_loop3A_309 : vector<16xi32> to vector<16xf32>
        %parallel_loop3A_311 = arith.constant 16 : i32
        %parallel_loop3A_312 = vector.broadcast %parallel_loop3A_311 : i32 to vector<16xi32>
        %parallel_loop3A_313 = arith.shli %parallel_loop3A_284, %parallel_loop3A_312 : vector<16xi32>
        %parallel_loop3A_314 = vector.bitcast %parallel_loop3A_313 : vector<16xi32> to vector<16xf32>
        %parallel_loop3A_315 = arith.andi %parallel_loop3A_284, %broadcast_in_dim3A_79 : vector<16xi32>
        %parallel_loop3A_316 = vector.bitcast %parallel_loop3A_315 : vector<16xi32> to vector<16xf32>
        %parallel_loop3A_317 = arith.addf %parallel_loop3A_308, %parallel_loop3A_296 : vector<16xf32>
        %parallel_loop3A_318 = arith.constant 0.000000e+00 : f32
        %parallel_loop3A_319 = vector.broadcast %parallel_loop3A_318 : f32 to vector<16xf32>
        %parallel_loop3A_320 = arith.maximumf %parallel_loop3A_317, %parallel_loop3A_319 : vector<16xf32>
        %parallel_loop3A_321 = arith.index_cast %parallel_loop3A_138 : i32 to index
        %parallel_loop3A_322 = arith.constant 32 : index
        %parallel_loop3A_323 = tpu.vector_load %arg12[%parallel_loop3A_321, %parallel_loop3A_322] {strides = array<i32>} : memref<128x144xf32, #tpu.memory_space<vmem>>, vector<16xf32>,
        tpu.vector_store %arg12[%parallel_loop3A_321, %parallel_loop3A_322], %parallel_loop3A_320 {strides = array<i32>} : memref<128x144xf32, #tpu.memory_space<vmem>>, vector<16xf32>,
        %parallel_loop3A_324 = arith.addf %parallel_loop3A_314, %parallel_loop3A_298 : vector<16xf32>
        %parallel_loop3A_325 = arith.constant 0.000000e+00 : f32
        %parallel_loop3A_326 = vector.broadcast %parallel_loop3A_325 : f32 to vector<16xf32>
        %parallel_loop3A_327 = arith.maximumf %parallel_loop3A_324, %parallel_loop3A_326 : vector<16xf32>
        %parallel_loop3A_328 = arith.index_cast %parallel_loop3A_138 : i32 to index
        %parallel_loop3A_329 = arith.constant 96 : index
        %parallel_loop3A_330 = tpu.vector_load %arg12[%parallel_loop3A_328, %parallel_loop3A_329] {strides = array<i32>} : memref<128x144xf32, #tpu.memory_space<vmem>>, vector<16xf32>,
        tpu.vector_store %arg12[%parallel_loop3A_328, %parallel_loop3A_329], %parallel_loop3A_327 {strides = array<i32>} : memref<128x144xf32, #tpu.memory_space<vmem>>, vector<16xf32>,
        %parallel_loop3A_331 = arith.addf %parallel_loop3A_310, %parallel_loop3A_302 : vector<16xf32>
        %parallel_loop3A_332 = arith.constant 0.000000e+00 : f32
        %parallel_loop3A_333 = vector.broadcast %parallel_loop3A_332 : f32 to vector<16xf32>
        %parallel_loop3A_334 = arith.maximumf %parallel_loop3A_331, %parallel_loop3A_333 : vector<16xf32>
        %parallel_loop3A_335 = arith.constant 64 : i32
        %parallel_loop3A_336 = arith.addi %parallel_loop3A_335, %parallel_loop3A_138 : i32
        %parallel_loop3A_337 = arith.index_cast %parallel_loop3A_336 : i32 to index
        %parallel_loop3A_338 = arith.constant 32 : index
        %parallel_loop3A_339 = tpu.vector_load %arg12[%parallel_loop3A_337, %parallel_loop3A_338] {strides = array<i32>} : memref<128x144xf32, #tpu.memory_space<vmem>>, vector<16xf32>,
        tpu.vector_store %arg12[%parallel_loop3A_337, %parallel_loop3A_338], %parallel_loop3A_334 {strides = array<i32>} : memref<128x144xf32, #tpu.memory_space<vmem>>, vector<16xf32>,
        %parallel_loop3A_340 = arith.addf %parallel_loop3A_316, %parallel_loop3A_304 : vector<16xf32>
        %parallel_loop3A_341 = arith.constant 0.000000e+00 : f32
        %parallel_loop3A_342 = vector.broadcast %parallel_loop3A_341 : f32 to vector<16xf32>
        %parallel_loop3A_343 = arith.maximumf %parallel_loop3A_340, %parallel_loop3A_342 : vector<16xf32>
        %parallel_loop3A_344 = arith.constant 64 : i32
        %parallel_loop3A_345 = arith.addi %parallel_loop3A_344, %parallel_loop3A_138 : i32
        %parallel_loop3A_346 = arith.index_cast %parallel_loop3A_345 : i32 to index
        %parallel_loop3A_347 = arith.constant 96 : index
        %parallel_loop3A_348 = tpu.vector_load %arg12[%parallel_loop3A_346, %parallel_loop3A_347] {strides = array<i32>} : memref<128x144xf32, #tpu.memory_space<vmem>>, vector<16xf32>,
        tpu.vector_store %arg12[%parallel_loop3A_346, %parallel_loop3A_347], %parallel_loop3A_343 {strides = array<i32>} : memref<128x144xf32, #tpu.memory_space<vmem>>, vector<16xf32>,
        %parallel_loop3A_349 = arith.index_cast %parallel_loop3A_138 : i32 to index
        %parallel_loop3A_350 = arith.constant 48 : index
        %parallel_loop3A_351 = tpu.vector_load %arg10[%parallel_loop3A_349, %parallel_loop3A_350] {strides = array<i32>} : memref<64x128xi32, #tpu.memory_space<vmem>>, vector<16xi32>,
        %parallel_loop3A_352 = arith.index_cast %parallel_loop3A_138 : i32 to index
        %parallel_loop3A_353 = arith.constant 112 : index
        %parallel_loop3A_354 = tpu.vector_load %arg10[%parallel_loop3A_352, %parallel_loop3A_353] {strides = array<i32>} : memref<64x128xi32, #tpu.memory_space<vmem>>, vector<16xi32>,
        %parallel_loop3A_355 = arith.index_cast %parallel_loop3A_138 : i32 to index
        %parallel_loop3A_356 = arith.constant 48 : index
        %parallel_loop3A_357 = tpu.vector_load %arg11[%parallel_loop3A_355, %parallel_loop3A_356] {strides = array<i32>} : memref<128x64xi32, #tpu.memory_space<vmem>>, vector<16xi32>,
        %parallel_loop3A_358 = arith.constant 64 : i32
        %parallel_loop3A_359 = arith.addi %parallel_loop3A_358, %parallel_loop3A_138 : i32
        %parallel_loop3A_360 = arith.index_cast %parallel_loop3A_359 : i32 to index
        %parallel_loop3A_361 = arith.constant 48 : index
        %parallel_loop3A_362 = tpu.vector_load %arg11[%parallel_loop3A_360, %parallel_loop3A_361] {strides = array<i32>} : memref<128x64xi32, #tpu.memory_space<vmem>>, vector<16xi32>,
        %parallel_loop3A_363 = arith.constant 16 : i32
        %parallel_loop3A_364 = vector.broadcast %parallel_loop3A_363 : i32 to vector<16xi32>
        %parallel_loop3A_365 = arith.shli %parallel_loop3A_357, %parallel_loop3A_364 : vector<16xi32>
        %parallel_loop3A_366 = vector.bitcast %parallel_loop3A_365 : vector<16xi32> to vector<16xf32>
        %parallel_loop3A_367 = arith.andi %parallel_loop3A_357, %broadcast_in_dim3A_79 : vector<16xi32>
        %parallel_loop3A_368 = vector.bitcast %parallel_loop3A_367 : vector<16xi32> to vector<16xf32>
        %parallel_loop3A_369 = arith.constant 16 : i32
        %parallel_loop3A_370 = vector.broadcast %parallel_loop3A_369 : i32 to vector<16xi32>
        %parallel_loop3A_371 = arith.shli %parallel_loop3A_362, %parallel_loop3A_370 : vector<16xi32>
        %parallel_loop3A_372 = vector.bitcast %parallel_loop3A_371 : vector<16xi32> to vector<16xf32>
        %parallel_loop3A_373 = arith.andi %parallel_loop3A_362, %broadcast_in_dim3A_79 : vector<16xi32>
        %parallel_loop3A_374 = vector.bitcast %parallel_loop3A_373 : vector<16xi32> to vector<16xf32>
        %parallel_loop3A_375 = arith.constant 16 : i32
        %parallel_loop3A_376 = vector.broadcast %parallel_loop3A_375 : i32 to vector<16xi32>
        %parallel_loop3A_377 = arith.shli %parallel_loop3A_351, %parallel_loop3A_376 : vector<16xi32>
        %parallel_loop3A_378 = vector.bitcast %parallel_loop3A_377 : vector<16xi32> to vector<16xf32>
        %parallel_loop3A_379 = arith.andi %parallel_loop3A_351, %broadcast_in_dim3A_79 : vector<16xi32>
        %parallel_loop3A_380 = vector.bitcast %parallel_loop3A_379 : vector<16xi32> to vector<16xf32>
        %parallel_loop3A_381 = arith.constant 16 : i32
        %parallel_loop3A_382 = vector.broadcast %parallel_loop3A_381 : i32 to vector<16xi32>
        %parallel_loop3A_383 = arith.shli %parallel_loop3A_354, %parallel_loop3A_382 : vector<16xi32>
        %parallel_loop3A_384 = vector.bitcast %parallel_loop3A_383 : vector<16xi32> to vector<16xf32>
        %parallel_loop3A_385 = arith.andi %parallel_loop3A_354, %broadcast_in_dim3A_79 : vector<16xi32>
        %parallel_loop3A_386 = vector.bitcast %parallel_loop3A_385 : vector<16xi32> to vector<16xf32>
        %parallel_loop3A_387 = arith.addf %parallel_loop3A_378, %parallel_loop3A_366 : vector<16xf32>
        %parallel_loop3A_388 = arith.constant 0.000000e+00 : f32
        %parallel_loop3A_389 = vector.broadcast %parallel_loop3A_388 : f32 to vector<16xf32>
        %parallel_loop3A_390 = arith.maximumf %parallel_loop3A_387, %parallel_loop3A_389 : vector<16xf32>
        %parallel_loop3A_391 = arith.index_cast %parallel_loop3A_138 : i32 to index
        %parallel_loop3A_392 = arith.constant 48 : index
        %parallel_loop3A_393 = tpu.vector_load %arg12[%parallel_loop3A_391, %parallel_loop3A_392] {strides = array<i32>} : memref<128x144xf32, #tpu.memory_space<vmem>>, vector<16xf32>,
        tpu.vector_store %arg12[%parallel_loop3A_391, %parallel_loop3A_392], %parallel_loop3A_390 {strides = array<i32>} : memref<128x144xf32, #tpu.memory_space<vmem>>, vector<16xf32>,
        %parallel_loop3A_394 = arith.addf %parallel_loop3A_384, %parallel_loop3A_368 : vector<16xf32>
        %parallel_loop3A_395 = arith.constant 0.000000e+00 : f32
        %parallel_loop3A_396 = vector.broadcast %parallel_loop3A_395 : f32 to vector<16xf32>
        %parallel_loop3A_397 = arith.maximumf %parallel_loop3A_394, %parallel_loop3A_396 : vector<16xf32>
        %parallel_loop3A_398 = arith.index_cast %parallel_loop3A_138 : i32 to index
        %parallel_loop3A_399 = arith.constant 112 : index
        %parallel_loop3A_400 = tpu.vector_load %arg12[%parallel_loop3A_398, %parallel_loop3A_399] {strides = array<i32>} : memref<128x144xf32, #tpu.memory_space<vmem>>, vector<16xf32>,
        tpu.vector_store %arg12[%parallel_loop3A_398, %parallel_loop3A_399], %parallel_loop3A_397 {strides = array<i32>} : memref<128x144xf32, #tpu.memory_space<vmem>>, vector<16xf32>,
        %parallel_loop3A_401 = arith.addf %parallel_loop3A_380, %parallel_loop3A_372 : vector<16xf32>
        %parallel_loop3A_402 = arith.constant 0.000000e+00 : f32
        %parallel_loop3A_403 = vector.broadcast %parallel_loop3A_402 : f32 to vector<16xf32>
        %parallel_loop3A_404 = arith.maximumf %parallel_loop3A_401, %parallel_loop3A_403 : vector<16xf32>
        %parallel_loop3A_405 = arith.constant 64 : i32
        %parallel_loop3A_406 = arith.addi %parallel_loop3A_405, %parallel_loop3A_138 : i32
        %parallel_loop3A_407 = arith.index_cast %parallel_loop3A_406 : i32 to index
        %parallel_loop3A_408 = arith.constant 48 : index
        %parallel_loop3A_409 = tpu.vector_load %arg12[%parallel_loop3A_407, %parallel_loop3A_408] {strides = array<i32>} : memref<128x144xf32, #tpu.memory_space<vmem>>, vector<16xf32>,
        tpu.vector_store %arg12[%parallel_loop3A_407, %parallel_loop3A_408], %parallel_loop3A_404 {strides = array<i32>} : memref<128x144xf32, #tpu.memory_space<vmem>>, vector<16xf32>,
        %parallel_loop3A_410 = arith.addf %parallel_loop3A_386, %parallel_loop3A_374 : vector<16xf32>
        %parallel_loop3A_411 = arith.constant 0.000000e+00 : f32
        %parallel_loop3A_412 = vector.broadcast %parallel_loop3A_411 : f32 to vector<16xf32>
        %parallel_loop3A_413 = arith.maximumf %parallel_loop3A_410, %parallel_loop3A_412 : vector<16xf32>
        %parallel_loop3A_414 = arith.constant 64 : i32
        %parallel_loop3A_415 = arith.addi %parallel_loop3A_414, %parallel_loop3A_138 : i32
        %parallel_loop3A_416 = arith.index_cast %parallel_loop3A_415 : i32 to index
        %parallel_loop3A_417 = arith.constant 112 : index
        %parallel_loop3A_418 = tpu.vector_load %arg12[%parallel_loop3A_416, %parallel_loop3A_417] {strides = array<i32>} : memref<128x144xf32, #tpu.memory_space<vmem>>, vector<16xf32>,
        tpu.vector_store %arg12[%parallel_loop3A_416, %parallel_loop3A_417], %parallel_loop3A_413 {strides = array<i32>} : memref<128x144xf32, #tpu.memory_space<vmem>>, vector<16xf32>,
      } {sc.loop_unroll_factor = 4 : i64, sc.parallel_access}
      %add3A_116 = arith.constant 1 : i32
      %add3A_117 = arith.addi %while3A_96, %add3A_116 : i32
      %lt3A_118 = arith.cmpi slt, %add3A_117, %select_n3A : i32
      %convert_element_type3A_119 = arith.extui %lt3A_118 : i1 to i32
      %cond3A_120 = arith.constant 0 : i32
      %cond3A_121 = arith.cmpi ne, %convert_element_type3A_119, %cond3A_120 : i32
      scf.if %cond3A_121 {
        %eq3A_138 = arith.constant 0 : i32
        %eq3A_139 = arith.cmpi eq, %rem3A_99, %eq3A_138 : i32
        %convert_element_type3A_140 = arith.extui %eq3A_139 : i1 to i32
        %cond3A_141 = arith.constant 0 : i32
        %cond3A_142 = arith.cmpi ne, %convert_element_type3A_140, %cond3A_141 : i32
        scf.if %cond3A_142 {
          %dma_wait3A_148 = arith.constant 1 : i32
          %dma_wait3A_149 = arith.constant 0 : i32
          %dma_wait3A_150 = tpu.memref_slice %arg8[%dma_wait3A_148, %dma_wait3A_149] : memref<2x128xi32, #tpu.memory_space<vmem>> -> memref<1x128xi32, #tpu.memory_space<vmem>>
          %dma_wait3A_151 = arith.constant 0 : i32
          %dma_wait3A_152 = arith.constant 0 : i32
          %dma_wait3A_153 = tpu.memref_slice %arg4[%dma_wait3A_151, %dma_wait3A_152] : memref<2500x128xi32, #tpu.memory_space<hbm>> -> memref<1x128xi32, #tpu.memory_space<hbm>>
          %dma_wait3A_154 = arith.constant 1 : i32
          %dma_wait3A_155 = arith.constant 0 : i32
          %dma_wait3A_156 = tpu.memref_slice %arg8[%dma_wait3A_154, %dma_wait3A_155] : memref<2x128xi32, #tpu.memory_space<vmem>> -> memref<1x128xi32, #tpu.memory_space<vmem>>
          %dma_wait3A_157 = arith.constant 0 : i32
          %dma_wait3A_158 = arith.constant 0 : i32
          %dma_wait3A_159 = tpu.memref_slice %arg4[%dma_wait3A_157, %dma_wait3A_158] : memref<2500x128xi32, #tpu.memory_space<hbm>> -> memref<1x128xi32, #tpu.memory_space<hbm>>
          tpu.wait_dma2 semaphore(%arg14 : memref<!tpu.dma_semaphore, #tpu.memory_space<semaphore_mem>>) src(%dma_wait3A_159 : memref<1x128xi32, #tpu.memory_space<hbm>>) dst(%dma_wait3A_156 : memref<1x128xi32, #tpu.memory_space<vmem>>)
          %dma_wait3A_160 = arith.constant 1 : i32
          %dma_wait3A_161 = arith.constant 0 : i32
          %dma_wait3A_162 = tpu.memref_slice %arg9[%dma_wait3A_160, %dma_wait3A_161] : memref<2x128xi32, #tpu.memory_space<vmem>> -> memref<1x128xi32, #tpu.memory_space<vmem>>
          %dma_wait3A_163 = arith.constant 0 : i32
          %dma_wait3A_164 = arith.constant 0 : i32
          %dma_wait3A_165 = tpu.memref_slice %arg5[%dma_wait3A_163, %dma_wait3A_164] : memref<2500x128xi32, #tpu.memory_space<hbm>> -> memref<1x128xi32, #tpu.memory_space<hbm>>
          %dma_wait3A_166 = arith.constant 1 : i32
          %dma_wait3A_167 = arith.constant 0 : i32
          %dma_wait3A_168 = tpu.memref_slice %arg9[%dma_wait3A_166, %dma_wait3A_167] : memref<2x128xi32, #tpu.memory_space<vmem>> -> memref<1x128xi32, #tpu.memory_space<vmem>>
          %dma_wait3A_169 = arith.constant 0 : i32
          %dma_wait3A_170 = arith.constant 0 : i32
          %dma_wait3A_171 = tpu.memref_slice %arg5[%dma_wait3A_169, %dma_wait3A_170] : memref<2500x128xi32, #tpu.memory_space<hbm>> -> memref<1x128xi32, #tpu.memory_space<hbm>>
          tpu.wait_dma2 semaphore(%arg14 : memref<!tpu.dma_semaphore, #tpu.memory_space<semaphore_mem>>) src(%dma_wait3A_171 : memref<1x128xi32, #tpu.memory_space<hbm>>) dst(%dma_wait3A_168 : memref<1x128xi32, #tpu.memory_space<vmem>>)
          %add3A_172 = arith.constant 1 : i32
          %add3A_173 = arith.addi %add3A_98, %add3A_172 : i32
          %mul3A_174 = arith.constant 64 : i32
          %mul3A_175 = arith.muli %add3A_173, %mul3A_174 : i32
          %dma_start3A_176 = arith.constant 0 : i32
          %dma_start3A_177 = tpu.memref_slice %arg3[%mul3A_175, %dma_start3A_176] : memref<160000x128xi32, #tpu.memory_space<hbm>> -> memref<64x128xi32, #tpu.memory_space<hbm>>
          %dma_start3A_178 = arith.constant 0 : i32
          %dma_start3A_179 = tpu.memref_slice %arg3[%mul3A_175, %dma_start3A_178] : memref<160000x128xi32, #tpu.memory_space<hbm>> -> memref<64x128xi32, #tpu.memory_space<hbm>>
          tpu.enqueue_dma source(%dma_start3A_179 : memref<64x128xi32, #tpu.memory_space<hbm>>) target(%arg10 : memref<64x128xi32, #tpu.memory_space<vmem>>) target_semaphore(%arg16 : memref<!tpu.dma_semaphore, #tpu.memory_space<semaphore_mem>>)
          %dma_start3A_180 = arith.constant 1 : i32
          %dma_start3A_181 = arith.constant 0 : i32
          %dma_start3A_182 = tpu.memref_slice %arg8[%dma_start3A_180, %dma_start3A_181] : memref<2x128xi32, #tpu.memory_space<vmem>> -> memref<1x128xi32, #tpu.memory_space<vmem>>
          %dma_start3A_183 = tpu.memref_squeeze %dma_start3A_182 : memref<1x128xi32, #tpu.memory_space<vmem>> -> memref<128xi32, #tpu.memory_space<vmem>>
          %dma_start3A_184 = arith.constant 0 : i32
          %dma_start3A_185 = arith.constant 0 : i32
          %dma_start3A_186 = tpu.memref_slice %arg2[%dma_start3A_184, %dma_start3A_185] : memref<10000x64xi32, #tpu.memory_space<hbm>> -> memref<10000x64xi32, #tpu.memory_space<hbm>>
          tpu.enqueue_indirect_dma source(%dma_start3A_186 : memref<10000x64xi32, #tpu.memory_space<hbm>>) target(%arg11 : memref<128x64xi32, #tpu.memory_space<vmem>>) offsets(%dma_start3A_183 : memref<128xi32, #tpu.memory_space<vmem>>) semaphore(%arg15 : memref<!tpu.dma_semaphore, #tpu.memory_space<semaphore_mem>>)
        } else {
        }
        %eq3A_143 = arith.constant 1 : i32
        %eq3A_144 = arith.cmpi eq, %rem3A_99, %eq3A_143 : i32
        %convert_element_type3A_145 = arith.extui %eq3A_144 : i1 to i32
        %cond3A_146 = arith.constant 0 : i32
        %cond3A_147 = arith.cmpi ne, %convert_element_type3A_145, %cond3A_146 : i32
        scf.if %cond3A_147 {
          %dma_wait3A_148 = arith.constant 0 : i32
          %dma_wait3A_149 = arith.constant 0 : i32
          %dma_wait3A_150 = tpu.memref_slice %arg8[%dma_wait3A_148, %dma_wait3A_149] : memref<2x128xi32, #tpu.memory_space<vmem>> -> memref<1x128xi32, #tpu.memory_space<vmem>>
          %dma_wait3A_151 = arith.constant 0 : i32
          %dma_wait3A_152 = arith.constant 0 : i32
          %dma_wait3A_153 = tpu.memref_slice %arg4[%dma_wait3A_151, %dma_wait3A_152] : memref<2500x128xi32, #tpu.memory_space<hbm>> -> memref<1x128xi32, #tpu.memory_space<hbm>>
          %dma_wait3A_154 = arith.constant 0 : i32
          %dma_wait3A_155 = arith.constant 0 : i32
          %dma_wait3A_156 = tpu.memref_slice %arg8[%dma_wait3A_154, %dma_wait3A_155] : memref<2x128xi32, #tpu.memory_space<vmem>> -> memref<1x128xi32, #tpu.memory_space<vmem>>
          %dma_wait3A_157 = arith.constant 0 : i32
          %dma_wait3A_158 = arith.constant 0 : i32
          %dma_wait3A_159 = tpu.memref_slice %arg4[%dma_wait3A_157, %dma_wait3A_158] : memref<2500x128xi32, #tpu.memory_space<hbm>> -> memref<1x128xi32, #tpu.memory_space<hbm>>
          tpu.wait_dma2 semaphore(%arg13 : memref<!tpu.dma_semaphore, #tpu.memory_space<semaphore_mem>>) src(%dma_wait3A_159 : memref<1x128xi32, #tpu.memory_space<hbm>>) dst(%dma_wait3A_156 : memref<1x128xi32, #tpu.memory_space<vmem>>)
          %dma_wait3A_160 = arith.constant 0 : i32
          %dma_wait3A_161 = arith.constant 0 : i32
          %dma_wait3A_162 = tpu.memref_slice %arg9[%dma_wait3A_160, %dma_wait3A_161] : memref<2x128xi32, #tpu.memory_space<vmem>> -> memref<1x128xi32, #tpu.memory_space<vmem>>
          %dma_wait3A_163 = arith.constant 0 : i32
          %dma_wait3A_164 = arith.constant 0 : i32
          %dma_wait3A_165 = tpu.memref_slice %arg5[%dma_wait3A_163, %dma_wait3A_164] : memref<2500x128xi32, #tpu.memory_space<hbm>> -> memref<1x128xi32, #tpu.memory_space<hbm>>
          %dma_wait3A_166 = arith.constant 0 : i32
          %dma_wait3A_167 = arith.constant 0 : i32
          %dma_wait3A_168 = tpu.memref_slice %arg9[%dma_wait3A_166, %dma_wait3A_167] : memref<2x128xi32, #tpu.memory_space<vmem>> -> memref<1x128xi32, #tpu.memory_space<vmem>>
          %dma_wait3A_169 = arith.constant 0 : i32
          %dma_wait3A_170 = arith.constant 0 : i32
          %dma_wait3A_171 = tpu.memref_slice %arg5[%dma_wait3A_169, %dma_wait3A_170] : memref<2500x128xi32, #tpu.memory_space<hbm>> -> memref<1x128xi32, #tpu.memory_space<hbm>>
          tpu.wait_dma2 semaphore(%arg13 : memref<!tpu.dma_semaphore, #tpu.memory_space<semaphore_mem>>) src(%dma_wait3A_171 : memref<1x128xi32, #tpu.memory_space<hbm>>) dst(%dma_wait3A_168 : memref<1x128xi32, #tpu.memory_space<vmem>>)
          %add3A_172 = arith.constant 1 : i32
          %add3A_173 = arith.addi %add3A_98, %add3A_172 : i32
          %mul3A_174 = arith.constant 64 : i32
          %mul3A_175 = arith.muli %add3A_173, %mul3A_174 : i32
          %dma_start3A_176 = arith.constant 0 : i32
          %dma_start3A_177 = tpu.memref_slice %arg3[%mul3A_175, %dma_start3A_176] : memref<160000x128xi32, #tpu.memory_space<hbm>> -> memref<64x128xi32, #tpu.memory_space<hbm>>
          %dma_start3A_178 = arith.constant 0 : i32
          %dma_start3A_179 = tpu.memref_slice %arg3[%mul3A_175, %dma_start3A_178] : memref<160000x128xi32, #tpu.memory_space<hbm>> -> memref<64x128xi32, #tpu.memory_space<hbm>>
          tpu.enqueue_dma source(%dma_start3A_179 : memref<64x128xi32, #tpu.memory_space<hbm>>) target(%arg10 : memref<64x128xi32, #tpu.memory_space<vmem>>) target_semaphore(%arg16 : memref<!tpu.dma_semaphore, #tpu.memory_space<semaphore_mem>>)
          %dma_start3A_180 = arith.constant 0 : i32
          %dma_start3A_181 = arith.constant 0 : i32
          %dma_start3A_182 = tpu.memref_slice %arg8[%dma_start3A_180, %dma_start3A_181] : memref<2x128xi32, #tpu.memory_space<vmem>> -> memref<1x128xi32, #tpu.memory_space<vmem>>
          %dma_start3A_183 = tpu.memref_squeeze %dma_start3A_182 : memref<1x128xi32, #tpu.memory_space<vmem>> -> memref<128xi32, #tpu.memory_space<vmem>>
          %dma_start3A_184 = arith.constant 0 : i32
          %dma_start3A_185 = arith.constant 0 : i32
          %dma_start3A_186 = tpu.memref_slice %arg2[%dma_start3A_184, %dma_start3A_185] : memref<10000x64xi32, #tpu.memory_space<hbm>> -> memref<10000x64xi32, #tpu.memory_space<hbm>>
          tpu.enqueue_indirect_dma source(%dma_start3A_186 : memref<10000x64xi32, #tpu.memory_space<hbm>>) target(%arg11 : memref<128x64xi32, #tpu.memory_space<vmem>>) offsets(%dma_start3A_183 : memref<128xi32, #tpu.memory_space<vmem>>) semaphore(%arg15 : memref<!tpu.dma_semaphore, #tpu.memory_space<semaphore_mem>>)
        } else {
        }
      } else {
      }
      %eq3A = arith.constant 0 : i32
      %eq3A_122 = arith.cmpi eq, %rem3A_99, %eq3A : i32
      %convert_element_type3A_123 = arith.extui %eq3A_122 : i1 to i32
      %cond3A_124 = arith.constant 0 : i32
      %cond3A_125 = arith.cmpi ne, %convert_element_type3A_123, %cond3A_124 : i32
      scf.if %cond3A_125 {
        %dma_start3A_138 = arith.constant 0 : i32
        %dma_start3A_139 = arith.constant 0 : i32
        %dma_start3A_140 = tpu.memref_slice %arg9[%dma_start3A_138, %dma_start3A_139] : memref<2x128xi32, #tpu.memory_space<vmem>> -> memref<1x128xi32, #tpu.memory_space<vmem>>
        %dma_start3A_141 = tpu.memref_squeeze %dma_start3A_140 : memref<1x128xi32, #tpu.memory_space<vmem>> -> memref<128xi32, #tpu.memory_space<vmem>>
        %dma_start3A_142 = arith.constant 0 : i32
        %dma_start3A_143 = arith.constant 0 : i32
        %dma_start3A_144 = tpu.memref_slice %arg7[%dma_start3A_142, %dma_start3A_143] : memref<10240x144xf32, #tpu.memory_space<vmem_shared>> -> memref<10240x144xf32, #tpu.memory_space<vmem_shared>>
        tpu.enqueue_indirect_dma source(%arg12 : memref<128x144xf32, #tpu.memory_space<vmem>>) target(%dma_start3A_144 : memref<10240x144xf32, #tpu.memory_space<vmem_shared>>) offsets(%dma_start3A_141 : memref<128xi32, #tpu.memory_space<vmem>>) semaphore(%arg17 : memref<!tpu.dma_semaphore, #tpu.memory_space<semaphore_mem>>) {add = true}
        %dma_wait3A_145 = arith.constant 0 : i32
        %dma_wait3A_146 = arith.constant 0 : i32
        %dma_wait3A_147 = tpu.memref_slice %arg9[%dma_wait3A_145, %dma_wait3A_146] : memref<2x128xi32, #tpu.memory_space<vmem>> -> memref<1x128xi32, #tpu.memory_space<vmem>>
        %dma_wait3A_148 = tpu.memref_squeeze %dma_wait3A_147 : memref<1x128xi32, #tpu.memory_space<vmem>> -> memref<128xi32, #tpu.memory_space<vmem>>
        %dma_wait3A_149 = arith.constant 0 : i32
        %dma_wait3A_150 = arith.constant 0 : i32
        %dma_wait3A_151 = tpu.memref_slice %arg7[%dma_wait3A_149, %dma_wait3A_150] : memref<10240x144xf32, #tpu.memory_space<vmem_shared>> -> memref<10240x144xf32, #tpu.memory_space<vmem_shared>>
        tpu.wait_indirect_dma semaphore(%arg17 : memref<!tpu.dma_semaphore, #tpu.memory_space<semaphore_mem>>) src(%arg12 : memref<128x144xf32, #tpu.memory_space<vmem>>) dst(%dma_wait3A_151 : memref<10240x144xf32, #tpu.memory_space<vmem_shared>>)
      } else {
      }
      %eq3A_126 = arith.constant 1 : i32
      %eq3A_127 = arith.cmpi eq, %rem3A_99, %eq3A_126 : i32
      %convert_element_type3A_128 = arith.extui %eq3A_127 : i1 to i32
      %cond3A_129 = arith.constant 0 : i32
      %cond3A_130 = arith.cmpi ne, %convert_element_type3A_128, %cond3A_129 : i32
      scf.if %cond3A_130 {
        %dma_start3A_138 = arith.constant 1 : i32
        %dma_start3A_139 = arith.constant 0 : i32
        %dma_start3A_140 = tpu.memref_slice %arg9[%dma_start3A_138, %dma_start3A_139] : memref<2x128xi32, #tpu.memory_space<vmem>> -> memref<1x128xi32, #tpu.memory_space<vmem>>
        %dma_start3A_141 = tpu.memref_squeeze %dma_start3A_140 : memref<1x128xi32, #tpu.memory_space<vmem>> -> memref<128xi32, #tpu.memory_space<vmem>>
        %dma_start3A_142 = arith.constant 0 : i32
        %dma_start3A_143 = arith.constant 0 : i32
        %dma_start3A_144 = tpu.memref_slice %arg7[%dma_start3A_142, %dma_start3A_143] : memref<10240x144xf32, #tpu.memory_space<vmem_shared>> -> memref<10240x144xf32, #tpu.memory_space<vmem_shared>>
        tpu.enqueue_indirect_dma source(%arg12 : memref<128x144xf32, #tpu.memory_space<vmem>>) target(%dma_start3A_144 : memref<10240x144xf32, #tpu.memory_space<vmem_shared>>) offsets(%dma_start3A_141 : memref<128xi32, #tpu.memory_space<vmem>>) semaphore(%arg17 : memref<!tpu.dma_semaphore, #tpu.memory_space<semaphore_mem>>) {add = true}
        %dma_wait3A_145 = arith.constant 1 : i32
        %dma_wait3A_146 = arith.constant 0 : i32
        %dma_wait3A_147 = tpu.memref_slice %arg9[%dma_wait3A_145, %dma_wait3A_146] : memref<2x128xi32, #tpu.memory_space<vmem>> -> memref<1x128xi32, #tpu.memory_space<vmem>>
        %dma_wait3A_148 = tpu.memref_squeeze %dma_wait3A_147 : memref<1x128xi32, #tpu.memory_space<vmem>> -> memref<128xi32, #tpu.memory_space<vmem>>
        %dma_wait3A_149 = arith.constant 0 : i32
        %dma_wait3A_150 = arith.constant 0 : i32
        %dma_wait3A_151 = tpu.memref_slice %arg7[%dma_wait3A_149, %dma_wait3A_150] : memref<10240x144xf32, #tpu.memory_space<vmem_shared>> -> memref<10240x144xf32, #tpu.memory_space<vmem_shared>>
        tpu.wait_indirect_dma semaphore(%arg17 : memref<!tpu.dma_semaphore, #tpu.memory_space<semaphore_mem>>) src(%arg12 : memref<128x144xf32, #tpu.memory_space<vmem>>) dst(%dma_wait3A_151 : memref<10240x144xf32, #tpu.memory_space<vmem_shared>>)
      } else {
      }
      %add3A_131 = arith.constant 2 : i32
      %add3A_132 = arith.addi %while3A_96, %add3A_131 : i32
      %lt3A_133 = arith.cmpi slt, %add3A_132, %select_n3A : i32
      %convert_element_type3A_134 = arith.extui %lt3A_133 : i1 to i32
      %cond3A_135 = arith.constant 0 : i32
      %cond3A_136 = arith.cmpi ne, %convert_element_type3A_134, %cond3A_135 : i32
      scf.if %cond3A_136 {
        %eq3A_138 = arith.constant 0 : i32
        %eq3A_139 = arith.cmpi eq, %rem3A_99, %eq3A_138 : i32
        %convert_element_type3A_140 = arith.extui %eq3A_139 : i1 to i32
        %cond3A_141 = arith.constant 0 : i32
        %cond3A_142 = arith.cmpi ne, %convert_element_type3A_140, %cond3A_141 : i32
        scf.if %cond3A_142 {
          %add3A_148 = arith.constant 2 : i32
          %add3A_149 = arith.addi %add3A_98, %add3A_148 : i32
          %dma_start3A_150 = arith.constant 0 : i32
          %dma_start3A_151 = arith.constant 0 : i32
          %dma_start3A_152 = tpu.memref_slice %arg8[%dma_start3A_150, %dma_start3A_151] : memref<2x128xi32, #tpu.memory_space<vmem>> -> memref<1x128xi32, #tpu.memory_space<vmem>>
          %dma_start3A_153 = arith.constant 0 : i32
          %dma_start3A_154 = tpu.memref_slice %arg4[%add3A_149, %dma_start3A_153] : memref<2500x128xi32, #tpu.memory_space<hbm>> -> memref<1x128xi32, #tpu.memory_space<hbm>>
          %dma_start3A_155 = arith.constant 0 : i32
          %dma_start3A_156 = arith.constant 0 : i32
          %dma_start3A_157 = tpu.memref_slice %arg8[%dma_start3A_155, %dma_start3A_156] : memref<2x128xi32, #tpu.memory_space<vmem>> -> memref<1x128xi32, #tpu.memory_space<vmem>>
          %dma_start3A_158 = arith.constant 0 : i32
          %dma_start3A_159 = tpu.memref_slice %arg4[%add3A_149, %dma_start3A_158] : memref<2500x128xi32, #tpu.memory_space<hbm>> -> memref<1x128xi32, #tpu.memory_space<hbm>>
          tpu.enqueue_dma source(%dma_start3A_159 : memref<1x128xi32, #tpu.memory_space<hbm>>) target(%dma_start3A_157 : memref<1x128xi32, #tpu.memory_space<vmem>>) target_semaphore(%arg13 : memref<!tpu.dma_semaphore, #tpu.memory_space<semaphore_mem>>)
          %dma_start3A_160 = arith.constant 0 : i32
          %dma_start3A_161 = arith.constant 0 : i32
          %dma_start3A_162 = tpu.memref_slice %arg9[%dma_start3A_160, %dma_start3A_161] : memref<2x128xi32, #tpu.memory_space<vmem>> -> memref<1x128xi32, #tpu.memory_space<vmem>>
          %dma_start3A_163 = arith.constant 0 : i32
          %dma_start3A_164 = tpu.memref_slice %arg5[%add3A_149, %dma_start3A_163] : memref<2500x128xi32, #tpu.memory_space<hbm>> -> memref<1x128xi32, #tpu.memory_space<hbm>>
          %dma_start3A_165 = arith.constant 0 : i32
          %dma_start3A_166 = arith.constant 0 : i32
          %dma_start3A_167 = tpu.memref_slice %arg9[%dma_start3A_165, %dma_start3A_166] : memref<2x128xi32, #tpu.memory_space<vmem>> -> memref<1x128xi32, #tpu.memory_space<vmem>>
          %dma_start3A_168 = arith.constant 0 : i32
          %dma_start3A_169 = tpu.memref_slice %arg5[%add3A_149, %dma_start3A_168] : memref<2500x128xi32, #tpu.memory_space<hbm>> -> memref<1x128xi32, #tpu.memory_space<hbm>>
          tpu.enqueue_dma source(%dma_start3A_169 : memref<1x128xi32, #tpu.memory_space<hbm>>) target(%dma_start3A_167 : memref<1x128xi32, #tpu.memory_space<vmem>>) target_semaphore(%arg13 : memref<!tpu.dma_semaphore, #tpu.memory_space<semaphore_mem>>)
        } else {
        }
        %eq3A_143 = arith.constant 1 : i32
        %eq3A_144 = arith.cmpi eq, %rem3A_99, %eq3A_143 : i32
        %convert_element_type3A_145 = arith.extui %eq3A_144 : i1 to i32
        %cond3A_146 = arith.constant 0 : i32
        %cond3A_147 = arith.cmpi ne, %convert_element_type3A_145, %cond3A_146 : i32
        scf.if %cond3A_147 {
          %add3A_148 = arith.constant 2 : i32
          %add3A_149 = arith.addi %add3A_98, %add3A_148 : i32
          %dma_start3A_150 = arith.constant 1 : i32
          %dma_start3A_151 = arith.constant 0 : i32
          %dma_start3A_152 = tpu.memref_slice %arg8[%dma_start3A_150, %dma_start3A_151] : memref<2x128xi32, #tpu.memory_space<vmem>> -> memref<1x128xi32, #tpu.memory_space<vmem>>
          %dma_start3A_153 = arith.constant 0 : i32
          %dma_start3A_154 = tpu.memref_slice %arg4[%add3A_149, %dma_start3A_153] : memref<2500x128xi32, #tpu.memory_space<hbm>> -> memref<1x128xi32, #tpu.memory_space<hbm>>
          %dma_start3A_155 = arith.constant 1 : i32
          %dma_start3A_156 = arith.constant 0 : i32
          %dma_start3A_157 = tpu.memref_slice %arg8[%dma_start3A_155, %dma_start3A_156] : memref<2x128xi32, #tpu.memory_space<vmem>> -> memref<1x128xi32, #tpu.memory_space<vmem>>
          %dma_start3A_158 = arith.constant 0 : i32
          %dma_start3A_159 = tpu.memref_slice %arg4[%add3A_149, %dma_start3A_158] : memref<2500x128xi32, #tpu.memory_space<hbm>> -> memref<1x128xi32, #tpu.memory_space<hbm>>
          tpu.enqueue_dma source(%dma_start3A_159 : memref<1x128xi32, #tpu.memory_space<hbm>>) target(%dma_start3A_157 : memref<1x128xi32, #tpu.memory_space<vmem>>) target_semaphore(%arg14 : memref<!tpu.dma_semaphore, #tpu.memory_space<semaphore_mem>>)
          %dma_start3A_160 = arith.constant 1 : i32
          %dma_start3A_161 = arith.constant 0 : i32
          %dma_start3A_162 = tpu.memref_slice %arg9[%dma_start3A_160, %dma_start3A_161] : memref<2x128xi32, #tpu.memory_space<vmem>> -> memref<1x128xi32, #tpu.memory_space<vmem>>
          %dma_start3A_163 = arith.constant 0 : i32
          %dma_start3A_164 = tpu.memref_slice %arg5[%add3A_149, %dma_start3A_163] : memref<2500x128xi32, #tpu.memory_space<hbm>> -> memref<1x128xi32, #tpu.memory_space<hbm>>
          %dma_start3A_165 = arith.constant 1 : i32
          %dma_start3A_166 = arith.constant 0 : i32
          %dma_start3A_167 = tpu.memref_slice %arg9[%dma_start3A_165, %dma_start3A_166] : memref<2x128xi32, #tpu.memory_space<vmem>> -> memref<1x128xi32, #tpu.memory_space<vmem>>
          %dma_start3A_168 = arith.constant 0 : i32
          %dma_start3A_169 = tpu.memref_slice %arg5[%add3A_149, %dma_start3A_168] : memref<2500x128xi32, #tpu.memory_space<hbm>> -> memref<1x128xi32, #tpu.memory_space<hbm>>
          tpu.enqueue_dma source(%dma_start3A_169 : memref<1x128xi32, #tpu.memory_space<hbm>>) target(%dma_start3A_167 : memref<1x128xi32, #tpu.memory_space<vmem>>) target_semaphore(%arg14 : memref<!tpu.dma_semaphore, #tpu.memory_space<semaphore_mem>>)
        } else {
        }
      } else {
      }
      %while3A_137 = arith.constant 0 : i32
      scf.yield %while3A_137 : i32
    }
    %while3A_89 = arith.constant 1 : i32
    %while3A_90 = scf.for %while3A_96 = %while3A_86 to %while3A_82 step %while3A_89 iter_args(%while3A_97 = %while3A_88) -> (i32)  : i32 {
      %add3A_98 = arith.addi %add3A_20, %while3A_96 : i32
      %rem3A = arith.constant 2 : i32
      %rem3A_99 = arith.remsi %while3A_96, %rem3A : i32
      %dma_wait3A_100 = arith.constant 0 : i32
      %dma_wait3A_101 = arith.constant 0 : i32
      %dma_wait3A_102 = tpu.memref_slice %arg3[%dma_wait3A_100, %dma_wait3A_101] : memref<160000x128xi32, #tpu.memory_space<hbm>> -> memref<64x128xi32, #tpu.memory_space<hbm>>
      %dma_wait3A_103 = arith.constant 0 : i32
      %dma_wait3A_104 = arith.constant 0 : i32
      %dma_wait3A_105 = tpu.memref_slice %arg3[%dma_wait3A_103, %dma_wait3A_104] : memref<160000x128xi32, #tpu.memory_space<hbm>> -> memref<64x128xi32, #tpu.memory_space<hbm>>
      tpu.wait_dma2 semaphore(%arg16 : memref<!tpu.dma_semaphore, #tpu.memory_space<semaphore_mem>>) src(%dma_wait3A_105 : memref<64x128xi32, #tpu.memory_space<hbm>>) dst(%arg10 : memref<64x128xi32, #tpu.memory_space<vmem>>)
      %dma_wait3A_106 = arith.constant 0 : i32
      %dma_wait3A_107 = arith.constant 0 : i32
      %dma_wait3A_108 = tpu.memref_slice %arg8[%dma_wait3A_106, %dma_wait3A_107] : memref<2x128xi32, #tpu.memory_space<vmem>> -> memref<1x128xi32, #tpu.memory_space<vmem>>
      %dma_wait3A_109 = tpu.memref_squeeze %dma_wait3A_108 : memref<1x128xi32, #tpu.memory_space<vmem>> -> memref<128xi32, #tpu.memory_space<vmem>>
      %dma_wait3A_110 = arith.constant 0 : i32
      %dma_wait3A_111 = arith.constant 0 : i32
      %dma_wait3A_112 = tpu.memref_slice %arg2[%dma_wait3A_110, %dma_wait3A_111] : memref<10000x64xi32, #tpu.memory_space<hbm>> -> memref<10000x64xi32, #tpu.memory_space<hbm>>
      tpu.wait_indirect_dma semaphore(%arg15 : memref<!tpu.dma_semaphore, #tpu.memory_space<semaphore_mem>>) src(%dma_wait3A_112 : memref<10000x64xi32, #tpu.memory_space<hbm>>) dst(%arg11 : memref<128x64xi32, #tpu.memory_space<vmem>>)
      %parallel_loop3A_113 = arith.constant 0 : i32
      %parallel_loop3A_114 = arith.constant 64 : i32
      %parallel_loop3A_115 = arith.constant 1 : i32
      scf.for %parallel_loop3A_138 = %parallel_loop3A_113 to %parallel_loop3A_114 step %parallel_loop3A_115  : i32 {
        %parallel_loop3A_139 = arith.index_cast %parallel_loop3A_138 : i32 to index
        %parallel_loop3A_140 = arith.constant 0 : index
        %parallel_loop3A_141 = tpu.vector_load %arg10[%parallel_loop3A_139, %parallel_loop3A_140] {strides = array<i32>} : memref<64x128xi32, #tpu.memory_space<vmem>>, vector<16xi32>,
        %parallel_loop3A_142 = arith.index_cast %parallel_loop3A_138 : i32 to index
        %parallel_loop3A_143 = arith.constant 64 : index
        %parallel_loop3A_144 = tpu.vector_load %arg10[%parallel_loop3A_142, %parallel_loop3A_143] {strides = array<i32>} : memref<64x128xi32, #tpu.memory_space<vmem>>, vector<16xi32>,
        %parallel_loop3A_145 = arith.index_cast %parallel_loop3A_138 : i32 to index
        %parallel_loop3A_146 = arith.constant 0 : index
        %parallel_loop3A_147 = tpu.vector_load %arg11[%parallel_loop3A_145, %parallel_loop3A_146] {strides = array<i32>} : memref<128x64xi32, #tpu.memory_space<vmem>>, vector<16xi32>,
        %parallel_loop3A_148 = arith.constant 64 : i32
        %parallel_loop3A_149 = arith.addi %parallel_loop3A_148, %parallel_loop3A_138 : i32
        %parallel_loop3A_150 = arith.index_cast %parallel_loop3A_149 : i32 to index
        %parallel_loop3A_151 = arith.constant 0 : index
        %parallel_loop3A_152 = tpu.vector_load %arg11[%parallel_loop3A_150, %parallel_loop3A_151] {strides = array<i32>} : memref<128x64xi32, #tpu.memory_space<vmem>>, vector<16xi32>,
        %parallel_loop3A_153 = arith.constant 16 : i32
        %parallel_loop3A_154 = vector.broadcast %parallel_loop3A_153 : i32 to vector<16xi32>
        %parallel_loop3A_155 = arith.shli %parallel_loop3A_147, %parallel_loop3A_154 : vector<16xi32>
        %parallel_loop3A_156 = vector.bitcast %parallel_loop3A_155 : vector<16xi32> to vector<16xf32>
        %parallel_loop3A_157 = arith.andi %parallel_loop3A_147, %broadcast_in_dim3A_79 : vector<16xi32>
        %parallel_loop3A_158 = vector.bitcast %parallel_loop3A_157 : vector<16xi32> to vector<16xf32>
        %parallel_loop3A_159 = arith.constant 16 : i32
        %parallel_loop3A_160 = vector.broadcast %parallel_loop3A_159 : i32 to vector<16xi32>
        %parallel_loop3A_161 = arith.shli %parallel_loop3A_152, %parallel_loop3A_160 : vector<16xi32>
        %parallel_loop3A_162 = vector.bitcast %parallel_loop3A_161 : vector<16xi32> to vector<16xf32>
        %parallel_loop3A_163 = arith.andi %parallel_loop3A_152, %broadcast_in_dim3A_79 : vector<16xi32>
        %parallel_loop3A_164 = vector.bitcast %parallel_loop3A_163 : vector<16xi32> to vector<16xf32>
        %parallel_loop3A_165 = arith.constant 16 : i32
        %parallel_loop3A_166 = vector.broadcast %parallel_loop3A_165 : i32 to vector<16xi32>
        %parallel_loop3A_167 = arith.shli %parallel_loop3A_141, %parallel_loop3A_166 : vector<16xi32>
        %parallel_loop3A_168 = vector.bitcast %parallel_loop3A_167 : vector<16xi32> to vector<16xf32>
        %parallel_loop3A_169 = arith.andi %parallel_loop3A_141, %broadcast_in_dim3A_79 : vector<16xi32>
        %parallel_loop3A_170 = vector.bitcast %parallel_loop3A_169 : vector<16xi32> to vector<16xf32>
        %parallel_loop3A_171 = arith.constant 16 : i32
        %parallel_loop3A_172 = vector.broadcast %parallel_loop3A_171 : i32 to vector<16xi32>
        %parallel_loop3A_173 = arith.shli %parallel_loop3A_144, %parallel_loop3A_172 : vector<16xi32>
        %parallel_loop3A_174 = vector.bitcast %parallel_loop3A_173 : vector<16xi32> to vector<16xf32>
        %parallel_loop3A_175 = arith.andi %parallel_loop3A_144, %broadcast_in_dim3A_79 : vector<16xi32>
        %parallel_loop3A_176 = vector.bitcast %parallel_loop3A_175 : vector<16xi32> to vector<16xf32>
        %parallel_loop3A_177 = arith.addf %parallel_loop3A_168, %parallel_loop3A_156 : vector<16xf32>
        %parallel_loop3A_178 = arith.constant 0.000000e+00 : f32
        %parallel_loop3A_179 = vector.broadcast %parallel_loop3A_178 : f32 to vector<16xf32>
        %parallel_loop3A_180 = arith.maximumf %parallel_loop3A_177, %parallel_loop3A_179 : vector<16xf32>
        %parallel_loop3A_181 = arith.index_cast %parallel_loop3A_138 : i32 to index
        %parallel_loop3A_182 = arith.constant 0 : index
        %parallel_loop3A_183 = tpu.vector_load %arg12[%parallel_loop3A_181, %parallel_loop3A_182] {strides = array<i32>} : memref<128x144xf32, #tpu.memory_space<vmem>>, vector<16xf32>,
        tpu.vector_store %arg12[%parallel_loop3A_181, %parallel_loop3A_182], %parallel_loop3A_180 {strides = array<i32>} : memref<128x144xf32, #tpu.memory_space<vmem>>, vector<16xf32>,
        %parallel_loop3A_184 = arith.addf %parallel_loop3A_174, %parallel_loop3A_158 : vector<16xf32>
        %parallel_loop3A_185 = arith.constant 0.000000e+00 : f32
        %parallel_loop3A_186 = vector.broadcast %parallel_loop3A_185 : f32 to vector<16xf32>
        %parallel_loop3A_187 = arith.maximumf %parallel_loop3A_184, %parallel_loop3A_186 : vector<16xf32>
        %parallel_loop3A_188 = arith.index_cast %parallel_loop3A_138 : i32 to index
        %parallel_loop3A_189 = arith.constant 64 : index
        %parallel_loop3A_190 = tpu.vector_load %arg12[%parallel_loop3A_188, %parallel_loop3A_189] {strides = array<i32>} : memref<128x144xf32, #tpu.memory_space<vmem>>, vector<16xf32>,
        tpu.vector_store %arg12[%parallel_loop3A_188, %parallel_loop3A_189], %parallel_loop3A_187 {strides = array<i32>} : memref<128x144xf32, #tpu.memory_space<vmem>>, vector<16xf32>,
        %parallel_loop3A_191 = arith.addf %parallel_loop3A_170, %parallel_loop3A_162 : vector<16xf32>
        %parallel_loop3A_192 = arith.constant 0.000000e+00 : f32
        %parallel_loop3A_193 = vector.broadcast %parallel_loop3A_192 : f32 to vector<16xf32>
        %parallel_loop3A_194 = arith.maximumf %parallel_loop3A_191, %parallel_loop3A_193 : vector<16xf32>
        %parallel_loop3A_195 = arith.constant 64 : i32
        %parallel_loop3A_196 = arith.addi %parallel_loop3A_195, %parallel_loop3A_138 : i32
        %parallel_loop3A_197 = arith.index_cast %parallel_loop3A_196 : i32 to index
        %parallel_loop3A_198 = arith.constant 0 : index
        %parallel_loop3A_199 = tpu.vector_load %arg12[%parallel_loop3A_197, %parallel_loop3A_198] {strides = array<i32>} : memref<128x144xf32, #tpu.memory_space<vmem>>, vector<16xf32>,
        tpu.vector_store %arg12[%parallel_loop3A_197, %parallel_loop3A_198], %parallel_loop3A_194 {strides = array<i32>} : memref<128x144xf32, #tpu.memory_space<vmem>>, vector<16xf32>,
        %parallel_loop3A_200 = arith.addf %parallel_loop3A_176, %parallel_loop3A_164 : vector<16xf32>
        %parallel_loop3A_201 = arith.constant 0.000000e+00 : f32
        %parallel_loop3A_202 = vector.broadcast %parallel_loop3A_201 : f32 to vector<16xf32>
        %parallel_loop3A_203 = arith.maximumf %parallel_loop3A_200, %parallel_loop3A_202 : vector<16xf32>
        %parallel_loop3A_204 = arith.constant 64 : i32
        %parallel_loop3A_205 = arith.addi %parallel_loop3A_204, %parallel_loop3A_138 : i32
        %parallel_loop3A_206 = arith.index_cast %parallel_loop3A_205 : i32 to index
        %parallel_loop3A_207 = arith.constant 64 : index
        %parallel_loop3A_208 = tpu.vector_load %arg12[%parallel_loop3A_206, %parallel_loop3A_207] {strides = array<i32>} : memref<128x144xf32, #tpu.memory_space<vmem>>, vector<16xf32>,
        tpu.vector_store %arg12[%parallel_loop3A_206, %parallel_loop3A_207], %parallel_loop3A_203 {strides = array<i32>} : memref<128x144xf32, #tpu.memory_space<vmem>>, vector<16xf32>,
        %parallel_loop3A_209 = arith.index_cast %parallel_loop3A_138 : i32 to index
        %parallel_loop3A_210 = arith.constant 16 : index
        %parallel_loop3A_211 = tpu.vector_load %arg10[%parallel_loop3A_209, %parallel_loop3A_210] {strides = array<i32>} : memref<64x128xi32, #tpu.memory_space<vmem>>, vector<16xi32>,
        %parallel_loop3A_212 = arith.index_cast %parallel_loop3A_138 : i32 to index
        %parallel_loop3A_213 = arith.constant 80 : index
        %parallel_loop3A_214 = tpu.vector_load %arg10[%parallel_loop3A_212, %parallel_loop3A_213] {strides = array<i32>} : memref<64x128xi32, #tpu.memory_space<vmem>>, vector<16xi32>,
        %parallel_loop3A_215 = arith.index_cast %parallel_loop3A_138 : i32 to index
        %parallel_loop3A_216 = arith.constant 16 : index
        %parallel_loop3A_217 = tpu.vector_load %arg11[%parallel_loop3A_215, %parallel_loop3A_216] {strides = array<i32>} : memref<128x64xi32, #tpu.memory_space<vmem>>, vector<16xi32>,
        %parallel_loop3A_218 = arith.constant 64 : i32
        %parallel_loop3A_219 = arith.addi %parallel_loop3A_218, %parallel_loop3A_138 : i32
        %parallel_loop3A_220 = arith.index_cast %parallel_loop3A_219 : i32 to index
        %parallel_loop3A_221 = arith.constant 16 : index
        %parallel_loop3A_222 = tpu.vector_load %arg11[%parallel_loop3A_220, %parallel_loop3A_221] {strides = array<i32>} : memref<128x64xi32, #tpu.memory_space<vmem>>, vector<16xi32>,
        %parallel_loop3A_223 = arith.constant 16 : i32
        %parallel_loop3A_224 = vector.broadcast %parallel_loop3A_223 : i32 to vector<16xi32>
        %parallel_loop3A_225 = arith.shli %parallel_loop3A_217, %parallel_loop3A_224 : vector<16xi32>
        %parallel_loop3A_226 = vector.bitcast %parallel_loop3A_225 : vector<16xi32> to vector<16xf32>
        %parallel_loop3A_227 = arith.andi %parallel_loop3A_217, %broadcast_in_dim3A_79 : vector<16xi32>
        %parallel_loop3A_228 = vector.bitcast %parallel_loop3A_227 : vector<16xi32> to vector<16xf32>
        %parallel_loop3A_229 = arith.constant 16 : i32
        %parallel_loop3A_230 = vector.broadcast %parallel_loop3A_229 : i32 to vector<16xi32>
        %parallel_loop3A_231 = arith.shli %parallel_loop3A_222, %parallel_loop3A_230 : vector<16xi32>
        %parallel_loop3A_232 = vector.bitcast %parallel_loop3A_231 : vector<16xi32> to vector<16xf32>
        %parallel_loop3A_233 = arith.andi %parallel_loop3A_222, %broadcast_in_dim3A_79 : vector<16xi32>
        %parallel_loop3A_234 = vector.bitcast %parallel_loop3A_233 : vector<16xi32> to vector<16xf32>
        %parallel_loop3A_235 = arith.constant 16 : i32
        %parallel_loop3A_236 = vector.broadcast %parallel_loop3A_235 : i32 to vector<16xi32>
        %parallel_loop3A_237 = arith.shli %parallel_loop3A_211, %parallel_loop3A_236 : vector<16xi32>
        %parallel_loop3A_238 = vector.bitcast %parallel_loop3A_237 : vector<16xi32> to vector<16xf32>
        %parallel_loop3A_239 = arith.andi %parallel_loop3A_211, %broadcast_in_dim3A_79 : vector<16xi32>
        %parallel_loop3A_240 = vector.bitcast %parallel_loop3A_239 : vector<16xi32> to vector<16xf32>
        %parallel_loop3A_241 = arith.constant 16 : i32
        %parallel_loop3A_242 = vector.broadcast %parallel_loop3A_241 : i32 to vector<16xi32>
        %parallel_loop3A_243 = arith.shli %parallel_loop3A_214, %parallel_loop3A_242 : vector<16xi32>
        %parallel_loop3A_244 = vector.bitcast %parallel_loop3A_243 : vector<16xi32> to vector<16xf32>
        %parallel_loop3A_245 = arith.andi %parallel_loop3A_214, %broadcast_in_dim3A_79 : vector<16xi32>
        %parallel_loop3A_246 = vector.bitcast %parallel_loop3A_245 : vector<16xi32> to vector<16xf32>
        %parallel_loop3A_247 = arith.addf %parallel_loop3A_238, %parallel_loop3A_226 : vector<16xf32>
        %parallel_loop3A_248 = arith.constant 0.000000e+00 : f32
        %parallel_loop3A_249 = vector.broadcast %parallel_loop3A_248 : f32 to vector<16xf32>
        %parallel_loop3A_250 = arith.maximumf %parallel_loop3A_247, %parallel_loop3A_249 : vector<16xf32>
        %parallel_loop3A_251 = arith.index_cast %parallel_loop3A_138 : i32 to index
        %parallel_loop3A_252 = arith.constant 16 : index
        %parallel_loop3A_253 = tpu.vector_load %arg12[%parallel_loop3A_251, %parallel_loop3A_252] {strides = array<i32>} : memref<128x144xf32, #tpu.memory_space<vmem>>, vector<16xf32>,
        tpu.vector_store %arg12[%parallel_loop3A_251, %parallel_loop3A_252], %parallel_loop3A_250 {strides = array<i32>} : memref<128x144xf32, #tpu.memory_space<vmem>>, vector<16xf32>,
        %parallel_loop3A_254 = arith.addf %parallel_loop3A_244, %parallel_loop3A_228 : vector<16xf32>
        %parallel_loop3A_255 = arith.constant 0.000000e+00 : f32
        %parallel_loop3A_256 = vector.broadcast %parallel_loop3A_255 : f32 to vector<16xf32>
        %parallel_loop3A_257 = arith.maximumf %parallel_loop3A_254, %parallel_loop3A_256 : vector<16xf32>
        %parallel_loop3A_258 = arith.index_cast %parallel_loop3A_138 : i32 to index
        %parallel_loop3A_259 = arith.constant 80 : index
        %parallel_loop3A_260 = tpu.vector_load %arg12[%parallel_loop3A_258, %parallel_loop3A_259] {strides = array<i32>} : memref<128x144xf32, #tpu.memory_space<vmem>>, vector<16xf32>,
        tpu.vector_store %arg12[%parallel_loop3A_258, %parallel_loop3A_259], %parallel_loop3A_257 {strides = array<i32>} : memref<128x144xf32, #tpu.memory_space<vmem>>, vector<16xf32>,
        %parallel_loop3A_261 = arith.addf %parallel_loop3A_240, %parallel_loop3A_232 : vector<16xf32>
        %parallel_loop3A_262 = arith.constant 0.000000e+00 : f32
        %parallel_loop3A_263 = vector.broadcast %parallel_loop3A_262 : f32 to vector<16xf32>
        %parallel_loop3A_264 = arith.maximumf %parallel_loop3A_261, %parallel_loop3A_263 : vector<16xf32>
        %parallel_loop3A_265 = arith.constant 64 : i32
        %parallel_loop3A_266 = arith.addi %parallel_loop3A_265, %parallel_loop3A_138 : i32
        %parallel_loop3A_267 = arith.index_cast %parallel_loop3A_266 : i32 to index
        %parallel_loop3A_268 = arith.constant 16 : index
        %parallel_loop3A_269 = tpu.vector_load %arg12[%parallel_loop3A_267, %parallel_loop3A_268] {strides = array<i32>} : memref<128x144xf32, #tpu.memory_space<vmem>>, vector<16xf32>,
        tpu.vector_store %arg12[%parallel_loop3A_267, %parallel_loop3A_268], %parallel_loop3A_264 {strides = array<i32>} : memref<128x144xf32, #tpu.memory_space<vmem>>, vector<16xf32>,
        %parallel_loop3A_270 = arith.addf %parallel_loop3A_246, %parallel_loop3A_234 : vector<16xf32>
        %parallel_loop3A_271 = arith.constant 0.000000e+00 : f32
        %parallel_loop3A_272 = vector.broadcast %parallel_loop3A_271 : f32 to vector<16xf32>
        %parallel_loop3A_273 = arith.maximumf %parallel_loop3A_270, %parallel_loop3A_272 : vector<16xf32>
        %parallel_loop3A_274 = arith.constant 64 : i32
        %parallel_loop3A_275 = arith.addi %parallel_loop3A_274, %parallel_loop3A_138 : i32
        %parallel_loop3A_276 = arith.index_cast %parallel_loop3A_275 : i32 to index
        %parallel_loop3A_277 = arith.constant 80 : index
        %parallel_loop3A_278 = tpu.vector_load %arg12[%parallel_loop3A_276, %parallel_loop3A_277] {strides = array<i32>} : memref<128x144xf32, #tpu.memory_space<vmem>>, vector<16xf32>,
        tpu.vector_store %arg12[%parallel_loop3A_276, %parallel_loop3A_277], %parallel_loop3A_273 {strides = array<i32>} : memref<128x144xf32, #tpu.memory_space<vmem>>, vector<16xf32>,
        %parallel_loop3A_279 = arith.index_cast %parallel_loop3A_138 : i32 to index
        %parallel_loop3A_280 = arith.constant 32 : index
        %parallel_loop3A_281 = tpu.vector_load %arg10[%parallel_loop3A_279, %parallel_loop3A_280] {strides = array<i32>} : memref<64x128xi32, #tpu.memory_space<vmem>>, vector<16xi32>,
        %parallel_loop3A_282 = arith.index_cast %parallel_loop3A_138 : i32 to index
        %parallel_loop3A_283 = arith.constant 96 : index
        %parallel_loop3A_284 = tpu.vector_load %arg10[%parallel_loop3A_282, %parallel_loop3A_283] {strides = array<i32>} : memref<64x128xi32, #tpu.memory_space<vmem>>, vector<16xi32>,
        %parallel_loop3A_285 = arith.index_cast %parallel_loop3A_138 : i32 to index
        %parallel_loop3A_286 = arith.constant 32 : index
        %parallel_loop3A_287 = tpu.vector_load %arg11[%parallel_loop3A_285, %parallel_loop3A_286] {strides = array<i32>} : memref<128x64xi32, #tpu.memory_space<vmem>>, vector<16xi32>,
        %parallel_loop3A_288 = arith.constant 64 : i32
        %parallel_loop3A_289 = arith.addi %parallel_loop3A_288, %parallel_loop3A_138 : i32
        %parallel_loop3A_290 = arith.index_cast %parallel_loop3A_289 : i32 to index
        %parallel_loop3A_291 = arith.constant 32 : index
        %parallel_loop3A_292 = tpu.vector_load %arg11[%parallel_loop3A_290, %parallel_loop3A_291] {strides = array<i32>} : memref<128x64xi32, #tpu.memory_space<vmem>>, vector<16xi32>,
        %parallel_loop3A_293 = arith.constant 16 : i32
        %parallel_loop3A_294 = vector.broadcast %parallel_loop3A_293 : i32 to vector<16xi32>
        %parallel_loop3A_295 = arith.shli %parallel_loop3A_287, %parallel_loop3A_294 : vector<16xi32>
        %parallel_loop3A_296 = vector.bitcast %parallel_loop3A_295 : vector<16xi32> to vector<16xf32>
        %parallel_loop3A_297 = arith.andi %parallel_loop3A_287, %broadcast_in_dim3A_79 : vector<16xi32>
        %parallel_loop3A_298 = vector.bitcast %parallel_loop3A_297 : vector<16xi32> to vector<16xf32>
        %parallel_loop3A_299 = arith.constant 16 : i32
        %parallel_loop3A_300 = vector.broadcast %parallel_loop3A_299 : i32 to vector<16xi32>
        %parallel_loop3A_301 = arith.shli %parallel_loop3A_292, %parallel_loop3A_300 : vector<16xi32>
        %parallel_loop3A_302 = vector.bitcast %parallel_loop3A_301 : vector<16xi32> to vector<16xf32>
        %parallel_loop3A_303 = arith.andi %parallel_loop3A_292, %broadcast_in_dim3A_79 : vector<16xi32>
        %parallel_loop3A_304 = vector.bitcast %parallel_loop3A_303 : vector<16xi32> to vector<16xf32>
        %parallel_loop3A_305 = arith.constant 16 : i32
        %parallel_loop3A_306 = vector.broadcast %parallel_loop3A_305 : i32 to vector<16xi32>
        %parallel_loop3A_307 = arith.shli %parallel_loop3A_281, %parallel_loop3A_306 : vector<16xi32>
        %parallel_loop3A_308 = vector.bitcast %parallel_loop3A_307 : vector<16xi32> to vector<16xf32>
        %parallel_loop3A_309 = arith.andi %parallel_loop3A_281, %broadcast_in_dim3A_79 : vector<16xi32>
        %parallel_loop3A_310 = vector.bitcast %parallel_loop3A_309 : vector<16xi32> to vector<16xf32>
        %parallel_loop3A_311 = arith.constant 16 : i32
        %parallel_loop3A_312 = vector.broadcast %parallel_loop3A_311 : i32 to vector<16xi32>
        %parallel_loop3A_313 = arith.shli %parallel_loop3A_284, %parallel_loop3A_312 : vector<16xi32>
        %parallel_loop3A_314 = vector.bitcast %parallel_loop3A_313 : vector<16xi32> to vector<16xf32>
        %parallel_loop3A_315 = arith.andi %parallel_loop3A_284, %broadcast_in_dim3A_79 : vector<16xi32>
        %parallel_loop3A_316 = vector.bitcast %parallel_loop3A_315 : vector<16xi32> to vector<16xf32>
        %parallel_loop3A_317 = arith.addf %parallel_loop3A_308, %parallel_loop3A_296 : vector<16xf32>
        %parallel_loop3A_318 = arith.constant 0.000000e+00 : f32
        %parallel_loop3A_319 = vector.broadcast %parallel_loop3A_318 : f32 to vector<16xf32>
        %parallel_loop3A_320 = arith.maximumf %parallel_loop3A_317, %parallel_loop3A_319 : vector<16xf32>
        %parallel_loop3A_321 = arith.index_cast %parallel_loop3A_138 : i32 to index
        %parallel_loop3A_322 = arith.constant 32 : index
        %parallel_loop3A_323 = tpu.vector_load %arg12[%parallel_loop3A_321, %parallel_loop3A_322] {strides = array<i32>} : memref<128x144xf32, #tpu.memory_space<vmem>>, vector<16xf32>,
        tpu.vector_store %arg12[%parallel_loop3A_321, %parallel_loop3A_322], %parallel_loop3A_320 {strides = array<i32>} : memref<128x144xf32, #tpu.memory_space<vmem>>, vector<16xf32>,
        %parallel_loop3A_324 = arith.addf %parallel_loop3A_314, %parallel_loop3A_298 : vector<16xf32>
        %parallel_loop3A_325 = arith.constant 0.000000e+00 : f32
        %parallel_loop3A_326 = vector.broadcast %parallel_loop3A_325 : f32 to vector<16xf32>
        %parallel_loop3A_327 = arith.maximumf %parallel_loop3A_324, %parallel_loop3A_326 : vector<16xf32>
        %parallel_loop3A_328 = arith.index_cast %parallel_loop3A_138 : i32 to index
        %parallel_loop3A_329 = arith.constant 96 : index
        %parallel_loop3A_330 = tpu.vector_load %arg12[%parallel_loop3A_328, %parallel_loop3A_329] {strides = array<i32>} : memref<128x144xf32, #tpu.memory_space<vmem>>, vector<16xf32>,
        tpu.vector_store %arg12[%parallel_loop3A_328, %parallel_loop3A_329], %parallel_loop3A_327 {strides = array<i32>} : memref<128x144xf32, #tpu.memory_space<vmem>>, vector<16xf32>,
        %parallel_loop3A_331 = arith.addf %parallel_loop3A_310, %parallel_loop3A_302 : vector<16xf32>
        %parallel_loop3A_332 = arith.constant 0.000000e+00 : f32
        %parallel_loop3A_333 = vector.broadcast %parallel_loop3A_332 : f32 to vector<16xf32>
        %parallel_loop3A_334 = arith.maximumf %parallel_loop3A_331, %parallel_loop3A_333 : vector<16xf32>
        %parallel_loop3A_335 = arith.constant 64 : i32
        %parallel_loop3A_336 = arith.addi %parallel_loop3A_335, %parallel_loop3A_138 : i32
        %parallel_loop3A_337 = arith.index_cast %parallel_loop3A_336 : i32 to index
        %parallel_loop3A_338 = arith.constant 32 : index
        %parallel_loop3A_339 = tpu.vector_load %arg12[%parallel_loop3A_337, %parallel_loop3A_338] {strides = array<i32>} : memref<128x144xf32, #tpu.memory_space<vmem>>, vector<16xf32>,
        tpu.vector_store %arg12[%parallel_loop3A_337, %parallel_loop3A_338], %parallel_loop3A_334 {strides = array<i32>} : memref<128x144xf32, #tpu.memory_space<vmem>>, vector<16xf32>,
        %parallel_loop3A_340 = arith.addf %parallel_loop3A_316, %parallel_loop3A_304 : vector<16xf32>
        %parallel_loop3A_341 = arith.constant 0.000000e+00 : f32
        %parallel_loop3A_342 = vector.broadcast %parallel_loop3A_341 : f32 to vector<16xf32>
        %parallel_loop3A_343 = arith.maximumf %parallel_loop3A_340, %parallel_loop3A_342 : vector<16xf32>
        %parallel_loop3A_344 = arith.constant 64 : i32
        %parallel_loop3A_345 = arith.addi %parallel_loop3A_344, %parallel_loop3A_138 : i32
        %parallel_loop3A_346 = arith.index_cast %parallel_loop3A_345 : i32 to index
        %parallel_loop3A_347 = arith.constant 96 : index
        %parallel_loop3A_348 = tpu.vector_load %arg12[%parallel_loop3A_346, %parallel_loop3A_347] {strides = array<i32>} : memref<128x144xf32, #tpu.memory_space<vmem>>, vector<16xf32>,
        tpu.vector_store %arg12[%parallel_loop3A_346, %parallel_loop3A_347], %parallel_loop3A_343 {strides = array<i32>} : memref<128x144xf32, #tpu.memory_space<vmem>>, vector<16xf32>,
        %parallel_loop3A_349 = arith.index_cast %parallel_loop3A_138 : i32 to index
        %parallel_loop3A_350 = arith.constant 48 : index
        %parallel_loop3A_351 = tpu.vector_load %arg10[%parallel_loop3A_349, %parallel_loop3A_350] {strides = array<i32>} : memref<64x128xi32, #tpu.memory_space<vmem>>, vector<16xi32>,
        %parallel_loop3A_352 = arith.index_cast %parallel_loop3A_138 : i32 to index
        %parallel_loop3A_353 = arith.constant 112 : index
        %parallel_loop3A_354 = tpu.vector_load %arg10[%parallel_loop3A_352, %parallel_loop3A_353] {strides = array<i32>} : memref<64x128xi32, #tpu.memory_space<vmem>>, vector<16xi32>,
        %parallel_loop3A_355 = arith.index_cast %parallel_loop3A_138 : i32 to index
        %parallel_loop3A_356 = arith.constant 48 : index
        %parallel_loop3A_357 = tpu.vector_load %arg11[%parallel_loop3A_355, %parallel_loop3A_356] {strides = array<i32>} : memref<128x64xi32, #tpu.memory_space<vmem>>, vector<16xi32>,
        %parallel_loop3A_358 = arith.constant 64 : i32
        %parallel_loop3A_359 = arith.addi %parallel_loop3A_358, %parallel_loop3A_138 : i32
        %parallel_loop3A_360 = arith.index_cast %parallel_loop3A_359 : i32 to index
        %parallel_loop3A_361 = arith.constant 48 : index
        %parallel_loop3A_362 = tpu.vector_load %arg11[%parallel_loop3A_360, %parallel_loop3A_361] {strides = array<i32>} : memref<128x64xi32, #tpu.memory_space<vmem>>, vector<16xi32>,
        %parallel_loop3A_363 = arith.constant 16 : i32
        %parallel_loop3A_364 = vector.broadcast %parallel_loop3A_363 : i32 to vector<16xi32>
        %parallel_loop3A_365 = arith.shli %parallel_loop3A_357, %parallel_loop3A_364 : vector<16xi32>
        %parallel_loop3A_366 = vector.bitcast %parallel_loop3A_365 : vector<16xi32> to vector<16xf32>
        %parallel_loop3A_367 = arith.andi %parallel_loop3A_357, %broadcast_in_dim3A_79 : vector<16xi32>
        %parallel_loop3A_368 = vector.bitcast %parallel_loop3A_367 : vector<16xi32> to vector<16xf32>
        %parallel_loop3A_369 = arith.constant 16 : i32
        %parallel_loop3A_370 = vector.broadcast %parallel_loop3A_369 : i32 to vector<16xi32>
        %parallel_loop3A_371 = arith.shli %parallel_loop3A_362, %parallel_loop3A_370 : vector<16xi32>
        %parallel_loop3A_372 = vector.bitcast %parallel_loop3A_371 : vector<16xi32> to vector<16xf32>
        %parallel_loop3A_373 = arith.andi %parallel_loop3A_362, %broadcast_in_dim3A_79 : vector<16xi32>
        %parallel_loop3A_374 = vector.bitcast %parallel_loop3A_373 : vector<16xi32> to vector<16xf32>
        %parallel_loop3A_375 = arith.constant 16 : i32
        %parallel_loop3A_376 = vector.broadcast %parallel_loop3A_375 : i32 to vector<16xi32>
        %parallel_loop3A_377 = arith.shli %parallel_loop3A_351, %parallel_loop3A_376 : vector<16xi32>
        %parallel_loop3A_378 = vector.bitcast %parallel_loop3A_377 : vector<16xi32> to vector<16xf32>
        %parallel_loop3A_379 = arith.andi %parallel_loop3A_351, %broadcast_in_dim3A_79 : vector<16xi32>
        %parallel_loop3A_380 = vector.bitcast %parallel_loop3A_379 : vector<16xi32> to vector<16xf32>
        %parallel_loop3A_381 = arith.constant 16 : i32
        %parallel_loop3A_382 = vector.broadcast %parallel_loop3A_381 : i32 to vector<16xi32>
        %parallel_loop3A_383 = arith.shli %parallel_loop3A_354, %parallel_loop3A_382 : vector<16xi32>
        %parallel_loop3A_384 = vector.bitcast %parallel_loop3A_383 : vector<16xi32> to vector<16xf32>
        %parallel_loop3A_385 = arith.andi %parallel_loop3A_354, %broadcast_in_dim3A_79 : vector<16xi32>
        %parallel_loop3A_386 = vector.bitcast %parallel_loop3A_385 : vector<16xi32> to vector<16xf32>
        %parallel_loop3A_387 = arith.addf %parallel_loop3A_378, %parallel_loop3A_366 : vector<16xf32>
        %parallel_loop3A_388 = arith.constant 0.000000e+00 : f32
        %parallel_loop3A_389 = vector.broadcast %parallel_loop3A_388 : f32 to vector<16xf32>
        %parallel_loop3A_390 = arith.maximumf %parallel_loop3A_387, %parallel_loop3A_389 : vector<16xf32>
        %parallel_loop3A_391 = arith.index_cast %parallel_loop3A_138 : i32 to index
        %parallel_loop3A_392 = arith.constant 48 : index
        %parallel_loop3A_393 = tpu.vector_load %arg12[%parallel_loop3A_391, %parallel_loop3A_392] {strides = array<i32>} : memref<128x144xf32, #tpu.memory_space<vmem>>, vector<16xf32>,
        tpu.vector_store %arg12[%parallel_loop3A_391, %parallel_loop3A_392], %parallel_loop3A_390 {strides = array<i32>} : memref<128x144xf32, #tpu.memory_space<vmem>>, vector<16xf32>,
        %parallel_loop3A_394 = arith.addf %parallel_loop3A_384, %parallel_loop3A_368 : vector<16xf32>
        %parallel_loop3A_395 = arith.constant 0.000000e+00 : f32
        %parallel_loop3A_396 = vector.broadcast %parallel_loop3A_395 : f32 to vector<16xf32>
        %parallel_loop3A_397 = arith.maximumf %parallel_loop3A_394, %parallel_loop3A_396 : vector<16xf32>
        %parallel_loop3A_398 = arith.index_cast %parallel_loop3A_138 : i32 to index
        %parallel_loop3A_399 = arith.constant 112 : index
        %parallel_loop3A_400 = tpu.vector_load %arg12[%parallel_loop3A_398, %parallel_loop3A_399] {strides = array<i32>} : memref<128x144xf32, #tpu.memory_space<vmem>>, vector<16xf32>,
        tpu.vector_store %arg12[%parallel_loop3A_398, %parallel_loop3A_399], %parallel_loop3A_397 {strides = array<i32>} : memref<128x144xf32, #tpu.memory_space<vmem>>, vector<16xf32>,
        %parallel_loop3A_401 = arith.addf %parallel_loop3A_380, %parallel_loop3A_372 : vector<16xf32>
        %parallel_loop3A_402 = arith.constant 0.000000e+00 : f32
        %parallel_loop3A_403 = vector.broadcast %parallel_loop3A_402 : f32 to vector<16xf32>
        %parallel_loop3A_404 = arith.maximumf %parallel_loop3A_401, %parallel_loop3A_403 : vector<16xf32>
        %parallel_loop3A_405 = arith.constant 64 : i32
        %parallel_loop3A_406 = arith.addi %parallel_loop3A_405, %parallel_loop3A_138 : i32
        %parallel_loop3A_407 = arith.index_cast %parallel_loop3A_406 : i32 to index
        %parallel_loop3A_408 = arith.constant 48 : index
        %parallel_loop3A_409 = tpu.vector_load %arg12[%parallel_loop3A_407, %parallel_loop3A_408] {strides = array<i32>} : memref<128x144xf32, #tpu.memory_space<vmem>>, vector<16xf32>,
        tpu.vector_store %arg12[%parallel_loop3A_407, %parallel_loop3A_408], %parallel_loop3A_404 {strides = array<i32>} : memref<128x144xf32, #tpu.memory_space<vmem>>, vector<16xf32>,
        %parallel_loop3A_410 = arith.addf %parallel_loop3A_386, %parallel_loop3A_374 : vector<16xf32>
        %parallel_loop3A_411 = arith.constant 0.000000e+00 : f32
        %parallel_loop3A_412 = vector.broadcast %parallel_loop3A_411 : f32 to vector<16xf32>
        %parallel_loop3A_413 = arith.maximumf %parallel_loop3A_410, %parallel_loop3A_412 : vector<16xf32>
        %parallel_loop3A_414 = arith.constant 64 : i32
        %parallel_loop3A_415 = arith.addi %parallel_loop3A_414, %parallel_loop3A_138 : i32
        %parallel_loop3A_416 = arith.index_cast %parallel_loop3A_415 : i32 to index
        %parallel_loop3A_417 = arith.constant 112 : index
        %parallel_loop3A_418 = tpu.vector_load %arg12[%parallel_loop3A_416, %parallel_loop3A_417] {strides = array<i32>} : memref<128x144xf32, #tpu.memory_space<vmem>>, vector<16xf32>,
        tpu.vector_store %arg12[%parallel_loop3A_416, %parallel_loop3A_417], %parallel_loop3A_413 {strides = array<i32>} : memref<128x144xf32, #tpu.memory_space<vmem>>, vector<16xf32>,
      } {sc.loop_unroll_factor = 4 : i64, sc.parallel_access}
      %add3A_116 = arith.constant 1 : i32
      %add3A_117 = arith.addi %while3A_96, %add3A_116 : i32
      %lt3A_118 = arith.cmpi slt, %add3A_117, %select_n3A : i32
      %convert_element_type3A_119 = arith.extui %lt3A_118 : i1 to i32
      %cond3A_120 = arith.constant 0 : i32
      %cond3A_121 = arith.cmpi ne, %convert_element_type3A_119, %cond3A_120 : i32
      scf.if %cond3A_121 {
        %eq3A_138 = arith.constant 0 : i32
        %eq3A_139 = arith.cmpi eq, %rem3A_99, %eq3A_138 : i32
        %convert_element_type3A_140 = arith.extui %eq3A_139 : i1 to i32
        %cond3A_141 = arith.constant 0 : i32
        %cond3A_142 = arith.cmpi ne, %convert_element_type3A_140, %cond3A_141 : i32
        scf.if %cond3A_142 {
          %dma_wait3A_148 = arith.constant 1 : i32
          %dma_wait3A_149 = arith.constant 0 : i32
          %dma_wait3A_150 = tpu.memref_slice %arg8[%dma_wait3A_148, %dma_wait3A_149] : memref<2x128xi32, #tpu.memory_space<vmem>> -> memref<1x128xi32, #tpu.memory_space<vmem>>
          %dma_wait3A_151 = arith.constant 0 : i32
          %dma_wait3A_152 = arith.constant 0 : i32
          %dma_wait3A_153 = tpu.memref_slice %arg4[%dma_wait3A_151, %dma_wait3A_152] : memref<2500x128xi32, #tpu.memory_space<hbm>> -> memref<1x128xi32, #tpu.memory_space<hbm>>
          %dma_wait3A_154 = arith.constant 1 : i32
          %dma_wait3A_155 = arith.constant 0 : i32
          %dma_wait3A_156 = tpu.memref_slice %arg8[%dma_wait3A_154, %dma_wait3A_155] : memref<2x128xi32, #tpu.memory_space<vmem>> -> memref<1x128xi32, #tpu.memory_space<vmem>>
          %dma_wait3A_157 = arith.constant 0 : i32
          %dma_wait3A_158 = arith.constant 0 : i32
          %dma_wait3A_159 = tpu.memref_slice %arg4[%dma_wait3A_157, %dma_wait3A_158] : memref<2500x128xi32, #tpu.memory_space<hbm>> -> memref<1x128xi32, #tpu.memory_space<hbm>>
          tpu.wait_dma2 semaphore(%arg14 : memref<!tpu.dma_semaphore, #tpu.memory_space<semaphore_mem>>) src(%dma_wait3A_159 : memref<1x128xi32, #tpu.memory_space<hbm>>) dst(%dma_wait3A_156 : memref<1x128xi32, #tpu.memory_space<vmem>>)
          %dma_wait3A_160 = arith.constant 1 : i32
          %dma_wait3A_161 = arith.constant 0 : i32
          %dma_wait3A_162 = tpu.memref_slice %arg9[%dma_wait3A_160, %dma_wait3A_161] : memref<2x128xi32, #tpu.memory_space<vmem>> -> memref<1x128xi32, #tpu.memory_space<vmem>>
          %dma_wait3A_163 = arith.constant 0 : i32
          %dma_wait3A_164 = arith.constant 0 : i32
          %dma_wait3A_165 = tpu.memref_slice %arg5[%dma_wait3A_163, %dma_wait3A_164] : memref<2500x128xi32, #tpu.memory_space<hbm>> -> memref<1x128xi32, #tpu.memory_space<hbm>>
          %dma_wait3A_166 = arith.constant 1 : i32
          %dma_wait3A_167 = arith.constant 0 : i32
          %dma_wait3A_168 = tpu.memref_slice %arg9[%dma_wait3A_166, %dma_wait3A_167] : memref<2x128xi32, #tpu.memory_space<vmem>> -> memref<1x128xi32, #tpu.memory_space<vmem>>
          %dma_wait3A_169 = arith.constant 0 : i32
          %dma_wait3A_170 = arith.constant 0 : i32
          %dma_wait3A_171 = tpu.memref_slice %arg5[%dma_wait3A_169, %dma_wait3A_170] : memref<2500x128xi32, #tpu.memory_space<hbm>> -> memref<1x128xi32, #tpu.memory_space<hbm>>
          tpu.wait_dma2 semaphore(%arg14 : memref<!tpu.dma_semaphore, #tpu.memory_space<semaphore_mem>>) src(%dma_wait3A_171 : memref<1x128xi32, #tpu.memory_space<hbm>>) dst(%dma_wait3A_168 : memref<1x128xi32, #tpu.memory_space<vmem>>)
          %add3A_172 = arith.constant 1 : i32
          %add3A_173 = arith.addi %add3A_98, %add3A_172 : i32
          %mul3A_174 = arith.constant 64 : i32
          %mul3A_175 = arith.muli %add3A_173, %mul3A_174 : i32
          %dma_start3A_176 = arith.constant 0 : i32
          %dma_start3A_177 = tpu.memref_slice %arg3[%mul3A_175, %dma_start3A_176] : memref<160000x128xi32, #tpu.memory_space<hbm>> -> memref<64x128xi32, #tpu.memory_space<hbm>>
          %dma_start3A_178 = arith.constant 0 : i32
          %dma_start3A_179 = tpu.memref_slice %arg3[%mul3A_175, %dma_start3A_178] : memref<160000x128xi32, #tpu.memory_space<hbm>> -> memref<64x128xi32, #tpu.memory_space<hbm>>
          tpu.enqueue_dma source(%dma_start3A_179 : memref<64x128xi32, #tpu.memory_space<hbm>>) target(%arg10 : memref<64x128xi32, #tpu.memory_space<vmem>>) target_semaphore(%arg16 : memref<!tpu.dma_semaphore, #tpu.memory_space<semaphore_mem>>)
          %dma_start3A_180 = arith.constant 1 : i32
          %dma_start3A_181 = arith.constant 0 : i32
          %dma_start3A_182 = tpu.memref_slice %arg8[%dma_start3A_180, %dma_start3A_181] : memref<2x128xi32, #tpu.memory_space<vmem>> -> memref<1x128xi32, #tpu.memory_space<vmem>>
          %dma_start3A_183 = tpu.memref_squeeze %dma_start3A_182 : memref<1x128xi32, #tpu.memory_space<vmem>> -> memref<128xi32, #tpu.memory_space<vmem>>
          %dma_start3A_184 = arith.constant 0 : i32
          %dma_start3A_185 = arith.constant 0 : i32
          %dma_start3A_186 = tpu.memref_slice %arg2[%dma_start3A_184, %dma_start3A_185] : memref<10000x64xi32, #tpu.memory_space<hbm>> -> memref<10000x64xi32, #tpu.memory_space<hbm>>
          tpu.enqueue_indirect_dma source(%dma_start3A_186 : memref<10000x64xi32, #tpu.memory_space<hbm>>) target(%arg11 : memref<128x64xi32, #tpu.memory_space<vmem>>) offsets(%dma_start3A_183 : memref<128xi32, #tpu.memory_space<vmem>>) semaphore(%arg15 : memref<!tpu.dma_semaphore, #tpu.memory_space<semaphore_mem>>)
        } else {
        }
        %eq3A_143 = arith.constant 1 : i32
        %eq3A_144 = arith.cmpi eq, %rem3A_99, %eq3A_143 : i32
        %convert_element_type3A_145 = arith.extui %eq3A_144 : i1 to i32
        %cond3A_146 = arith.constant 0 : i32
        %cond3A_147 = arith.cmpi ne, %convert_element_type3A_145, %cond3A_146 : i32
        scf.if %cond3A_147 {
          %dma_wait3A_148 = arith.constant 0 : i32
          %dma_wait3A_149 = arith.constant 0 : i32
          %dma_wait3A_150 = tpu.memref_slice %arg8[%dma_wait3A_148, %dma_wait3A_149] : memref<2x128xi32, #tpu.memory_space<vmem>> -> memref<1x128xi32, #tpu.memory_space<vmem>>
          %dma_wait3A_151 = arith.constant 0 : i32
          %dma_wait3A_152 = arith.constant 0 : i32
          %dma_wait3A_153 = tpu.memref_slice %arg4[%dma_wait3A_151, %dma_wait3A_152] : memref<2500x128xi32, #tpu.memory_space<hbm>> -> memref<1x128xi32, #tpu.memory_space<hbm>>
          %dma_wait3A_154 = arith.constant 0 : i32
          %dma_wait3A_155 = arith.constant 0 : i32
          %dma_wait3A_156 = tpu.memref_slice %arg8[%dma_wait3A_154, %dma_wait3A_155] : memref<2x128xi32, #tpu.memory_space<vmem>> -> memref<1x128xi32, #tpu.memory_space<vmem>>
          %dma_wait3A_157 = arith.constant 0 : i32
          %dma_wait3A_158 = arith.constant 0 : i32
          %dma_wait3A_159 = tpu.memref_slice %arg4[%dma_wait3A_157, %dma_wait3A_158] : memref<2500x128xi32, #tpu.memory_space<hbm>> -> memref<1x128xi32, #tpu.memory_space<hbm>>
          tpu.wait_dma2 semaphore(%arg13 : memref<!tpu.dma_semaphore, #tpu.memory_space<semaphore_mem>>) src(%dma_wait3A_159 : memref<1x128xi32, #tpu.memory_space<hbm>>) dst(%dma_wait3A_156 : memref<1x128xi32, #tpu.memory_space<vmem>>)
          %dma_wait3A_160 = arith.constant 0 : i32
          %dma_wait3A_161 = arith.constant 0 : i32
          %dma_wait3A_162 = tpu.memref_slice %arg9[%dma_wait3A_160, %dma_wait3A_161] : memref<2x128xi32, #tpu.memory_space<vmem>> -> memref<1x128xi32, #tpu.memory_space<vmem>>
          %dma_wait3A_163 = arith.constant 0 : i32
          %dma_wait3A_164 = arith.constant 0 : i32
          %dma_wait3A_165 = tpu.memref_slice %arg5[%dma_wait3A_163, %dma_wait3A_164] : memref<2500x128xi32, #tpu.memory_space<hbm>> -> memref<1x128xi32, #tpu.memory_space<hbm>>
          %dma_wait3A_166 = arith.constant 0 : i32
          %dma_wait3A_167 = arith.constant 0 : i32
          %dma_wait3A_168 = tpu.memref_slice %arg9[%dma_wait3A_166, %dma_wait3A_167] : memref<2x128xi32, #tpu.memory_space<vmem>> -> memref<1x128xi32, #tpu.memory_space<vmem>>
          %dma_wait3A_169 = arith.constant 0 : i32
          %dma_wait3A_170 = arith.constant 0 : i32
          %dma_wait3A_171 = tpu.memref_slice %arg5[%dma_wait3A_169, %dma_wait3A_170] : memref<2500x128xi32, #tpu.memory_space<hbm>> -> memref<1x128xi32, #tpu.memory_space<hbm>>
          tpu.wait_dma2 semaphore(%arg13 : memref<!tpu.dma_semaphore, #tpu.memory_space<semaphore_mem>>) src(%dma_wait3A_171 : memref<1x128xi32, #tpu.memory_space<hbm>>) dst(%dma_wait3A_168 : memref<1x128xi32, #tpu.memory_space<vmem>>)
          %add3A_172 = arith.constant 1 : i32
          %add3A_173 = arith.addi %add3A_98, %add3A_172 : i32
          %mul3A_174 = arith.constant 64 : i32
          %mul3A_175 = arith.muli %add3A_173, %mul3A_174 : i32
          %dma_start3A_176 = arith.constant 0 : i32
          %dma_start3A_177 = tpu.memref_slice %arg3[%mul3A_175, %dma_start3A_176] : memref<160000x128xi32, #tpu.memory_space<hbm>> -> memref<64x128xi32, #tpu.memory_space<hbm>>
          %dma_start3A_178 = arith.constant 0 : i32
          %dma_start3A_179 = tpu.memref_slice %arg3[%mul3A_175, %dma_start3A_178] : memref<160000x128xi32, #tpu.memory_space<hbm>> -> memref<64x128xi32, #tpu.memory_space<hbm>>
          tpu.enqueue_dma source(%dma_start3A_179 : memref<64x128xi32, #tpu.memory_space<hbm>>) target(%arg10 : memref<64x128xi32, #tpu.memory_space<vmem>>) target_semaphore(%arg16 : memref<!tpu.dma_semaphore, #tpu.memory_space<semaphore_mem>>)
          %dma_start3A_180 = arith.constant 0 : i32
          %dma_start3A_181 = arith.constant 0 : i32
          %dma_start3A_182 = tpu.memref_slice %arg8[%dma_start3A_180, %dma_start3A_181] : memref<2x128xi32, #tpu.memory_space<vmem>> -> memref<1x128xi32, #tpu.memory_space<vmem>>
          %dma_start3A_183 = tpu.memref_squeeze %dma_start3A_182 : memref<1x128xi32, #tpu.memory_space<vmem>> -> memref<128xi32, #tpu.memory_space<vmem>>
          %dma_start3A_184 = arith.constant 0 : i32
          %dma_start3A_185 = arith.constant 0 : i32
          %dma_start3A_186 = tpu.memref_slice %arg2[%dma_start3A_184, %dma_start3A_185] : memref<10000x64xi32, #tpu.memory_space<hbm>> -> memref<10000x64xi32, #tpu.memory_space<hbm>>
          tpu.enqueue_indirect_dma source(%dma_start3A_186 : memref<10000x64xi32, #tpu.memory_space<hbm>>) target(%arg11 : memref<128x64xi32, #tpu.memory_space<vmem>>) offsets(%dma_start3A_183 : memref<128xi32, #tpu.memory_space<vmem>>) semaphore(%arg15 : memref<!tpu.dma_semaphore, #tpu.memory_space<semaphore_mem>>)
        } else {
        }
      } else {
      }
      %eq3A = arith.constant 0 : i32
      %eq3A_122 = arith.cmpi eq, %rem3A_99, %eq3A : i32
      %convert_element_type3A_123 = arith.extui %eq3A_122 : i1 to i32
      %cond3A_124 = arith.constant 0 : i32
      %cond3A_125 = arith.cmpi ne, %convert_element_type3A_123, %cond3A_124 : i32
      scf.if %cond3A_125 {
        %dma_start3A_138 = arith.constant 0 : i32
        %dma_start3A_139 = arith.constant 0 : i32
        %dma_start3A_140 = tpu.memref_slice %arg9[%dma_start3A_138, %dma_start3A_139] : memref<2x128xi32, #tpu.memory_space<vmem>> -> memref<1x128xi32, #tpu.memory_space<vmem>>
        %dma_start3A_141 = tpu.memref_squeeze %dma_start3A_140 : memref<1x128xi32, #tpu.memory_space<vmem>> -> memref<128xi32, #tpu.memory_space<vmem>>
        %dma_start3A_142 = arith.constant 0 : i32
        %dma_start3A_143 = arith.constant 0 : i32
        %dma_start3A_144 = tpu.memref_slice %arg7[%dma_start3A_142, %dma_start3A_143] : memref<10240x144xf32, #tpu.memory_space<vmem_shared>> -> memref<10240x144xf32, #tpu.memory_space<vmem_shared>>
        tpu.enqueue_indirect_dma source(%arg12 : memref<128x144xf32, #tpu.memory_space<vmem>>) target(%dma_start3A_144 : memref<10240x144xf32, #tpu.memory_space<vmem_shared>>) offsets(%dma_start3A_141 : memref<128xi32, #tpu.memory_space<vmem>>) semaphore(%arg17 : memref<!tpu.dma_semaphore, #tpu.memory_space<semaphore_mem>>) {add = true}
        %dma_wait3A_145 = arith.constant 0 : i32
        %dma_wait3A_146 = arith.constant 0 : i32
        %dma_wait3A_147 = tpu.memref_slice %arg9[%dma_wait3A_145, %dma_wait3A_146] : memref<2x128xi32, #tpu.memory_space<vmem>> -> memref<1x128xi32, #tpu.memory_space<vmem>>
        %dma_wait3A_148 = tpu.memref_squeeze %dma_wait3A_147 : memref<1x128xi32, #tpu.memory_space<vmem>> -> memref<128xi32, #tpu.memory_space<vmem>>
        %dma_wait3A_149 = arith.constant 0 : i32
        %dma_wait3A_150 = arith.constant 0 : i32
        %dma_wait3A_151 = tpu.memref_slice %arg7[%dma_wait3A_149, %dma_wait3A_150] : memref<10240x144xf32, #tpu.memory_space<vmem_shared>> -> memref<10240x144xf32, #tpu.memory_space<vmem_shared>>
        tpu.wait_indirect_dma semaphore(%arg17 : memref<!tpu.dma_semaphore, #tpu.memory_space<semaphore_mem>>) src(%arg12 : memref<128x144xf32, #tpu.memory_space<vmem>>) dst(%dma_wait3A_151 : memref<10240x144xf32, #tpu.memory_space<vmem_shared>>)
      } else {
      }
      %eq3A_126 = arith.constant 1 : i32
      %eq3A_127 = arith.cmpi eq, %rem3A_99, %eq3A_126 : i32
      %convert_element_type3A_128 = arith.extui %eq3A_127 : i1 to i32
      %cond3A_129 = arith.constant 0 : i32
      %cond3A_130 = arith.cmpi ne, %convert_element_type3A_128, %cond3A_129 : i32
      scf.if %cond3A_130 {
        %dma_start3A_138 = arith.constant 1 : i32
        %dma_start3A_139 = arith.constant 0 : i32
        %dma_start3A_140 = tpu.memref_slice %arg9[%dma_start3A_138, %dma_start3A_139] : memref<2x128xi32, #tpu.memory_space<vmem>> -> memref<1x128xi32, #tpu.memory_space<vmem>>
        %dma_start3A_141 = tpu.memref_squeeze %dma_start3A_140 : memref<1x128xi32, #tpu.memory_space<vmem>> -> memref<128xi32, #tpu.memory_space<vmem>>
        %dma_start3A_142 = arith.constant 0 : i32
        %dma_start3A_143 = arith.constant 0 : i32
        %dma_start3A_144 = tpu.memref_slice %arg7[%dma_start3A_142, %dma_start3A_143] : memref<10240x144xf32, #tpu.memory_space<vmem_shared>> -> memref<10240x144xf32, #tpu.memory_space<vmem_shared>>
        tpu.enqueue_indirect_dma source(%arg12 : memref<128x144xf32, #tpu.memory_space<vmem>>) target(%dma_start3A_144 : memref<10240x144xf32, #tpu.memory_space<vmem_shared>>) offsets(%dma_start3A_141 : memref<128xi32, #tpu.memory_space<vmem>>) semaphore(%arg17 : memref<!tpu.dma_semaphore, #tpu.memory_space<semaphore_mem>>) {add = true}
        %dma_wait3A_145 = arith.constant 1 : i32
        %dma_wait3A_146 = arith.constant 0 : i32
        %dma_wait3A_147 = tpu.memref_slice %arg9[%dma_wait3A_145, %dma_wait3A_146] : memref<2x128xi32, #tpu.memory_space<vmem>> -> memref<1x128xi32, #tpu.memory_space<vmem>>
        %dma_wait3A_148 = tpu.memref_squeeze %dma_wait3A_147 : memref<1x128xi32, #tpu.memory_space<vmem>> -> memref<128xi32, #tpu.memory_space<vmem>>
        %dma_wait3A_149 = arith.constant 0 : i32
        %dma_wait3A_150 = arith.constant 0 : i32
        %dma_wait3A_151 = tpu.memref_slice %arg7[%dma_wait3A_149, %dma_wait3A_150] : memref<10240x144xf32, #tpu.memory_space<vmem_shared>> -> memref<10240x144xf32, #tpu.memory_space<vmem_shared>>
        tpu.wait_indirect_dma semaphore(%arg17 : memref<!tpu.dma_semaphore, #tpu.memory_space<semaphore_mem>>) src(%arg12 : memref<128x144xf32, #tpu.memory_space<vmem>>) dst(%dma_wait3A_151 : memref<10240x144xf32, #tpu.memory_space<vmem_shared>>)
      } else {
      }
      %add3A_131 = arith.constant 2 : i32
      %add3A_132 = arith.addi %while3A_96, %add3A_131 : i32
      %lt3A_133 = arith.cmpi slt, %add3A_132, %select_n3A : i32
      %convert_element_type3A_134 = arith.extui %lt3A_133 : i1 to i32
      %cond3A_135 = arith.constant 0 : i32
      %cond3A_136 = arith.cmpi ne, %convert_element_type3A_134, %cond3A_135 : i32
      scf.if %cond3A_136 {
        %eq3A_138 = arith.constant 0 : i32
        %eq3A_139 = arith.cmpi eq, %rem3A_99, %eq3A_138 : i32
        %convert_element_type3A_140 = arith.extui %eq3A_139 : i1 to i32
        %cond3A_141 = arith.constant 0 : i32
        %cond3A_142 = arith.cmpi ne, %convert_element_type3A_140, %cond3A_141 : i32
        scf.if %cond3A_142 {
          %add3A_148 = arith.constant 2 : i32
          %add3A_149 = arith.addi %add3A_98, %add3A_148 : i32
          %dma_start3A_150 = arith.constant 0 : i32
          %dma_start3A_151 = arith.constant 0 : i32
          %dma_start3A_152 = tpu.memref_slice %arg8[%dma_start3A_150, %dma_start3A_151] : memref<2x128xi32, #tpu.memory_space<vmem>> -> memref<1x128xi32, #tpu.memory_space<vmem>>
          %dma_start3A_153 = arith.constant 0 : i32
          %dma_start3A_154 = tpu.memref_slice %arg4[%add3A_149, %dma_start3A_153] : memref<2500x128xi32, #tpu.memory_space<hbm>> -> memref<1x128xi32, #tpu.memory_space<hbm>>
          %dma_start3A_155 = arith.constant 0 : i32
          %dma_start3A_156 = arith.constant 0 : i32
          %dma_start3A_157 = tpu.memref_slice %arg8[%dma_start3A_155, %dma_start3A_156] : memref<2x128xi32, #tpu.memory_space<vmem>> -> memref<1x128xi32, #tpu.memory_space<vmem>>
          %dma_start3A_158 = arith.constant 0 : i32
          %dma_start3A_159 = tpu.memref_slice %arg4[%add3A_149, %dma_start3A_158] : memref<2500x128xi32, #tpu.memory_space<hbm>> -> memref<1x128xi32, #tpu.memory_space<hbm>>
          tpu.enqueue_dma source(%dma_start3A_159 : memref<1x128xi32, #tpu.memory_space<hbm>>) target(%dma_start3A_157 : memref<1x128xi32, #tpu.memory_space<vmem>>) target_semaphore(%arg13 : memref<!tpu.dma_semaphore, #tpu.memory_space<semaphore_mem>>)
          %dma_start3A_160 = arith.constant 0 : i32
          %dma_start3A_161 = arith.constant 0 : i32
          %dma_start3A_162 = tpu.memref_slice %arg9[%dma_start3A_160, %dma_start3A_161] : memref<2x128xi32, #tpu.memory_space<vmem>> -> memref<1x128xi32, #tpu.memory_space<vmem>>
          %dma_start3A_163 = arith.constant 0 : i32
          %dma_start3A_164 = tpu.memref_slice %arg5[%add3A_149, %dma_start3A_163] : memref<2500x128xi32, #tpu.memory_space<hbm>> -> memref<1x128xi32, #tpu.memory_space<hbm>>
          %dma_start3A_165 = arith.constant 0 : i32
          %dma_start3A_166 = arith.constant 0 : i32
          %dma_start3A_167 = tpu.memref_slice %arg9[%dma_start3A_165, %dma_start3A_166] : memref<2x128xi32, #tpu.memory_space<vmem>> -> memref<1x128xi32, #tpu.memory_space<vmem>>
          %dma_start3A_168 = arith.constant 0 : i32
          %dma_start3A_169 = tpu.memref_slice %arg5[%add3A_149, %dma_start3A_168] : memref<2500x128xi32, #tpu.memory_space<hbm>> -> memref<1x128xi32, #tpu.memory_space<hbm>>
          tpu.enqueue_dma source(%dma_start3A_169 : memref<1x128xi32, #tpu.memory_space<hbm>>) target(%dma_start3A_167 : memref<1x128xi32, #tpu.memory_space<vmem>>) target_semaphore(%arg13 : memref<!tpu.dma_semaphore, #tpu.memory_space<semaphore_mem>>)
        } else {
        }
        %eq3A_143 = arith.constant 1 : i32
        %eq3A_144 = arith.cmpi eq, %rem3A_99, %eq3A_143 : i32
        %convert_element_type3A_145 = arith.extui %eq3A_144 : i1 to i32
        %cond3A_146 = arith.constant 0 : i32
        %cond3A_147 = arith.cmpi ne, %convert_element_type3A_145, %cond3A_146 : i32
        scf.if %cond3A_147 {
          %add3A_148 = arith.constant 2 : i32
          %add3A_149 = arith.addi %add3A_98, %add3A_148 : i32
          %dma_start3A_150 = arith.constant 1 : i32
          %dma_start3A_151 = arith.constant 0 : i32
          %dma_start3A_152 = tpu.memref_slice %arg8[%dma_start3A_150, %dma_start3A_151] : memref<2x128xi32, #tpu.memory_space<vmem>> -> memref<1x128xi32, #tpu.memory_space<vmem>>
          %dma_start3A_153 = arith.constant 0 : i32
          %dma_start3A_154 = tpu.memref_slice %arg4[%add3A_149, %dma_start3A_153] : memref<2500x128xi32, #tpu.memory_space<hbm>> -> memref<1x128xi32, #tpu.memory_space<hbm>>
          %dma_start3A_155 = arith.constant 1 : i32
          %dma_start3A_156 = arith.constant 0 : i32
          %dma_start3A_157 = tpu.memref_slice %arg8[%dma_start3A_155, %dma_start3A_156] : memref<2x128xi32, #tpu.memory_space<vmem>> -> memref<1x128xi32, #tpu.memory_space<vmem>>
          %dma_start3A_158 = arith.constant 0 : i32
          %dma_start3A_159 = tpu.memref_slice %arg4[%add3A_149, %dma_start3A_158] : memref<2500x128xi32, #tpu.memory_space<hbm>> -> memref<1x128xi32, #tpu.memory_space<hbm>>
          tpu.enqueue_dma source(%dma_start3A_159 : memref<1x128xi32, #tpu.memory_space<hbm>>) target(%dma_start3A_157 : memref<1x128xi32, #tpu.memory_space<vmem>>) target_semaphore(%arg14 : memref<!tpu.dma_semaphore, #tpu.memory_space<semaphore_mem>>)
          %dma_start3A_160 = arith.constant 1 : i32
          %dma_start3A_161 = arith.constant 0 : i32
          %dma_start3A_162 = tpu.memref_slice %arg9[%dma_start3A_160, %dma_start3A_161] : memref<2x128xi32, #tpu.memory_space<vmem>> -> memref<1x128xi32, #tpu.memory_space<vmem>>
          %dma_start3A_163 = arith.constant 0 : i32
          %dma_start3A_164 = tpu.memref_slice %arg5[%add3A_149, %dma_start3A_163] : memref<2500x128xi32, #tpu.memory_space<hbm>> -> memref<1x128xi32, #tpu.memory_space<hbm>>
          %dma_start3A_165 = arith.constant 1 : i32
          %dma_start3A_166 = arith.constant 0 : i32
          %dma_start3A_167 = tpu.memref_slice %arg9[%dma_start3A_165, %dma_start3A_166] : memref<2x128xi32, #tpu.memory_space<vmem>> -> memref<1x128xi32, #tpu.memory_space<vmem>>
          %dma_start3A_168 = arith.constant 0 : i32
          %dma_start3A_169 = tpu.memref_slice %arg5[%add3A_149, %dma_start3A_168] : memref<2500x128xi32, #tpu.memory_space<hbm>> -> memref<1x128xi32, #tpu.memory_space<hbm>>
          tpu.enqueue_dma source(%dma_start3A_169 : memref<1x128xi32, #tpu.memory_space<hbm>>) target(%dma_start3A_167 : memref<1x128xi32, #tpu.memory_space<vmem>>) target_semaphore(%arg14 : memref<!tpu.dma_semaphore, #tpu.memory_space<semaphore_mem>>)
        } else {
        }
      } else {
      }
      %while3A_137 = arith.constant 0 : i32
      scf.yield %while3A_137 : i32
    }
    %barrier3A_91 = arith.constant 0 : index
    tpu.barrier barrier_id(%barrier3A_91)
    %mul3A_92 = arith.constant 640 : i32
    %mul3A_93 = arith.muli %arg1, %mul3A_92 : i32
    %mul3A_94 = arith.constant 640 : i32
    %mul3A_95 = arith.muli %arg1, %mul3A_94 : i32
    "tpu.region"() ({
      %run_scoped3A = tpu.sem_alloc : memref<!tpu.dma_semaphore, #tpu.memory_space<semaphore_mem>>
      %dma_start3A_96 = arith.constant 0 : i32
      %dma_start3A_97 = tpu.memref_slice %arg6[%arg0, %mul3A_95, %dma_start3A_96] : memref<2x10240x144xf32, #tpu.memory_space<hbm>> -> memref<1x640x144xf32, #tpu.memory_space<hbm>>
      %dma_start3A_98 = tpu.memref_squeeze %dma_start3A_97 : memref<1x640x144xf32, #tpu.memory_space<hbm>> -> memref<640x144xf32, #tpu.memory_space<hbm>>
      %dma_start3A_99 = arith.constant 0 : i32
      %dma_start3A_100 = tpu.memref_slice %arg7[%mul3A_93, %dma_start3A_99] : memref<10240x144xf32, #tpu.memory_space<vmem_shared>> -> memref<640x144xf32, #tpu.memory_space<vmem_shared>>
      tpu.enqueue_dma source(%dma_start3A_100 : memref<640x144xf32, #tpu.memory_space<vmem_shared>>) target(%dma_start3A_98 : memref<640x144xf32, #tpu.memory_space<hbm>>) target_semaphore(%run_scoped3A : memref<!tpu.dma_semaphore, #tpu.memory_space<semaphore_mem>>)
      %dma_wait3A_101 = arith.constant 0 : i32
      %dma_wait3A_102 = tpu.memref_slice %arg6[%arg0, %mul3A_95, %dma_wait3A_101] : memref<2x10240x144xf32, #tpu.memory_space<hbm>> -> memref<1x640x144xf32, #tpu.memory_space<hbm>>
      %dma_wait3A_103 = tpu.memref_squeeze %dma_wait3A_102 : memref<1x640x144xf32, #tpu.memory_space<hbm>> -> memref<640x144xf32, #tpu.memory_space<hbm>>
      %dma_wait3A_104 = arith.constant 0 : i32
      %dma_wait3A_105 = tpu.memref_slice %arg7[%mul3A_93, %dma_wait3A_104] : memref<10240x144xf32, #tpu.memory_space<vmem_shared>> -> memref<640x144xf32, #tpu.memory_space<vmem_shared>>
      tpu.wait_dma2 semaphore(%run_scoped3A : memref<!tpu.dma_semaphore, #tpu.memory_space<semaphore_mem>>) src(%dma_wait3A_105 : memref<640x144xf32, #tpu.memory_space<vmem_shared>>) dst(%dma_wait3A_103 : memref<640x144xf32, #tpu.memory_space<hbm>>)
      tpu.yield
    }) : () -> ()
    return
  }
}

module attributes {stable_mosaic.version = 14 : i64} {
  func.func @_mm_kernel(%arg0: i32, %arg1: memref<2000x128xf32, #tpu.memory_space<vmem>>, %arg2: memref<128x128xf32, #tpu.memory_space<vmem>>, %arg3: memref<2000x64xi32, #tpu.memory_space<vmem>>) attributes {dimension_semantics = [#tpu.dimension_semantics<arbitrary>], iteration_bounds = array<i64: 5>, scalar_prefetch = 0 : i64, scratch_operands = 0 : i64, tpu.core_type = #tpu.core_type<tc>, window_params = [{transform_indices = @transform_0, window_bounds = array<i64: 2000, 128>}, {pipeline_mode = #tpu.pipeline_mode<synchronous>, transform_indices = @transform_1, window_bounds = array<i64: 128, 128>}, {transform_indices = @transform_2, window_bounds = array<i64: 2000, 64>}]} {
    %get3A = arith.constant 0 : index
    %get3A_0 = arith.constant 0 : index
    %get3A_1 = vector.load %arg1[%get3A, %get3A_0] : memref<2000x128xf32, #tpu.memory_space<vmem>>, vector<2000x128xf32>
    %get3A_2 = arith.constant 0 : index
    %get3A_3 = arith.constant 0 : index
    %get3A_4 = vector.load %arg2[%get3A_2, %get3A_3] : memref<128x128xf32, #tpu.memory_space<vmem>>, vector<128x128xf32>
    %dot_general3A = arith.constant dense<0.000000e+00> : vector<2000x128xf32>
    %dot_general3A_5 = tpu.matmul %get3A_1, %get3A_4, %dot_general3A {dimension_numbers = #tpu.dot_dimension_numbers<[1], [0], [0], [1], [0, 0, 1, 1], [], []>, transpose_lhs_hint = false} : vector<2000x128xf32>, vector<128x128xf32>, vector<2000x128xf32> -> vector<2000x128xf32>
    %slice3A = vector.extract_strided_slice %dot_general3A_5 {offsets = [0, 0], sizes = [2000, 64], strides = [1, 1]} : vector<2000x128xf32> to vector<2000x64xf32>
    %slice3A_6 = vector.extract_strided_slice %dot_general3A_5 {offsets = [0, 64], sizes = [2000, 64], strides = [1, 1]} : vector<2000x128xf32> to vector<2000x64xf32>
    %bitcast_convert_type3A = tpu.bitcast %slice3A : vector<2000x64xf32> -> vector<2000x64xi32>
    %bitcast_convert_type3A_7 = tpu.bitcast %slice3A_6 : vector<2000x64xf32> -> vector<2000x64xi32>
    %add3A = arith.constant 32767 : i32
    %add3A_8 = vector.broadcast %add3A : i32 to vector<2000x64xi32>
    %add3A_9 = arith.addi %bitcast_convert_type3A, %add3A_8 : vector<2000x64xi32>
    %shift_right_logical3A = arith.constant 16 : i32
    %shift_right_logical3A_10 = vector.broadcast %shift_right_logical3A : i32 to vector<2000x64xi32>
    %shift_right_logical3A_11 = arith.shrui %bitcast_convert_type3A, %shift_right_logical3A_10 : vector<2000x64xi32>
    %and3A = arith.constant 1 : i32
    %and3A_12 = vector.broadcast %and3A : i32 to vector<2000x64xi32>
    %and3A_13 = arith.andi %shift_right_logical3A_11, %and3A_12 : vector<2000x64xi32>
    %add3A_14 = arith.addi %add3A_9, %and3A_13 : vector<2000x64xi32>
    %add3A_15 = arith.constant 32767 : i32
    %add3A_16 = vector.broadcast %add3A_15 : i32 to vector<2000x64xi32>
    %add3A_17 = arith.addi %bitcast_convert_type3A_7, %add3A_16 : vector<2000x64xi32>
    %shift_right_logical3A_18 = arith.constant 16 : i32
    %shift_right_logical3A_19 = vector.broadcast %shift_right_logical3A_18 : i32 to vector<2000x64xi32>
    %shift_right_logical3A_20 = arith.shrui %bitcast_convert_type3A_7, %shift_right_logical3A_19 : vector<2000x64xi32>
    %and3A_21 = arith.constant 1 : i32
    %and3A_22 = vector.broadcast %and3A_21 : i32 to vector<2000x64xi32>
    %and3A_23 = arith.andi %shift_right_logical3A_20, %and3A_22 : vector<2000x64xi32>
    %add3A_24 = arith.addi %add3A_17, %and3A_23 : vector<2000x64xi32>
    %shift_right_logical3A_25 = arith.constant 16 : i32
    %shift_right_logical3A_26 = vector.broadcast %shift_right_logical3A_25 : i32 to vector<2000x64xi32>
    %shift_right_logical3A_27 = arith.shrui %add3A_14, %shift_right_logical3A_26 : vector<2000x64xi32>
    %and3A_28 = arith.constant -65536 : i32
    %and3A_29 = vector.broadcast %and3A_28 : i32 to vector<2000x64xi32>
    %and3A_30 = arith.andi %add3A_24, %and3A_29 : vector<2000x64xi32>
    %or3A = arith.ori %and3A_30, %shift_right_logical3A_27 : vector<2000x64xi32>
    %swap3A = arith.constant 0 : index
    %swap3A_31 = arith.constant 0 : index
    %swap3A_32 = vector.load %arg3[%swap3A, %swap3A_31] : memref<2000x64xi32, #tpu.memory_space<vmem>>, vector<2000x64xi32>
    tpu.vector_store %arg3[%swap3A, %swap3A_31], %or3A {strides = array<i32>} : memref<2000x64xi32, #tpu.memory_space<vmem>>, vector<2000x64xi32>,
    return
  }
  func.func @transform_0(%arg0: i32) -> (i32, i32) {
    %c0_i32 = arith.constant 0 : i32
    %c0_i32_0 = arith.constant 0 : i32
    return %arg0, %c0_i32 : i32, i32
  }
  func.func @transform_1(%arg0: i32) -> (i32, i32) {
    %c0_i32 = arith.constant 0 : i32
    %c0_i32_0 = arith.constant 0 : i32
    %c0_i32_1 = arith.constant 0 : i32
    return %c0_i32, %c0_i32_0 : i32, i32
  }
  func.func @transform_2(%arg0: i32) -> (i32, i32) {
    %c0_i32 = arith.constant 0 : i32
    %c0_i32_0 = arith.constant 0 : i32
    return %arg0, %c0_i32 : i32, i32
  }
}

module attributes {stable_mosaic.version = 14 : i64} {
  func.func @_edge_pre_kernel(%arg0: i32, %arg1: memref<16x6400xf32, #tpu.memory_space<vmem>>, %arg2: memref<16x128xf32, #tpu.memory_space<vmem>>, %arg3: memref<128xf32, #tpu.memory_space<vmem>>, %arg4: memref<3200x128xi32, #tpu.memory_space<vmem>>) attributes {dimension_semantics = [#tpu.dimension_semantics<arbitrary>], iteration_bounds = array<i64: 50>, scalar_prefetch = 0 : i64, scratch_operands = 0 : i64, tpu.core_type = #tpu.core_type<tc>, window_params = [{transform_indices = @transform_0, window_bounds = array<i64: 16, 6400>}, {pipeline_mode = #tpu.pipeline_mode<synchronous>, transform_indices = @transform_1, window_bounds = array<i64: 16, 128>}, {pipeline_mode = #tpu.pipeline_mode<synchronous>, transform_indices = @transform_2, window_bounds = array<i64: 128>}, {transform_indices = @transform_3, window_bounds = array<i64: 3200, 128>}]} {
    %get3A = arith.constant 0 : index
    %get3A_0 = arith.constant 0 : index
    %get3A_1 = vector.load %arg1[%get3A, %get3A_0] : memref<16x6400xf32, #tpu.memory_space<vmem>>, vector<16x6400xf32>
    %get3A_2 = arith.constant 0 : index
    %get3A_3 = arith.constant 0 : index
    %get3A_4 = vector.load %arg2[%get3A_2, %get3A_3] : memref<16x128xf32, #tpu.memory_space<vmem>>, vector<16x128xf32>
    %dot_general3A = arith.constant dense<0.000000e+00> : vector<6400x128xf32>
    %dot_general3A_5 = tpu.matmul %get3A_1, %get3A_4, %dot_general3A {dimension_numbers = #tpu.dot_dimension_numbers<[0], [0], [1], [1], [0, 1, 1, 1], [], []>, transpose_lhs_hint = false} : vector<16x6400xf32>, vector<16x128xf32>, vector<6400x128xf32> -> vector<6400x128xf32>
    %get3A_6 = arith.constant 0 : index
    %get3A_7 = vector.load %arg3[%get3A_6] : memref<128xf32, #tpu.memory_space<vmem>>, vector<128xf32>
    %broadcast_in_dim3A = vector.shape_cast %get3A_7 : vector<128xf32> to vector<1x128xf32>
    %add3A = vector.broadcast %broadcast_in_dim3A : vector<1x128xf32> to vector<6400x128xf32>
    %add3A_8 = arith.addf %dot_general3A_5, %add3A : vector<6400x128xf32>
    %reshape3A = vector.shape_cast %add3A_8 : vector<6400x128xf32> to vector<50x128x128xf32>
    %slice3A = vector.extract_strided_slice %reshape3A {offsets = [0, 0, 0], sizes = [50, 64, 128], strides = [1, 1, 1]} : vector<50x128x128xf32> to vector<50x64x128xf32>
    %slice3A_9 = vector.extract_strided_slice %reshape3A {offsets = [0, 64, 0], sizes = [50, 64, 128], strides = [1, 1, 1]} : vector<50x128x128xf32> to vector<50x64x128xf32>
    %bitcast_convert_type3A = tpu.bitcast %slice3A : vector<50x64x128xf32> -> vector<50x64x128xi32>
    %bitcast_convert_type3A_10 = tpu.bitcast %slice3A_9 : vector<50x64x128xf32> -> vector<50x64x128xi32>
    %add3A_11 = arith.constant 32767 : i32
    %add3A_12 = vector.broadcast %add3A_11 : i32 to vector<50x64x128xi32>
    %add3A_13 = arith.addi %bitcast_convert_type3A, %add3A_12 : vector<50x64x128xi32>
    %shift_right_logical3A = arith.constant 16 : i32
    %shift_right_logical3A_14 = vector.broadcast %shift_right_logical3A : i32 to vector<50x64x128xi32>
    %shift_right_logical3A_15 = arith.shrui %bitcast_convert_type3A, %shift_right_logical3A_14 : vector<50x64x128xi32>
    %and3A = arith.constant 1 : i32
    %and3A_16 = vector.broadcast %and3A : i32 to vector<50x64x128xi32>
    %and3A_17 = arith.andi %shift_right_logical3A_15, %and3A_16 : vector<50x64x128xi32>
    %add3A_18 = arith.addi %add3A_13, %and3A_17 : vector<50x64x128xi32>
    %add3A_19 = arith.constant 32767 : i32
    %add3A_20 = vector.broadcast %add3A_19 : i32 to vector<50x64x128xi32>
    %add3A_21 = arith.addi %bitcast_convert_type3A_10, %add3A_20 : vector<50x64x128xi32>
    %shift_right_logical3A_22 = arith.constant 16 : i32
    %shift_right_logical3A_23 = vector.broadcast %shift_right_logical3A_22 : i32 to vector<50x64x128xi32>
    %shift_right_logical3A_24 = arith.shrui %bitcast_convert_type3A_10, %shift_right_logical3A_23 : vector<50x64x128xi32>
    %and3A_25 = arith.constant 1 : i32
    %and3A_26 = vector.broadcast %and3A_25 : i32 to vector<50x64x128xi32>
    %and3A_27 = arith.andi %shift_right_logical3A_24, %and3A_26 : vector<50x64x128xi32>
    %add3A_28 = arith.addi %add3A_21, %and3A_27 : vector<50x64x128xi32>
    %shift_right_logical3A_29 = arith.constant 16 : i32
    %shift_right_logical3A_30 = vector.broadcast %shift_right_logical3A_29 : i32 to vector<50x64x128xi32>
    %shift_right_logical3A_31 = arith.shrui %add3A_18, %shift_right_logical3A_30 : vector<50x64x128xi32>
    %and3A_32 = arith.constant -65536 : i32
    %and3A_33 = vector.broadcast %and3A_32 : i32 to vector<50x64x128xi32>
    %and3A_34 = arith.andi %add3A_28, %and3A_33 : vector<50x64x128xi32>
    %or3A = arith.ori %and3A_34, %shift_right_logical3A_31 : vector<50x64x128xi32>
    %reshape3A_35 = vector.shape_cast %or3A : vector<50x64x128xi32> to vector<3200x128xi32>
    %swap3A = arith.constant 0 : index
    %swap3A_36 = arith.constant 0 : index
    %swap3A_37 = vector.load %arg4[%swap3A, %swap3A_36] : memref<3200x128xi32, #tpu.memory_space<vmem>>, vector<3200x128xi32>
    tpu.vector_store %arg4[%swap3A, %swap3A_36], %reshape3A_35 {strides = array<i32>} : memref<3200x128xi32, #tpu.memory_space<vmem>>, vector<3200x128xi32>,
    return
  }
  func.func @transform_0(%arg0: i32) -> (i32, i32) {
    %c0_i32 = arith.constant 0 : i32
    %c0_i32_0 = arith.constant 0 : i32
    return %c0_i32, %arg0 : i32, i32
  }
  func.func @transform_1(%arg0: i32) -> (i32, i32) {
    %c0_i32 = arith.constant 0 : i32
    %c0_i32_0 = arith.constant 0 : i32
    %c0_i32_1 = arith.constant 0 : i32
    return %c0_i32, %c0_i32_0 : i32, i32
  }
  func.func @transform_2(%arg0: i32) -> i32 {
    %c0_i32 = arith.constant 0 : i32
    %c0_i32_0 = arith.constant 0 : i32
    return %c0_i32 : i32
  }
  func.func @transform_3(%arg0: i32) -> (i32, i32) {
    %c0_i32 = arith.constant 0 : i32
    %c0_i32_0 = arith.constant 0 : i32
    return %arg0, %c0_i32 : i32, i32
  }
}

module attributes {stable_mosaic.version = 14 : i64} {
  func.func @_node_mlp_kernel(%arg0: i32, %arg1: memref<1000x128xf32, #tpu.memory_space<vmem>>, %arg2: memref<2x1000x144xf32, #tpu.memory_space<vmem>>, %arg3: memref<1x1x1000xi32, #tpu.memory_space<vmem>>, %arg4: memref<8x16xf32, #tpu.memory_space<vmem>>, %arg5: memref<128x128xf32, #tpu.memory_space<vmem>>, %arg6: memref<128xf32, #tpu.memory_space<vmem>>, %arg7: memref<272x128xf32, #tpu.memory_space<vmem>>, %arg8: memref<128xf32, #tpu.memory_space<vmem>>, %arg9: memref<128x128xf32, #tpu.memory_space<vmem>>, %arg10: memref<128xf32, #tpu.memory_space<vmem>>, %arg11: memref<1000x128xf32, #tpu.memory_space<vmem>>) attributes {dimension_semantics = [#tpu.dimension_semantics<arbitrary>], iteration_bounds = array<i64: 10>, scalar_prefetch = 0 : i64, scratch_operands = 0 : i64, tpu.core_type = #tpu.core_type<tc>, window_params = [{transform_indices = @transform_0, window_bounds = array<i64: 1000, 128>}, {transform_indices = @transform_1, window_bounds = array<i64: 2, 1000, 144>}, {transform_indices = @transform_2, window_bounds = array<i64: 1, 1, 1000>}, {pipeline_mode = #tpu.pipeline_mode<synchronous>, transform_indices = @transform_3, window_bounds = array<i64: 8, 16>}, {pipeline_mode = #tpu.pipeline_mode<synchronous>, transform_indices = @transform_4, window_bounds = array<i64: 128, 128>}, {pipeline_mode = #tpu.pipeline_mode<synchronous>, transform_indices = @transform_5, window_bounds = array<i64: 128>}, {pipeline_mode = #tpu.pipeline_mode<synchronous>, transform_indices = @transform_6, window_bounds = array<i64: 272, 128>}, {pipeline_mode = #tpu.pipeline_mode<synchronous>, transform_indices = @transform_7, window_bounds = array<i64: 128>}, {pipeline_mode = #tpu.pipeline_mode<synchronous>, transform_indices = @transform_8, window_bounds = array<i64: 128, 128>}, {pipeline_mode = #tpu.pipeline_mode<synchronous>, transform_indices = @transform_9, window_bounds = array<i64: 128>}, {transform_indices = @transform_10, window_bounds = array<i64: 1000, 128>}]} {
    %get3A = arith.constant 0 : index
    %get3A_0 = arith.constant 0 : index
    %get3A_1 = arith.constant 0 : index
    %get3A_2 = vector.load %arg2[%get3A, %get3A_0, %get3A_1] : memref<2x1000x144xf32, #tpu.memory_space<vmem>>, vector<1x1000x128xf32>
    %get3A_3 = vector.shape_cast %get3A_2 : vector<1x1000x128xf32> to vector<1000x128xf32>
    %get3A_4 = arith.constant 1 : index
    %get3A_5 = arith.constant 0 : index
    %get3A_6 = arith.constant 0 : index
    %get3A_7 = vector.load %arg2[%get3A_4, %get3A_5, %get3A_6] : memref<2x1000x144xf32, #tpu.memory_space<vmem>>, vector<1x1000x128xf32>
    %get3A_8 = vector.shape_cast %get3A_7 : vector<1x1000x128xf32> to vector<1000x128xf32>
    %add3A = arith.addf %get3A_3, %get3A_8 : vector<1000x128xf32>
    %get3A_9 = arith.constant 0 : index
    %get3A_10 = arith.constant 0 : index
    %get3A_11 = arith.constant 128 : index
    %get3A_12 = vector.load %arg2[%get3A_9, %get3A_10, %get3A_11] : memref<2x1000x144xf32, #tpu.memory_space<vmem>>, vector<1x1000x1xf32>
    %get3A_13 = vector.shape_cast %get3A_12 : vector<1x1000x1xf32> to vector<1000x1xf32>
    %get3A_14 = arith.constant 1 : index
    %get3A_15 = arith.constant 0 : index
    %get3A_16 = arith.constant 128 : index
    %get3A_17 = vector.load %arg2[%get3A_14, %get3A_15, %get3A_16] : memref<2x1000x144xf32, #tpu.memory_space<vmem>>, vector<1x1000x1xf32>
    %get3A_18 = vector.shape_cast %get3A_17 : vector<1x1000x1xf32> to vector<1000x1xf32>
    %add3A_19 = arith.addf %get3A_13, %get3A_18 : vector<1000x1xf32>
    %max3A = arith.constant 1.000000e+00 : f32
    %max3A_20 = vector.broadcast %max3A : f32 to vector<1000x1xf32>
    %max3A_21 = arith.maximumf %add3A_19, %max3A_20 : vector<1000x1xf32>
    %div3A = arith.constant 1.000000e+00 : f32
    %div3A_22 = vector.broadcast %div3A : f32 to vector<1000x1xf32>
    %div3A_23 = arith.divf %div3A_22, %max3A_21 : vector<1000x1xf32>
    %get3A_24 = arith.constant 0 : index
    %get3A_25 = arith.constant 0 : index
    %get3A_26 = vector.load %arg5[%get3A_24, %get3A_25] : memref<128x128xf32, #tpu.memory_space<vmem>>, vector<128x128xf32>
    %dot_general3A = arith.constant dense<0.000000e+00> : vector<1000x128xf32>
    %dot_general3A_27 = tpu.matmul %add3A, %get3A_26, %dot_general3A {dimension_numbers = #tpu.dot_dimension_numbers<[1], [0], [0], [1], [0, 0, 1, 1], [], []>, transpose_lhs_hint = false} : vector<1000x128xf32>, vector<128x128xf32>, vector<1000x128xf32> -> vector<1000x128xf32>
    %get3A_28 = arith.constant 0 : index
    %get3A_29 = vector.load %arg6[%get3A_28] : memref<128xf32, #tpu.memory_space<vmem>>, vector<128xf32>
    %broadcast_in_dim3A = vector.shape_cast %get3A_29 : vector<128xf32> to vector<1x128xf32>
    %mul3A = vector.broadcast %add3A_19 : vector<1000x1xf32> to vector<1000x128xf32>
    %mul3A_30 = vector.broadcast %broadcast_in_dim3A : vector<1x128xf32> to vector<1000x128xf32>
    %mul3A_31 = arith.mulf %mul3A, %mul3A_30 : vector<1000x128xf32>
    %add3A_32 = arith.addf %dot_general3A_27, %mul3A_31 : vector<1000x128xf32>
    %mul3A_33 = vector.broadcast %div3A_23 : vector<1000x1xf32> to vector<1000x128xf32>
    %mul3A_34 = arith.mulf %add3A_32, %mul3A_33 : vector<1000x128xf32>
    %get3A_35 = arith.constant 0 : index
    %get3A_36 = arith.constant 0 : index
    %get3A_37 = arith.constant 0 : index
    %get3A_38 = vector.load %arg3[%get3A_35, %get3A_36, %get3A_37] : memref<1x1x1000xi32, #tpu.memory_space<vmem>>, vector<1x1x1000xi32>
    %get3A_39 = vector.shape_cast %get3A_38 : vector<1x1x1000xi32> to vector<1000xi32>
    %broadcast_in_dim3A_40 = vector.shape_cast %get3A_39 : vector<1000xi32> to vector<1000x1xi32>
    %iota3A = tpu.iota {dimensions = array<i32: 1>} : vector<1000x8xi32>
    %eq3A = vector.broadcast %broadcast_in_dim3A_40 : vector<1000x1xi32> to vector<1000x8xi32>
    %eq3A_41 = arith.cmpi eq, %eq3A, %iota3A : vector<1000x8xi32>
    %get3A_42 = arith.constant 0 : index
    %get3A_43 = arith.constant 0 : index
    %get3A_44 = vector.load %arg4[%get3A_42, %get3A_43] : memref<8x16xf32, #tpu.memory_space<vmem>>, vector<8x16xf32>
    %get3A_45 = arith.constant 256 : index
    %get3A_46 = arith.constant 0 : index
    %get3A_47 = vector.load %arg7[%get3A_45, %get3A_46] : memref<272x128xf32, #tpu.memory_space<vmem>>, vector<16x128xf32>
    %dot_general3A_48 = arith.constant dense<0.000000e+00> : vector<8x128xf32>
    %dot_general3A_49 = tpu.matmul %get3A_44, %get3A_47, %dot_general3A_48 {dimension_numbers = #tpu.dot_dimension_numbers<[1], [0], [0], [1], [0, 0, 1, 1], [], []>, transpose_lhs_hint = false} : vector<8x16xf32>, vector<16x128xf32>, vector<8x128xf32> -> vector<8x128xf32>
    %get3A_50 = arith.constant 0 : index
    %get3A_51 = arith.constant 0 : index
    %get3A_52 = vector.load %arg1[%get3A_50, %get3A_51] : memref<1000x128xf32, #tpu.memory_space<vmem>>, vector<1000x128xf32>
    %get3A_53 = arith.constant 0 : index
    %get3A_54 = arith.constant 0 : index
    %get3A_55 = vector.load %arg7[%get3A_53, %get3A_54] : memref<272x128xf32, #tpu.memory_space<vmem>>, vector<128x128xf32>
    %dot_general3A_56 = arith.constant dense<0.000000e+00> : vector<1000x128xf32>
    %dot_general3A_57 = tpu.matmul %get3A_52, %get3A_55, %dot_general3A_56 {dimension_numbers = #tpu.dot_dimension_numbers<[1], [0], [0], [1], [0, 0, 1, 1], [], []>, transpose_lhs_hint = false} : vector<1000x128xf32>, vector<128x128xf32>, vector<1000x128xf32> -> vector<1000x128xf32>
    %get3A_58 = arith.constant 128 : index
    %get3A_59 = arith.constant 0 : index
    %get3A_60 = vector.load %arg7[%get3A_58, %get3A_59] : memref<272x128xf32, #tpu.memory_space<vmem>>, vector<128x128xf32>
    %dot_general3A_61 = arith.constant dense<0.000000e+00> : vector<1000x128xf32>
    %dot_general3A_62 = tpu.matmul %mul3A_34, %get3A_60, %dot_general3A_61 {dimension_numbers = #tpu.dot_dimension_numbers<[1], [0], [0], [1], [0, 0, 1, 1], [], []>, transpose_lhs_hint = false} : vector<1000x128xf32>, vector<128x128xf32>, vector<1000x128xf32> -> vector<1000x128xf32>
    %add3A_63 = arith.addf %dot_general3A_57, %dot_general3A_62 : vector<1000x128xf32>
    %convert_element_type3A = arith.extui %eq3A_41 : vector<1000x8xi1> to vector<1000x8xi32>
    %convert_element_type3A_64 = arith.sitofp %convert_element_type3A : vector<1000x8xi32> to vector<1000x8xf32>
    %dot_general3A_65 = arith.constant dense<0.000000e+00> : vector<1000x128xf32>
    %dot_general3A_66 = tpu.matmul %convert_element_type3A_64, %dot_general3A_49, %dot_general3A_65 {dimension_numbers = #tpu.dot_dimension_numbers<[1], [0], [0], [1], [0, 0, 1, 1], [], []>, transpose_lhs_hint = false} : vector<1000x8xf32>, vector<8x128xf32>, vector<1000x128xf32> -> vector<1000x128xf32>
    %add3A_67 = arith.addf %add3A_63, %dot_general3A_66 : vector<1000x128xf32>
    %get3A_68 = arith.constant 0 : index
    %get3A_69 = vector.load %arg8[%get3A_68] : memref<128xf32, #tpu.memory_space<vmem>>, vector<128xf32>
    %broadcast_in_dim3A_70 = vector.shape_cast %get3A_69 : vector<128xf32> to vector<1x128xf32>
    %add3A_71 = vector.broadcast %broadcast_in_dim3A_70 : vector<1x128xf32> to vector<1000x128xf32>
    %add3A_72 = arith.addf %add3A_67, %add3A_71 : vector<1000x128xf32>
    %max3A_73 = arith.constant 0.000000e+00 : f32
    %max3A_74 = vector.broadcast %max3A_73 : f32 to vector<1000x128xf32>
    %max3A_75 = arith.maximumf %add3A_72, %max3A_74 : vector<1000x128xf32>
    %get3A_76 = arith.constant 0 : index
    %get3A_77 = arith.constant 0 : index
    %get3A_78 = vector.load %arg9[%get3A_76, %get3A_77] : memref<128x128xf32, #tpu.memory_space<vmem>>, vector<128x128xf32>
    %dot_general3A_79 = arith.constant dense<0.000000e+00> : vector<1000x128xf32>
    %dot_general3A_80 = tpu.matmul %max3A_75, %get3A_78, %dot_general3A_79 {dimension_numbers = #tpu.dot_dimension_numbers<[1], [0], [0], [1], [0, 0, 1, 1], [], []>, transpose_lhs_hint = false} : vector<1000x128xf32>, vector<128x128xf32>, vector<1000x128xf32> -> vector<1000x128xf32>
    %get3A_81 = arith.constant 0 : index
    %get3A_82 = vector.load %arg10[%get3A_81] : memref<128xf32, #tpu.memory_space<vmem>>, vector<128xf32>
    %broadcast_in_dim3A_83 = vector.shape_cast %get3A_82 : vector<128xf32> to vector<1x128xf32>
    %add3A_84 = vector.broadcast %broadcast_in_dim3A_83 : vector<1x128xf32> to vector<1000x128xf32>
    %add3A_85 = arith.addf %dot_general3A_80, %add3A_84 : vector<1000x128xf32>
    %swap3A = arith.constant 0 : index
    %swap3A_86 = arith.constant 0 : index
    %swap3A_87 = vector.load %arg11[%swap3A, %swap3A_86] : memref<1000x128xf32, #tpu.memory_space<vmem>>, vector<1000x128xf32>
    tpu.vector_store %arg11[%swap3A, %swap3A_86], %add3A_85 {strides = array<i32>} : memref<1000x128xf32, #tpu.memory_space<vmem>>, vector<1000x128xf32>,
    return
  }
  func.func @transform_0(%arg0: i32) -> (i32, i32) {
    %c0_i32 = arith.constant 0 : i32
    %c0_i32_0 = arith.constant 0 : i32
    return %arg0, %c0_i32 : i32, i32
  }
  func.func @transform_1(%arg0: i32) -> (i32, i32, i32) {
    %c0_i32 = arith.constant 0 : i32
    %c0_i32_0 = arith.constant 0 : i32
    %c0_i32_1 = arith.constant 0 : i32
    return %c0_i32, %arg0, %c0_i32_0 : i32, i32, i32
  }
  func.func @transform_2(%arg0: i32) -> (i32, i32, i32) {
    %c0_i32 = arith.constant 0 : i32
    %c0_i32_0 = arith.constant 0 : i32
    %c0_i32_1 = arith.constant 0 : i32
    return %arg0, %c0_i32, %c0_i32_0 : i32, i32, i32
  }
  func.func @transform_3(%arg0: i32) -> (i32, i32) {
    %c0_i32 = arith.constant 0 : i32
    %c0_i32_0 = arith.constant 0 : i32
    %c0_i32_1 = arith.constant 0 : i32
    return %c0_i32, %c0_i32_0 : i32, i32
  }
  func.func @transform_4(%arg0: i32) -> (i32, i32) {
    %c0_i32 = arith.constant 0 : i32
    %c0_i32_0 = arith.constant 0 : i32
    %c0_i32_1 = arith.constant 0 : i32
    return %c0_i32, %c0_i32_0 : i32, i32
  }
  func.func @transform_5(%arg0: i32) -> i32 {
    %c0_i32 = arith.constant 0 : i32
    %c0_i32_0 = arith.constant 0 : i32
    return %c0_i32 : i32
  }
  func.func @transform_6(%arg0: i32) -> (i32, i32) {
    %c0_i32 = arith.constant 0 : i32
    %c0_i32_0 = arith.constant 0 : i32
    %c0_i32_1 = arith.constant 0 : i32
    return %c0_i32, %c0_i32_0 : i32, i32
  }
  func.func @transform_7(%arg0: i32) -> i32 {
    %c0_i32 = arith.constant 0 : i32
    %c0_i32_0 = arith.constant 0 : i32
    return %c0_i32 : i32
  }
  func.func @transform_8(%arg0: i32) -> (i32, i32) {
    %c0_i32 = arith.constant 0 : i32
    %c0_i32_0 = arith.constant 0 : i32
    %c0_i32_1 = arith.constant 0 : i32
    return %c0_i32, %c0_i32_0 : i32, i32
  }
  func.func @transform_9(%arg0: i32) -> i32 {
    %c0_i32 = arith.constant 0 : i32
    %c0_i32_0 = arith.constant 0 : i32
    return %c0_i32 : i32
  }
  func.func @transform_10(%arg0: i32) -> (i32, i32) {
    %c0_i32 = arith.constant 0 : i32
    %c0_i32_0 = arith.constant 0 : i32
    return %arg0, %c0_i32 : i32, i32
  }
}

</mosaic_0001>

<sc_bundles>
// kernel: kernel.6.cloned.1.call-start
scs
__scs_entry_jumppad:
0x0: {  	(pc) =	sbr.rel $0x88, $3  }
0x1: {  	(tag) =	ssettag $0x0;
	lr =	simm.s32 $0x1  }
0x2: {  	[smem:$0x3F94] =	sst lr;
	_ =	strace $0xD0000000  }
0x3: {  	_ = 	snop  }
0x4: {  	_ = 	snop  }
0x5: {  	_ = 	snop  }
0x6: {  	_ = 	snop  }
0x7: {  	_ = 	snop  }
__scs_overlays_trampoline_lowered:
0x8: {  	[smem:$0x3FA3] =	sst s0  }
0x9: {  	[smem:$0x3FA4] =	sst s1  }
0xa: {  	[smem:$0x3FA5] =	sst s2  }
0xb: {  	[smem:$0x3FA6] =	sst s3  }
0xc: {  	[smem:$0x3FA7] =	sst s4  }
0xd: {  	[smem:$0x3FA8] =	sst s5  }
0xe: {  	[smem:$0x3FA9] =	sst s6  }
0xf: {  	[smem:$0x3FAA] =	sst s7  }
0x10: {  	[smem:$0x3FAB] =	sst s8  }
0x11: {  	[smem:$0x3FAC] =	sst s9;
	s0 =	simm.s32 @!p0 $0x0  }
0x12: {  	s1 =	sld [smem:$0x3F92];
	s0 =	simm.s32 @p0 $0x1  }
0x13: {  	[smem:$0x3FAD] =	sst s0;
	s0 =	simm.s32 @!p1 $0x0  }
0x14: {  	s2 =	sld [smem:$0x3F91];
	s0 =	simm.s32 @p1 $0x1  }
0x15: {  	[smem:$0x3FAE] =	sst s0;
	s0 =	simm.s32 @!p2 $0x0  }
0x16: {  	s3 =	sld [smem:$0x3FDB];
	s0 =	simm.s32 @p2 $0x1  }
0x17: {  	s4 =	simm.s32 $0x1BF5;
	[smem:$0x3FB0] =	sst s0  }
0x18: {  	s0 =	sld [smem:$0x3F93];
	_ =	swait.ge [sflag:s4], $0x0  }
0x19: {  	s7 =	sld [smem:$0x3F94]  }
0x1a: {  	s8 =	sadd.s32 $0xFFFFE003, lr  }
0x1b: {  	s9 =	sadd.s32 $0xFFFFFEF7, lr;
	s5 =	simm.s32 $0xFFFFFFFF;
	p2 =	slt.u32 s8, $0xFFFFF086  }
0x1c: {  	p1 =	slt.u32 s9, $0xF7A;
	s5 =	simm.s32 @!p2 $0x0  }
0x1d: {  	s5 =	simm.s32 @p1 $0x1;
	p0 =	seq.s32 s7, s2  }
0x1e: {  	s7 =	smul.u32 @!p0 $0xF7A, s2;
	p2 =	seq.s32 @!p0 s5, $0x0  }
0x1f: {  	s9 =	smul.u32 $0xF7A, s1;
	s8 =	simm.s32 @!p0 $0x1BF5;
	p2 =	por !p2, p0  }
0x20: {  	[sflag:s8] =	ssyncset.s32 @!p0 $0xFFFFF086;
	s6 =	sadd.s32 @!p0 s3, s7;
	s7 =	simm.s32 @!p0 $0x108  }
0x21: {  	s3 =	sadd.s32 s3, s9;
	s6 =	sadd.s32 @!p0 $0x88, s6;
	s7 =	simm.s32 @p2 $0x1082  }
0x22: {  	[simem:s7], [sflag:s8] =	dma.local @!p0 [hbm:s6], $0xF7A  }
0x23: {  	s9 =	sor.u32 $0xD0000000, s2;
	s6 =	simm.s32 $0x108;
	_ =	swait.ge @!p0 [sflag:s8], $0x0  }
0x24: {  	s3 =	sadd.s32 $0x88, s3;
	s6 =	simm.s32 @!p1 $0x1082;
	[sflag:s4] =	ssyncset.s32 $0xFFFFF086  }
0x25: {  	[simem:s6], [sflag:s4] =	dma.local [hbm:s3], $0xF7A  }
0x26: {  	[smem:$0x3F94] =	sst s1;
	(tag) =	ssettag s2;
	_ =	strace s9  }
0x27: {  	s1 =	sld [smem:$0x3FA4]  }
0x28: {  	s2 =	sld [smem:$0x3FA5]  }
0x29: {  	s4 =	sld [smem:$0x3FA7]  }
0x2a: {  	p0 =	seq.s32 s5, $0x0;
	s5 =	sld [smem:$0x3FA8]  }
0x2b: {  	s6 =	sld [smem:$0x3FA9]  }
0x2c: {  	s7 =	sld [smem:$0x3FAA]  }
0x2d: {  	s3 =	simm.s32 $0x108;
	s8 =	sld [smem:$0x3FAB]  }
0x2e: {  	s3 =	simm.s32 @!p0 $0x1082;
	s9 =	sld [smem:$0x3FAC]  }
0x2f: {  	lr =	sadd.s32 s0, s3;
	s0 =	sld [smem:$0x3FA3]  }
0x30: {  	s3 =	sld [smem:$0x3FA6]  }
0x31: {  	[smem:$0x3FAF] =	sst s10  }
0x32: {  	s10 =	sld [smem:$0x3FAD];
	_ =	sdelay $0x3  }
0x33: {  	p0 =	seq.s32 s10, $0x1;
	s10 =	sld [smem:$0x3FAF];
	_ =	sdelay $0x3  }
0x34: {  	[smem:$0x3FAF] =	sst s10  }
0x35: {  	s10 =	sld [smem:$0x3FAE];
	_ =	sdelay $0x3  }
0x36: {  	p1 =	seq.s32 s10, $0x1;
	s10 =	sld [smem:$0x3FAF];
	_ =	sdelay $0x3  }
0x37: {  	[smem:$0x3FAF] =	sst s10  }
0x38: {  	s10 =	sld [smem:$0x3FB0]  }
0x39: {  	_ = 	snop;
	(pc) =	sbr.ind lr, $3  }
0x3a: {  	_ = 	snop  }
0x3b: {  	_ = 	snop  }
0x3c: {  	p2 =	seq.s32 s10, $0x1;
	s10 =	sld [smem:$0x3FAF]  }
0x3d: {  	_ =	shalt  }
0x3e: {  	_ =	shalt  }
0x3f: {  	_ =	shalt  }
0x40: {  	_ =	shalt  }
0x41: {  	_ =	shalt  }
0x42: {  	_ =	shalt  }
0x43: {  	_ =	shalt  }
0x44: {  	_ =	shalt  }
0x45: {  	_ =	shalt  }
0x46: {  	_ =	shalt  }
0x47: {  	_ =	shalt  }
0x48: {  	_ =	shalt  }
0x49: {  	_ =	shalt  }
0x4a: {  	_ =	shalt  }
0x4b: {  	_ =	shalt  }
0x4c: {  	_ =	shalt  }
0x4d: {  	_ =	shalt  }
0x4e: {  	_ =	shalt  }
0x4f: {  	_ =	shalt  }
0x50: {  	_ =	shalt  }
0x51: {  	_ =	shalt  }
0x52: {  	_ =	shalt  }
0x53: {  	_ =	shalt  }
0x54: {  	_ =	shalt  }
0x55: {  	_ =	shalt  }
0x56: {  	_ =	shalt  }
0x57: {  	_ =	shalt  }
0x58: {  	_ =	shalt  }
0x59: {  	_ =	shalt  }
0x5a: {  	_ =	shalt  }
0x5b: {  	_ =	shalt  }
0x5c: {  	_ =	shalt  }
0x5d: {  	_ =	shalt  }
0x5e: {  	_ =	shalt  }
0x5f: {  	_ =	shalt  }
0x60: {  	_ =	shalt  }
0x61: {  	_ =	shalt  }
0x62: {  	_ =	shalt  }
0x63: {  	_ =	shalt  }
0x64: {  	_ =	shalt  }
0x65: {  	_ =	shalt  }
0x66: {  	_ =	shalt  }
0x67: {  	_ =	shalt  }
0x68: {  	_ =	shalt  }
0x69: {  	_ =	shalt  }
0x6a: {  	_ =	shalt  }
0x6b: {  	_ =	shalt  }
0x6c: {  	_ =	shalt  }
0x6d: {  	_ =	shalt  }
0x6e: {  	_ =	shalt  }
0x6f: {  	_ =	shalt  }
0x70: {  	_ =	shalt  }
0x71: {  	_ =	shalt  }
0x72: {  	_ =	shalt  }
0x73: {  	_ =	shalt  }
0x74: {  	_ =	shalt  }
0x75: {  	_ =	shalt  }
0x76: {  	_ =	shalt  }
0x77: {  	_ =	shalt  }
0x78: {  	_ =	shalt  }
0x79: {  	_ =	shalt  }
0x7a: {  	_ =	shalt  }
0x7b: {  	_ =	shalt  }
0x7c: {  	_ =	shalt  }
0x7d: {  	_ =	shalt  }
0x7e: {  	_ =	shalt  }
0x7f: {  	_ =	shalt  }
0x80: {  	_ =	shalt  }
0x81: {  	_ =	shalt  }
0x82: {  	_ =	shalt  }
0x83: {  	_ =	shalt  }
0x84: {  	_ =	shalt  }
0x85: {  	_ =	shalt  }
0x86: {  	_ =	shalt  }
0x87: {  	_ =	shalt  }
.Lfunc_end0:
.L_simem_size_0:
called_computation_lowered:
.L_overlay_start_0:
0x88: {  	s2 =	sld [smem:$0x3FD9]  }
0x89: {  	s3 =	sld [smem:$0x3FFE];
	_ =	sdelay $0x1  }
0x8a: {  	s1 =	srdreg.scid  }
0x8b: {  	s0 =	sand.u32 $0x1, s1  }
0x8c: {  	s17 =	sshll.u32 s0, $0xA;
	s2 =	sadd.s32 s3, s2  }
0x8d: {  	s2 =	sadd.s32 s2, s17  }
0x8e: {  	[smem:$0x3FBB] =	sst s2  }
0x8f: {  	_ = 	snop  }
0x90: {  	s2 =	sld [smem:$0x3FD0];
	(tm) =	ssettm $0x1  }
0x91: {  	s18 =	sld [smem:$0x3FFB];
	_ =	sdelay $0x3  }
0x92: {  	_ =	strace s18  }
0x93: {  	s3 =	sld [smem:$0x3FFC];
	_ =	sdelay $0x3  }
0x94: {  	_ =	strace s3  }
0x95: {  	s3 =	sld [smem:$0x3FFD];
	_ =	sdelay $0x3  }
0x96: {  	_ =	strace s3  }
0x97: {  	_ =	strace $0x8FFFFFFF  }
0x98: {  	s19 =	sld [smem:$0x3FDB];
	_ =	sdelay $0x1  }
0x99: {  	s4 =	simm.s32 $_scs_section_size  }
0x9a: {  	s5 =	simm.s32 $_size__tile_overlayer_lowered;
	s6 =	simm.s32 $_tile_overlayer_lowered  }
0x9b: {  	s22 =	simm.s32 $0x1BFF;
	s21 =	sshll.u32 s6, $0x1;
	s3 =	sadd.s32 s4, s19  }
0x9c: {  	s7 =	simm.s32 $0x0;
	s20 =	sshll.u32 s5, $0x1;
	s5 =	sadd.s32 s21, s3  }
0x9d: {  	[timem:s7], [sflag:s22] =	dma.local [hbm:s5], s20  }
0x9e: {  	_ =	swait.ge [sflag:s22], s20  }
0x9f: {  	s4 =	ssub.s32 $0x0, s20;
	[sflag:s22] =	ssyncset.done $0x0  }
0xa0: {  	[sflag:s22] =	ssyncadd.s32 s4;
	_ =	sdelay $0x1  }
0xa1: {  	s23 =	simm.s32 $0x1B8B  }
0xa2: {  	_ =	swait.ge [sflag:s23], $0x1  }
0xa3: {  	[sflag:s23] =	ssyncset.done $0x0  }
0xa4: {  	s25 =	simm.s32 $0x1B8E;
	s24 =	sld [smem:$0x3FFE];
	[sflag:s23] =	ssyncadd.s32 $0xFFFFFFFF  }
0xa5: {  	s26 =	simm.s32 $execute0_lowered;
	[smem:$0x3FD2] =	sst s25  }
0xa6: {  	s5 =	sshll.u32 s26, $0x1;
	_ =	strace $0x80000046;
	[dreg:$0x1] =	wrdreg $0xFFFFFFFF  }
0xa7: {  	s28 =	simm.s32 $_size_execute0_lowered;
	s3 =	sadd.s32 s3, s5;
	[dreg:$0x0] =	wrdreg $0x0  }
0xa8: {  	s5 =	sshll.u32 s28, $0x1;
	[dreg:$0x2] =	wrdreg s3  }
0xa9: {  	[dreg:$0x3] =	wrdreg s5  }
0xaa: {  	[dreg:$0x4] =	wrdreg $0xC0  }
0xab: {  	_ =	task [dreg:s7], $0x5FFFF  }
0xac: {  	[dreg:$0x1] =	wrdreg $0xFFFFFFFF  }
0xad: {  	[dreg:$0x0] =	wrdreg $0x60  }
0xae: {  	[dreg:$0x2] =	wrdreg s2  }
0xaf: {  	[dreg:$0x3] =	wrdreg s24  }
0xb0: {  	[dreg:$0x4] =	wrdreg $0x0  }
0xb1: {  	[dreg:$0x5] =	wrdreg $0x9  }
0xb2: {  	_ =	task.clear_ibuf [dreg:s7], $0x6FFFF;
	_ =	strace $0x90000046  }
0xb3: {  	s29 =	simm.s32 $0x9;
	_ =	strace $0x80000048  }
0xb4: {  	_ =	swait.ge [sflag:s29], $0x1  }
0xb5: {  	[sflag:s29] =	ssyncadd.s32 $0xFFFFFFFF  }
0xb6: {  	_ =	strace $0x90000048  }
0xb7: {  	_ =	sfence  }
0xb8: {  	s30 =	sld [smem:$0x0];
	_ =	sdelay $0x2  }
0xb9: {  	s31 =	sshll.u32 s1, $0xD;
	s1 =	sshrl.u32 s1, $0x2  }
0xba: {  	s3 =	sand.u32 $0x4000, s31;
	s1 =	sadd.s32 s1, s30  }
0xbb: {  	s0 =	sor.u32 s3, s0;
	s1 =	sshll.u32 s1, $0x11  }
0xbc: {  	s0 =	sor.u32 s1, s0  }
0xbd: {  	s0 =	sadd.s32 $0x8F2B, s0  }
0xbe: {  	[sflag:s0] =	ssyncadd.remote.s32 $0x1  }
0xbf: {  	_ =	sfence.sel $0xFFFF  }
0xc0: {  	[dreg:$0x0] =	wrdreg $0xFFFFFFFF;
	(pc) =	sbr.abs _section_cstart, $3  }
0xc1: {  	[dreg:$0x1] =	wrdreg $0xFFFFFFFF  }
0xc2: {  	_ =	task.clear_ibuf [dreg:s7], $0x2FFFF;
	_ =	strace $0x9FFFFFFF  }
0xc3: {  	(tm) =	ssettm $0x7FFFFFFF  }
tec
execute0_lowered:
.L_overlay_start_1:
0x0: {  	(tag) =	ssettag $0x1  }
0x1: {  	s1 =	rddreg [dreg:$0x0]  }
0x2: {  	s0 =	rddreg [dreg:$0x1]  }
0x3: {  	s2 =	rddreg [dreg:$0x2];
	s4 =	simm.s32 $0x0  }
0x4: {  	s3 =	srdreg.scid;
	s14 =	stileid.u32;
	s29 =	simm.s32 $0x1  }
0x5: {  	s31 =	simm.s32 $0x4;
	[smem:$0x7FF] =	sst s4;
	s3 =	sand.u32 $0x1, s3  }
0x6: {  	s10 =	smul.u32 $0x16800, s14;
	s7 =	sshll.u32 s14, $0x1;
	s5 =	sadd.s32 $0x14E00, s0  }
0x7: {  	s6 =	sadd.s32 $0xB000, s0;
	p0 =	slt.u32 s14, $0x2;
	s14 =	smul.u32 $0x5A000, s14  }
0x8: {  	s8 =	smul.u32 $0x168000, s3;
	_ =	strace $0x80000047;
	s9 =	sor.u32 s3, s7  }
0x9: {  	s7 =	sadd.s32 $0x1200, s0;
	s3 =	ssub.s32 $0x2, s3;
	s11 =	smul.u32 $0x4E, s9  }
0xa: {  	s9 =	smin.u32 s9, $0x4;
	s12 =	sshrl.u32 s3, $0x1;
	s28 =	sshrl.u32 s14, $0x2  }
0xb: {  	s30 =	sadd.s32 s10, s2;
	s8 =	sadd.s32 s10, s8;
	s3 =	ssub.s32 s3, s12  }
0xc: {  	s17 =	sadd.s32 s28, s2;
	s8 =	sshrl.u32 s8, $0x3;
	s18 =	smax.u32 s3, $0x1  }
0xd: {  	s19 =	sadd.s32 $0x4800, s17;
	s20 =	sadd.s32 $0x9000, s17;
	s21 =	sadd.s32 $0xD800, s17  }
0xe: {  	s0 =	sadd.s32 s8, s0;
	s8 =	sadd.s32 s9, s11;
	s9 =	simm.s32 $0x4F  }
0xf: {  	s11 =	sshll.u32 s8, $0x4;
	s9 =	simm.s32 @!p0 $0x4E;
	s23 =	sshll.u32 s8, $0xA  }
0x10: {  	s16 =	sadd.s32 $0x285E00, s0;
	s0 =	simm.s32 $0x3;
	s22 =	sadd.s32 s6, s11  }
0x11: {  	s13 =	sadd.s32 $0x10, s11;
	s11 =	sadd.s32 s7, s11;
	[dreg:$0x4] =	wrdreg s22  }
0x12: {  	s24 =	sadd.s32 s5, s23;
	s15 =	sadd.s32 $0xFFFFFFFE, s9;
	[dreg:$0x5] =	wrdreg s11  }
0x13: {  	s23 =	simm.s32 $0x1AA00;
	[dreg:$0x6] =	wrdreg s24;
	s25 =	sadd.s32 s6, s13  }
0x14: {  	s26 =	sadd.s32 s7, s13;
	s22 =	sadd.s32 $0x12000, s17;
	[dreg:$0x7] =	wrdreg s25  }
0x15: {  	v0 =	vimm.f32 $0.0e+00;
	v1 =	vimm.f32 $1.000000000e+00;
	s24 =	simm.s32 $0x6;
	[dreg:$0x8] =	wrdreg s26;
	s25 =	sshrl.u32 s30, $0x3  }
.LBB2_1:
0x16: {  	s3 =	simm.s32 $0x1AB20  }
0x17: {  	[tilespmem:s3+$0xFFFFFEE0] =	vst v0  }
0x18: {  	[tilespmem:s3+$0x110] =	vst v0  }
0x19: {  	[tilespmem:s3+$0x100] =	vst v0  }
0x1a: {  	[tilespmem:s3+$0xF0] =	vst v0  }
0x1b: {  	[tilespmem:s3+$0xE0] =	vst v0  }
0x1c: {  	[tilespmem:s3+$0xD0] =	vst v0  }
0x1d: {  	[tilespmem:s3+$0xC0] =	vst v0  }
0x1e: {  	[tilespmem:s3+$0xB0] =	vst v0  }
0x1f: {  	[tilespmem:s3+$0xA0] =	vst v0  }
0x20: {  	[tilespmem:s3+$0x90] =	vst v0  }
0x21: {  	[tilespmem:s3+$0x80] =	vst v0  }
0x22: {  	[tilespmem:s3+$0x70] =	vst v0  }
0x23: {  	[tilespmem:s3+$0x60] =	vst v0  }
0x24: {  	[tilespmem:s3+$0x50] =	vst v0  }
0x25: {  	[tilespmem:s3+$0x40] =	vst v0  }
0x26: {  	[tilespmem:s3+$0x30] =	vst v0  }
0x27: {  	[tilespmem:s3+$0x20] =	vst v0  }
0x28: {  	[tilespmem:s3+$0x10] =	vst v0  }
0x29: {  	[tilespmem:s3+$0x0] =	vst v0  }
0x2a: {  	[tilespmem:s3+$0xFFFFFFF0] =	vst v0  }
0x2b: {  	[tilespmem:s3+$0xFFFFFFE0] =	vst v0  }
0x2c: {  	[tilespmem:s3+$0xFFFFFFD0] =	vst v0  }
0x2d: {  	[tilespmem:s3+$0xFFFFFFC0] =	vst v0  }
0x2e: {  	[tilespmem:s3+$0xFFFFFFB0] =	vst v0  }
0x2f: {  	[tilespmem:s3+$0xFFFFFFA0] =	vst v0  }
0x30: {  	[tilespmem:s3+$0xFFFFFF90] =	vst v0  }
0x31: {  	[tilespmem:s3+$0xFFFFFF80] =	vst v0  }
0x32: {  	[tilespmem:s3+$0xFFFFFF70] =	vst v0  }
0x33: {  	[tilespmem:s3+$0xFFFFFF60] =	vst v0  }
0x34: {  	[tilespmem:s3+$0xFFFFFF50] =	vst v0  }
0x35: {  	[tilespmem:s3+$0xFFFFFF40] =	vst v0  }
0x36: {  	[tilespmem:s3+$0xFFFFFF30] =	vst v0  }
0x37: {  	[tilespmem:s3+$0xFFFFFF20] =	vst v0  }
0x38: {  	[tilespmem:s3+$0xFFFFFF10] =	vst v0  }
0x39: {  	s10 =	simm.s32 $0x0;
	[tilespmem:s3+$0xFFFFFF00] =	vst v0  }
.LBB2_2:
0x3a: {  	s10 =	sadd.s32 $0x4, s10;
	[tilespmem:s3+$0xFFFFFEF0] =	vst v0;
	s3 =	sadd.s32 $0x240, s3  }
0x3b: {  	[tilespmem:s3+$0xFFFFFEE0] =	vst v0;
	p0 =	slt.u32 s10, $0x7C  }
0x3c: {  	[tilespmem:s3+$0x110] =	vst v0  }
0x3d: {  	[tilespmem:s3+$0x100] =	vst v0  }
0x3e: {  	[tilespmem:s3+$0xF0] =	vst v0  }
0x3f: {  	[tilespmem:s3+$0xE0] =	vst v0  }
0x40: {  	[tilespmem:s3+$0xD0] =	vst v0  }
0x41: {  	[tilespmem:s3+$0xC0] =	vst v0  }
0x42: {  	[tilespmem:s3+$0xB0] =	vst v0  }
0x43: {  	[tilespmem:s3+$0xA0] =	vst v0  }
0x44: {  	[tilespmem:s3+$0x90] =	vst v0  }
0x45: {  	[tilespmem:s3+$0x80] =	vst v0  }
0x46: {  	[tilespmem:s3+$0x70] =	vst v0  }
0x47: {  	[tilespmem:s3+$0x60] =	vst v0  }
0x48: {  	[tilespmem:s3+$0x50] =	vst v0  }
0x49: {  	[tilespmem:s3+$0x40] =	vst v0  }
0x4a: {  	[tilespmem:s3+$0x30] =	vst v0  }
0x4b: {  	[tilespmem:s3+$0x20] =	vst v0  }
0x4c: {  	[tilespmem:s3+$0x10] =	vst v0  }
0x4d: {  	[tilespmem:s3+$0x0] =	vst v0  }
0x4e: {  	[tilespmem:s3+$0xFFFFFFF0] =	vst v0  }
0x4f: {  	[tilespmem:s3+$0xFFFFFFE0] =	vst v0  }
0x50: {  	[tilespmem:s3+$0xFFFFFFD0] =	vst v0  }
0x51: {  	[tilespmem:s3+$0xFFFFFFC0] =	vst v0  }
0x52: {  	[tilespmem:s3+$0xFFFFFFB0] =	vst v0  }
0x53: {  	[tilespmem:s3+$0xFFFFFFA0] =	vst v0  }
0x54: {  	[tilespmem:s3+$0xFFFFFF90] =	vst v0  }
0x55: {  	[tilespmem:s3+$0xFFFFFF80] =	vst v0  }
0x56: {  	[tilespmem:s3+$0xFFFFFF70] =	vst v0  }
0x57: {  	[tilespmem:s3+$0xFFFFFF60] =	vst v0  }
0x58: {  	[tilespmem:s3+$0xFFFFFF50] =	vst v0  }
.Ltmp0:
0x59: {  	[tilespmem:s3+$0xFFFFFF40] =	vst v0;
	(pc) =	sbr.rel @p0 .LBB2_2-.Ltmp0, $4  }
0x5a: {  	[tilespmem:s3+$0xFFFFFF30] =	vst v0  }
0x5b: {  	[tilespmem:s3+$0xFFFFFF20] =	vst v0  }
0x5c: {  	[tilespmem:s3+$0xFFFFFF10] =	vst v0  }
0x5d: {  	[tilespmem:s3+$0xFFFFFF00] =	vst v0  }
0x5e: {  	[tilespmem:s3+$0xFFFFFEF0] =	vst v0  }
0x5f: {  	[spmem:s17] =	stream.linear.scatter [tilespmem:s23], [sflag:$0x6], $0x4800, $0x38;
	[tilespmem:$0x1F200] =	vst v63  }
0x60: {  	_ =	swait.ge [sflag:s24], $0x4800  }
0x61: {  	[sflag:s24] =	ssyncset.done $0x0  }
0x62: {  	[sflag:s24] =	ssyncadd.s32 $0xFFFFB800  }
0x63: {  	[spmem:s19] =	stream.linear.scatter [tilespmem:s23], [sflag:$0x6], $0x4800, $0x38;
	[tilespmem:$0x1F200] =	vst v63  }
0x64: {  	_ =	swait.ge [sflag:s24], $0x4800  }
0x65: {  	[sflag:s24] =	ssyncset.done $0x0  }
0x66: {  	[sflag:s24] =	ssyncadd.s32 $0xFFFFB800  }
0x67: {  	[spmem:s20] =	stream.linear.scatter [tilespmem:s23], [sflag:$0x6], $0x4800, $0x38;
	[tilespmem:$0x1F200] =	vst v63  }
0x68: {  	_ =	swait.ge [sflag:s24], $0x4800  }
0x69: {  	[sflag:s24] =	ssyncset.done $0x0  }
0x6a: {  	[sflag:s24] =	ssyncadd.s32 $0xFFFFB800  }
0x6b: {  	[spmem:s21] =	stream.linear.scatter [tilespmem:s23], [sflag:$0x6], $0x4800, $0x38;
	[tilespmem:$0x1F200] =	vst v63  }
0x6c: {  	_ =	swait.ge [sflag:s24], $0x4800  }
0x6d: {  	[sflag:s24] =	ssyncset.done $0x0  }
0x6e: {  	[sflag:s24] =	ssyncadd.s32 $0xFFFFB800  }
0x6f: {  	[spmem:s22] =	stream.linear.scatter [tilespmem:s23], [sflag:$0x6], $0x4800, $0x38;
	[tilespmem:$0x1F200] =	vst v63  }
0x70: {  	_ =	swait.ge [sflag:s24], $0x4800  }
0x71: {  	[sflag:s24] =	ssyncset.done $0x0  }
0x72: {  	s3 =	simm.s32 $0x1ABA0;
	[sflag:s24] =	ssyncadd.s32 $0xFFFFB800  }
0x73: {  	[tilespmem:s3+$0xFFFFFEE0] =	vst v1  }
0x74: {  	[tilespmem:s3+$0x90] =	vst v1  }
0x75: {  	s10 =	simm.s32 $0x0;
	[tilespmem:s3+$0x0] =	vst v1  }
.LBB2_4:
0x76: {  	s10 =	sadd.s32 $0x4, s10  }
0x77: {  	[tilespmem:s3+$0xFFFFFF70] =	vst v1;
	s3 =	sadd.s32 $0x240, s3;
	p0 =	slt.u32 s10, $0x7C  }
.Ltmp1:
0x78: {  	[tilespmem:s3+$0xFFFFFEE0] =	vst v1;
	(pc) =	sbr.rel @p0 .LBB2_4-.Ltmp1, $3  }
0x79: {  	_ =	sdelay $0x1  }
0x7a: {  	[tilespmem:s3+$0x90] =	vst v1  }
0x7b: {  	[tilespmem:s3+$0x0] =	vst v1  }
0x7c: {  	[tilespmem:s3+$0xFFFFFF70] =	vst v1  }
0x7d: {  	[bflag:$0x0] =	sbarrier.arrive $0xFFFF  }
0x7e: {  	s28 =	simm.s32 $0x0;
	s10 =	simm.s32 $0x16800;
	s13 =	rddreg [dreg:$0x4]  }
0x7f: {  	[tilespmem:s10], [sflag:$0x1] =	stream.linear.gather [hbm4b:s13+s28], $0x80, $0x38;
	[tilespmem:$0x1F200] =	vst v63  }
0x80: {  	s11 =	simm.s32 $0x16900;
	s14 =	rddreg [dreg:$0x5]  }
0x81: {  	[tilespmem:s11], [sflag:$0x1] =	stream.linear.gather [hbm4b:s14+s28], $0x80, $0x38;
	[tilespmem:$0x1F200] =	vst v63  }
0x82: {  	_ =	swait.ge [sflag:s29], $0x80  }
0x83: {  	[sflag:s29] =	ssyncset.done $0x0  }
0x84: {  	[sflag:s29] =	ssyncadd.s32 $0xFFFFFF80  }
0x85: {  	_ =	swait.ge [sflag:s29], $0x80  }
0x86: {  	[sflag:s29] =	ssyncset.done $0x0  }
0x87: {  	s30 =	simm.s32 $0x16A00;
	s26 =	rddreg [dreg:$0x6];
	[sflag:s29] =	ssyncadd.s32 $0xFFFFFF80  }
0x88: {  	[tilespmem:s30], [sflag:$0x4] =	stream.linear.gather [hbm4b:s26+s28], $0x2000, $0x38;
	[tilespmem:$0x1F200] =	vst v63  }
0x89: {  	s12 =	simm.s32 $0x18A00;
	s11 =	simm.s32 $0x80  }
0x8a: {  	[tilespmem:s12], [sflag:$0x3] =	stream.indirect.gather [hbm4b:s1+s11], $0x40, s10, s11, $0xb8;
	[tilespmem:$0x1F200] =	vst v63  }
0x8b: {  	s14 =	simm.s32 $0x16880;
	s13 =	rddreg [dreg:$0x7]  }
0x8c: {  	[tilespmem:s14], [sflag:$0x2] =	stream.linear.gather [hbm4b:s13+s28], $0x80, $0x38;
	[tilespmem:$0x1F200] =	vst v63  }
0x8d: {  	s26 =	rddreg [dreg:$0x8];
	s30 =	simm.s32 $0x16980  }
0x8e: {  	[tilespmem:s30], [sflag:$0x2] =	stream.linear.gather [hbm4b:s26+s28], $0x80, $0x38;
	[tilespmem:$0x1F200] =	vst v63  }
.LBB2_6:
0x8f: {  	_ =	swait.ge [sflag:s31], $0x2000  }
0x90: {  	[sflag:s31] =	ssyncset.done $0x0  }
0x91: {  	[sflag:s31] =	ssyncadd.s32 $0xFFFFE000  }
0x92: {  	_ =	swait.ge [sflag:s0], $0x2000  }
0x93: {  	[sflag:s0] =	ssyncset.done $0x0  }
0x94: {  	s11 =	simm.s32 $0x16B00;
	[sflag:s0] =	ssyncadd.s32 $0xFFFFE000  }
0x95: {  	v2 =	vld [tilespmem:s11+$0x80]  }
0x96: {  	s12 =	simm.s32 $0x19A00;
	v3 =	vld [tilespmem:s11+$0xC0]  }
0x97: {  	v4 =	vld [tilespmem:s12+$0xFFFFF0C0]  }
0x98: {  	v5 =	vld [tilespmem:s12+$0xC0]  }
0x99: {  	v6 =	vld [tilespmem:s11+$0xFFFFFF40]  }
0x9a: {  	v7 =	vld [tilespmem:s12+$0xFFFFF000]  }
0x9b: {  	v8 =	vld [tilespmem:s12+$0x0]  }
0x9c: {  	v11 =	vld [tilespmem:s11+$0xFFFFFF80];
	v9 =	vshll.u32 v4, $0x10  }
0x9d: {  	s26 =	simm.s32 $0x19B00;
	v25 =	vld [tilespmem:s11+$0xFFFFFF00];
	v4 =	vand.u32 $0xFFFF0000, v4;
	v10 =	vshll.u32 v2, $0x10;
	v12 =	vshll.u32 v5, $0x10  }
0x9e: {  	v52 =	vld [tilespmem:s26+$0x0];
	v13 =	vshll.u32 v3, $0x10;
	v5 =	vand.u32 $0xFFFF0000, v5;
	v9 =	vadd.f32 v9, v10  }
0x9f: {  	s3 =	simm.s32 $0x16D00;
	v58 =	vld [tilespmem:s26+$0xFFFFF040];
	v2 =	vand.u32 $0xFFFF0000, v2;
	v3 =	vand.u32 $0xFFFF0000, v3;
	v4 =	vadd.f32 v4, v13  }
0xa0: {  	s30 =	simm.s32 $0x1D020;
	v55 =	vld [tilespmem:s3+$0xFFFFFF80];
	v14 =	vshll.u32 v8, $0x10;
	v2 =	vadd.f32 v12, v2;
	v9 =	vmax.f32 v9, $0.0e+00  }
0xa1: {  	v8 =	vand.u32 $0xFFFF0000, v8;
	v13 =	vld [tilespmem:s12+$0xFFFFF040];
	v3 =	vadd.f32 v5, v3;
	v4 =	vmax.f32 v4, $0.0e+00;
	[tilespmem:s30+$0xFFFFDB90] =	vst v9  }
0xa2: {  	v15 =	vshll.u32 v6, $0x10;
	v6 =	vand.u32 $0xFFFF0000, v6;
	v10 =	vld [tilespmem:s11+$0xFFFFFFC0];
	v2 =	vmax.f32 v2, $0.0e+00;
	[tilespmem:s30+$0xFFFFDBD0] =	vst v4  }
0xa3: {  	v20 =	vshll.u32 v11, $0x10;
	v11 =	vand.u32 $0xFFFF0000, v11;
	v12 =	vld [tilespmem:s12+$0x40];
	[tilespmem:s30+$0xFFFFFF90] =	vst v2;
	v2 =	vmax.f32 v3, $0.0e+00  }
0xa4: {  	v48 =	vshll.u32 v25, $0x10;
	v60 =	vand.u32 $0xFFFF0000, v52;
	v31 =	vshll.u32 v58, $0x10;
	[tilespmem:s30+$0xFFFFFFD0] =	vst v2  }
0xa5: {  	v34 =	vshll.u32 v55, $0x10;
	v6 =	vadd.f32 v8, v6;
	v2 =	vshll.u32 v7, $0x10;
	v9 =	vld [tilespmem:s11+$0x90]  }
0xa6: {  	v7 =	vand.u32 $0xFFFF0000, v7;
	v17 =	vshll.u32 v13, $0x10;
	v13 =	vand.u32 $0xFFFF0000, v13;
	v18 =	vld [tilespmem:s12+$0xFFFFF0D0]  }
0xa7: {  	v21 =	vld [tilespmem:s12+$0xD0];
	v22 =	vshll.u32 v10, $0x10;
	v7 =	vadd.f32 v7, v15;
	v2 =	vadd.f32 v2, v48  }
0xa8: {  	v16 =	vld [tilespmem:s11+$0xD0];
	v19 =	vshll.u32 v12, $0x10;
	v8 =	vadd.f32 v17, v20;
	v13 =	vadd.f32 v13, v22  }
0xa9: {  	v12 =	vand.u32 $0xFFFF0000, v12;
	v10 =	vand.u32 $0xFFFF0000, v10;
	v7 =	vmax.f32 v7, $0.0e+00  }
0xaa: {  	v5 =	vld [tilespmem:s11+$0x0];
	v2 =	vmax.f32 v2, $0.0e+00;
	v8 =	vmax.f32 v8, $0.0e+00;
	v13 =	vmax.f32 v13, $0.0e+00  }
0xab: {  	[tilespmem:s30+$0xFFFFDA20] =	vst v7;
	v26 =	vshll.u32 v18, $0x10;
	v18 =	vand.u32 $0xFFFF0000, v18;
	v27 =	vshll.u32 v9, $0x10  }
0xac: {  	v47 =	vld [tilespmem:s12+$0x80];
	[tilespmem:s30+$0xFFFFD9E0] =	vst v2;
	v28 =	vshll.u32 v21, $0x10;
	v9 =	vand.u32 $0xFFFF0000, v9;
	v26 =	vadd.f32 v26, v27  }
0xad: {  	v57 =	vld [tilespmem:s3+$0xFFFFFFC0];
	[tilespmem:s30+$0xFFFFDA70] =	vst v8;
	v21 =	vand.u32 $0xFFFF0000, v21;
	v7 =	vand.u32 $0xFFFF0000, v16;
	v9 =	vadd.f32 v28, v9  }
0xae: {  	v4 =	vld [tilespmem:s11+$0x40];
	[tilespmem:s30+$0xFFFFDAB0] =	vst v13;
	v29 =	vshll.u32 v16, $0x10;
	v7 =	vadd.f32 v21, v7;
	v16 =	vmax.f32 v26, $0.0e+00  }
0xaf: {  	v3 =	vld [tilespmem:s12+$0xFFFFF080];
	v15 =	vshll.u32 v5, $0x10;
	v18 =	vadd.f32 v18, v29;
	v9 =	vmax.f32 v9, $0.0e+00;
	[tilespmem:s30+$0xFFFFDBA0] =	vst v16  }
0xb0: {  	v5 =	vand.u32 $0xFFFF0000, v5;
	v10 =	vadd.f32 v12, v10;
	v7 =	vmax.f32 v7, $0.0e+00;
	[tilespmem:s30+$0xFFFFFFA0] =	vst v9  }
0xb1: {  	v11 =	vadd.f32 v19, v11;
	v16 =	vmax.f32 v18, $0.0e+00;
	v18 =	vand.u32 $0xFFFF0000, v25;
	[tilespmem:s30+$0xFFFFFFE0] =	vst v7  }
0xb2: {  	v42 =	vld [tilespmem:s26+$0x80];
	v10 =	vmax.f32 v10, $0.0e+00;
	v7 =	vshll.u32 v47, $0x10;
	[tilespmem:s30+$0xFFFFDBE0] =	vst v16;
	v14 =	vadd.f32 v14, v18  }
0xb3: {  	v36 =	vshll.u32 v57, $0x10;
	[tilespmem:s30+$0xFFFFFEB0] =	vst v10;
	v5 =	vadd.f32 v7, v5;
	v7 =	vmax.f32 v11, $0.0e+00;
	v9 =	vld [tilespmem:s11+$0xA0]  }
0xb4: {  	v23 =	vshll.u32 v4, $0x10;
	v24 =	vshll.u32 v3, $0x10;
	v8 =	vld [tilespmem:s12+$0xE0];
	[tilespmem:s30+$0xFFFFFE70] =	vst v7;
	v2 =	vmax.f32 v14, $0.0e+00  }
0xb5: {  	v3 =	vand.u32 $0xFFFF0000, v3;
	v4 =	vand.u32 $0xFFFF0000, v4;
	[tilespmem:s30+$0xFFFFFDE0] =	vst v2;
	v2 =	vmax.f32 v6, $0.0e+00;
	v6 =	vld [tilespmem:s11+$0xE0]  }
0xb6: {  	v12 =	vadd.f32 v24, v15;
	v3 =	vadd.f32 v3, v23;
	v14 =	vand.u32 $0xFFFF0000, v47;
	[tilespmem:s30+$0xFFFFFE20] =	vst v2;
	v2 =	vld [tilespmem:s12+$0xFFFFF0E0]  }
0xb7: {  	v44 =	vshll.u32 v42, $0x10;
	v45 =	vand.u32 $0xFFFF0000, v42;
	v15 =	vld [tilespmem:s11+$0xFFFFFF90];
	v4 =	vadd.f32 v14, v4  }
0xb8: {  	v46 =	vadd.f32 v31, v34;
	v12 =	vmax.f32 v12, $0.0e+00;
	v3 =	vmax.f32 v3, $0.0e+00;
	v11 =	vld [tilespmem:s11+$0xFFFFFF10]  }
0xb9: {  	[tilespmem:s30+$0xFFFFDB40] =	vst v3;
	v5 =	vmax.f32 v5, $0.0e+00;
	v4 =	vmax.f32 v4, $0.0e+00;
	v7 =	vld [tilespmem:s12+$0xFFFFF010];
	v14 =	vshll.u32 v9, $0x10  }
0xba: {  	[tilespmem:s30+$0xFFFFFF00] =	vst v5;
	v10 =	vld [tilespmem:s12+$0x10];
	v3 =	vshll.u32 v8, $0x10;
	v5 =	vand.u32 $0xFFFF0000, v8;
	v8 =	vand.u32 $0xFFFF0000, v9  }
0xbb: {  	[tilespmem:s30+$0xFFFFDB00] =	vst v12;
	v13 =	vld [tilespmem:s11+$0xFFFFFF50];
	v3 =	vadd.f32 v3, v8;
	v16 =	vshll.u32 v6, $0x10;
	v12 =	vshll.u32 v2, $0x10  }
0xbc: {  	v9 =	vld [tilespmem:s12+$0xFFFFF050];
	[tilespmem:s30+$0xFFFFFF40] =	vst v4;
	v4 =	vand.u32 $0xFFFF0000, v6;
	v2 =	vand.u32 $0xFFFF0000, v2;
	v12 =	vadd.f32 v12, v14  }
0xbd: {  	v18 =	vshll.u32 v15, $0x10;
	v4 =	vadd.f32 v5, v4;
	v14 =	vld [tilespmem:s11+$0xFFFFFFD0];
	v2 =	vadd.f32 v2, v16  }
0xbe: {  	v8 =	vshll.u32 v7, $0x10;
	v5 =	vand.u32 $0xFFFF0000, v7;
	v7 =	vld [tilespmem:s11+$0x10];
	v6 =	vmax.f32 v12, $0.0e+00  }
0xbf: {  	v15 =	vand.u32 $0xFFFF0000, v15;
	v16 =	vld [tilespmem:s11+$0x50];
	v2 =	vmax.f32 v2, $0.0e+00;
	[tilespmem:s30+$0xFFFFDBB0] =	vst v6;
	v6 =	vshll.u32 v10, $0x10  }
0xc0: {  	v17 =	vld [tilespmem:s12+$0xFFFFF090];
	[tilespmem:s30+$0xFFFFDBF0] =	vst v2;
	v2 =	vmax.f32 v3, $0.0e+00;
	v3 =	vand.u32 $0xFFFF0000, v10;
	v10 =	vshll.u32 v11, $0x10  }
0xc1: {  	[tilespmem:s30+$0xFFFFFFB0] =	vst v2;
	v2 =	vmax.f32 v4, $0.0e+00;
	v4 =	vand.u32 $0xFFFF0000, v11;
	v11 =	vshll.u32 v13, $0x10  }
0xc2: {  	v23 =	vld [tilespmem:s12+$0x90];
	v13 =	vand.u32 $0xFFFF0000, v13;
	v8 =	vadd.f32 v8, v10;
	[tilespmem:s30+$0xFFFFFFF0] =	vst v2;
	v2 =	vshll.u32 v9, $0x10  }
0xc3: {  	v12 =	vld [tilespmem:s12+$0x50];
	v9 =	vand.u32 $0xFFFF0000, v9;
	v22 =	vshll.u32 v14, $0x10;
	v14 =	vand.u32 $0xFFFF0000, v14  }
0xc4: {  	v49 =	vshll.u32 v7, $0x10;
	v7 =	vand.u32 $0xFFFF0000, v7;
	v50 =	vshll.u32 v16, $0x10;
	v19 =	vld [tilespmem:s11+$0xF0]  }
0xc5: {  	v10 =	vand.u32 $0xFFFF0000, v16;
	v16 =	vshll.u32 v17, $0x10;
	v5 =	vadd.f32 v5, v11;
	v21 =	vld [tilespmem:s12+$0xF0]  }
0xc6: {  	v11 =	vand.u32 $0xFFFF0000, v17;
	v4 =	vadd.f32 v6, v4;
	v3 =	vadd.f32 v3, v13  }
0xc7: {  	v13 =	vshll.u32 v23, $0x10;
	v6 =	vmax.f32 v8, $0.0e+00;
	v11 =	vadd.f32 v11, v50  }
0xc8: {  	v7 =	vadd.f32 v13, v7;
	v20 =	vshll.u32 v12, $0x10;
	v4 =	vmax.f32 v4, $0.0e+00  }
0xc9: {  	v12 =	vand.u32 $0xFFFF0000, v12;
	v5 =	vmax.f32 v5, $0.0e+00;
	[tilespmem:s30+$0xFFFFFDF0] =	vst v4;
	v4 =	vadd.f32 v9, v22  }
0xca: {  	[tilespmem:s30+$0xFFFFD9F0] =	vst v6;
	v9 =	vadd.f32 v20, v15;
	v8 =	vand.u32 $0xFFFF0000, v21;
	v6 =	vand.u32 $0xFFFF0000, v19  }
0xcb: {  	[tilespmem:s30+$0xFFFFDA30] =	vst v5;
	v15 =	vld [tilespmem:s12+$0xFFFFF0F0];
	v5 =	vadd.f32 v8, v6;
	v6 =	vadd.f32 v2, v18;
	v2 =	vmax.f32 v3, $0.0e+00  }
0xcc: {  	v12 =	vadd.f32 v12, v14;
	v4 =	vmax.f32 v4, $0.0e+00;
	v9 =	vmax.f32 v9, $0.0e+00;
	v8 =	vld [tilespmem:s11+$0xB0];
	[tilespmem:s30+$0xFFFFFE30] =	vst v2  }
0xcd: {  	[tilespmem:s30+$0xFFFFDAC0] =	vst v4;
	v3 =	vand.u32 $0xFFFF0000, v23;
	v2 =	vmax.f32 v5, $0.0e+00;
	v5 =	vmax.f32 v6, $0.0e+00;
	v6 =	vld [tilespmem:s11+$0xFFFFFF20]  }
0xce: {  	v14 =	vadd.f32 v16, v49;
	[tilespmem:s30+$0xFFFFFE80] =	vst v9;
	v3 =	vadd.f32 v3, v10;
	v10 =	vmax.f32 v12, $0.0e+00;
	v4 =	vld [tilespmem:s12+$0xFFFFF020]  }
0xcf: {  	v28 =	vand.u32 $0xFFFF0000, v55;
	v27 =	vand.u32 $0xFFFF0000, v57;
	v11 =	vmax.f32 v11, $0.0e+00;
	v9 =	vld [tilespmem:s12+$0x20];
	[tilespmem:s30+$0xFFFFFEC0] =	vst v10  }
0xd0: {  	v7 =	vmax.f32 v7, $0.0e+00;
	v12 =	vmax.f32 v14, $0.0e+00;
	v13 =	vshll.u32 v15, $0x10;
	[tilespmem:s30+$0xFFFFDA80] =	vst v5;
	v5 =	vld [tilespmem:s11+$0xFFFFFF60]  }
0xd1: {  	v14 =	vshll.u32 v21, $0x10;
	v10 =	vand.u32 $0xFFFF0000, v15;
	[tilespmem:s30+$0xFFFFDB10] =	vst v12;
	v12 =	vshll.u32 v19, $0x10;
	v16 =	vld [tilespmem:s11+$0xFFFFFFA0]  }
0xd2: {  	v3 =	vmax.f32 v3, $0.0e+00;
	v18 =	vld [tilespmem:s11+$0xFFFFFFE0];
	v15 =	vshll.u32 v8, $0x10;
	v8 =	vand.u32 $0xFFFF0000, v8  }
0xd3: {  	[tilespmem:s30+$0xFFFFDB50] =	vst v11;
	v19 =	vld [tilespmem:s12+$0xFFFFF060];
	v8 =	vadd.f32 v14, v8;
	v17 =	vshll.u32 v6, $0x10;
	v6 =	vand.u32 $0xFFFF0000, v6  }
0xd4: {  	[tilespmem:s30+$0xFFFFFF10] =	vst v7;
	v20 =	vld [tilespmem:s12+$0x60];
	v7 =	vshll.u32 v4, $0x10;
	v4 =	vand.u32 $0xFFFF0000, v4;
	v21 =	vshll.u32 v9, $0x10  }
0xd5: {  	[tilespmem:s30+$0xFFFFFF50] =	vst v3;
	v3 =	vand.u32 $0xFFFF0000, v9;
	v11 =	vshll.u32 v5, $0x10;
	v7 =	vadd.f32 v7, v17  }
0xd6: {  	v22 =	vld [tilespmem:s12+$0xFFFFF0A0];
	v5 =	vand.u32 $0xFFFF0000, v5;
	v6 =	vadd.f32 v21, v6;
	v4 =	vadd.f32 v4, v11  }
0xd7: {  	v9 =	vld [tilespmem:s11+$0x20];
	v11 =	vshll.u32 v16, $0x10;
	v16 =	vand.u32 $0xFFFF0000, v16;
	v21 =	vshll.u32 v18, $0x10  }
0xd8: {  	v17 =	vld [tilespmem:s11+$0x60];
	v18 =	vand.u32 $0xFFFF0000, v18;
	v3 =	vadd.f32 v3, v5;
	v7 =	vmax.f32 v7, $0.0e+00  }
0xd9: {  	v5 =	vshll.u32 v19, $0x10;
	v23 =	vshll.u32 v20, $0x10;
	v6 =	vmax.f32 v6, $0.0e+00;
	[tilespmem:s30+$0xFFFFDA00] =	vst v7  }
0xda: {  	v5 =	vadd.f32 v5, v11;
	v4 =	vmax.f32 v4, $0.0e+00;
	v7 =	vand.u32 $0xFFFF0000, v19;
	[tilespmem:s30+$0xFFFFFE00] =	vst v6  }
0xdb: {  	v3 =	vmax.f32 v3, $0.0e+00;
	[tilespmem:s30+$0xFFFFDA40] =	vst v4;
	v4 =	vand.u32 $0xFFFF0000, v20;
	v6 =	vadd.f32 v7, v21  }
0xdc: {  	v19 =	vld [tilespmem:s12+$0xA0];
	v7 =	vshll.u32 v9, $0x10;
	v9 =	vand.u32 $0xFFFF0000, v9;
	[tilespmem:s30+$0xFFFFFE40] =	vst v3;
	v3 =	vadd.f32 v23, v16  }
0xdd: {  	v20 =	vand.u32 $0xFFFF0000, v22;
	v11 =	vshll.u32 v17, $0x10;
	v16 =	vand.u32 $0xFFFF0000, v17;
	v17 =	vld [tilespmem:s11+$0xFFFFFF30]  }
0xde: {  	v5 =	vmax.f32 v5, $0.0e+00;
	v4 =	vadd.f32 v4, v18;
	v18 =	vshll.u32 v22, $0x10;
	v21 =	vld [tilespmem:s11+$0xFFFFFF70]  }
0xdf: {  	[tilespmem:s30+$0xFFFFDA90] =	vst v5;
	v5 =	vadd.f32 v13, v15;
	v7 =	vadd.f32 v18, v7;
	v18 =	vld [tilespmem:s12+$0xFFFFF030];
	v6 =	vmax.f32 v6, $0.0e+00  }
0xe0: {  	v11 =	vadd.f32 v20, v11;
	v20 =	vld [tilespmem:s12+$0x30];
	v3 =	vmax.f32 v3, $0.0e+00;
	v4 =	vmax.f32 v4, $0.0e+00;
	[tilespmem:s30+$0xFFFFDAD0] =	vst v6  }
0xe1: {  	v6 =	vld [tilespmem:s3+$0xC0];
	[tilespmem:s30+$0xFFFFFE90] =	vst v3;
	v3 =	vadd.f32 v10, v12;
	v22 =	vshll.u32 v19, $0x10;
	v19 =	vand.u32 $0xFFFF0000, v19  }
0xe2: {  	v10 =	vld [tilespmem:s26+$0xC0];
	v11 =	vmax.f32 v11, $0.0e+00;
	[tilespmem:s30+$0xFFFFFED0] =	vst v4;
	v4 =	vmax.f32 v8, $0.0e+00;
	v9 =	vadd.f32 v22, v9  }
0xe3: {  	v16 =	vadd.f32 v19, v16;
	v22 =	vmax.f32 v7, $0.0e+00;
	v13 =	vand.u32 $0xFFFF0000, v17  }
0xe4: {  	v7 =	vld [tilespmem:s26+$0xFFFFF0C0];
	v14 =	vshll.u32 v21, $0x10;
	v15 =	vand.u32 $0xFFFF0000, v21;
	v23 =	vmax.f32 v9, $0.0e+00  }
0xe5: {  	v19 =	vld [tilespmem:s3+$0x80];
	v16 =	vmax.f32 v16, $0.0e+00;
	v9 =	vshll.u32 v17, $0x10;
	v17 =	vshll.u32 v18, $0x10  }
0xe6: {  	v12 =	vld [tilespmem:s11+$0xFFFFFFB0];
	v18 =	vand.u32 $0xFFFF0000, v18;
	v8 =	vshll.u32 v20, $0x10;
	v20 =	vand.u32 $0xFFFF0000, v20  }
0xe7: {  	v51 =	vld [tilespmem:s26+$0xFFFFF000];
	v56 =	vshll.u32 v10, $0x10;
	v30 =	vshll.u32 v6, $0x10;
	v10 =	vand.u32 $0xFFFF0000, v10  }
0xe8: {  	v21 =	vld [tilespmem:s3+$0xFFFFFF40];
	v6 =	vand.u32 $0xFFFF0000, v6;
	v17 =	vadd.f32 v17, v9;
	v14 =	vadd.f32 v18, v14  }
0xe9: {  	[tilespmem:s30+$0xFFFFDB20] =	vst v22;
	v22 =	vld [tilespmem:s3+$0xFFFFFF00];
	v13 =	vadd.f32 v8, v13;
	v6 =	vadd.f32 v10, v6;
	v53 =	vshll.u32 v7, $0x10  }
0xea: {  	v7 =	vand.u32 $0xFFFF0000, v7;
	v54 =	vshll.u32 v19, $0x10;
	v19 =	vand.u32 $0xFFFF0000, v19  }
0xeb: {  	v10 =	vshll.u32 v12, $0x10;
	v9 =	vand.u32 $0xFFFF0000, v12;
	v7 =	vadd.f32 v7, v30  }
0xec: {  	v8 =	vmax.f32 v14, $0.0e+00;
	v14 =	vshll.u32 v51, $0x10;
	v19 =	vadd.f32 v56, v19  }
0xed: {  	s10 =	simm.s32 $0x1D260;
	[tilespmem:s30+$0xFFFFDB60] =	vst v11;
	v18 =	vld [tilespmem:s3+$0x0];
	v26 =	vadd.f32 v53, v54;
	v61 =	vshll.u32 v21, $0x10;
	v7 =	vmax.f32 v7, $0.0e+00  }
0xee: {  	v12 =	vld [tilespmem:s3+$0x40];
	v48 =	vshll.u32 v22, $0x10;
	[tilespmem:s10+$0xFFFFDBD0] =	vst v7;
	v7 =	vmax.f32 v19, $0.0e+00;
	v19 =	vmax.f32 v6, $0.0e+00  }
0xef: {  	v6 =	vadd.f32 v20, v15;
	v15 =	vld [tilespmem:s26+$0xFFFFF080];
	[tilespmem:s10+$0xFFFFFF90] =	vst v7;
	v7 =	vmax.f32 v17, $0.0e+00;
	v17 =	vand.u32 $0xFFFF0000, v51  }
0xf0: {  	[tilespmem:s30+$0xFFFFFF60] =	vst v16;
	v14 =	vadd.f32 v14, v48;
	v26 =	vmax.f32 v26, $0.0e+00;
	v17 =	vadd.f32 v17, v61  }
0xf1: {  	v21 =	vand.u32 $0xFFFF0000, v21;
	v22 =	vand.u32 $0xFFFF0000, v22;
	[tilespmem:s10+$0xFFFFDB90] =	vst v26;
	v20 =	vshll.u32 v52, $0x10  }
0xf2: {  	v14 =	vmax.f32 v14, $0.0e+00;
	[tilespmem:s10+$0xFFFFFFD0] =	vst v19;
	v16 =	vmax.f32 v17, $0.0e+00;
	v17 =	vadd.f32 v20, v22  }
0xf3: {  	v30 =	vand.u32 $0xFFFF0000, v58;
	v21 =	vadd.f32 v60, v21;
	v37 =	vshll.u32 v18, $0x10;
	[tilespmem:s10+$0xFFFFD9E0] =	vst v14;
	v19 =	vld [tilespmem:s3+$0x90]  }
0xf4: {  	v38 =	vshll.u32 v12, $0x10;
	v26 =	vld [tilespmem:s26+$0xFFFFF0D0];
	v39 =	vshll.u32 v15, $0x10;
	[tilespmem:s10+$0xFFFFDA20] =	vst v16;
	v14 =	vmax.f32 v17, $0.0e+00  }
0xf5: {  	v32 =	vld [tilespmem:s3+$0xD0];
	v15 =	vand.u32 $0xFFFF0000, v15;
	v16 =	vadd.f32 v39, v37;
	[tilespmem:s10+$0xFFFFFDE0] =	vst v14;
	v14 =	vmax.f32 v21, $0.0e+00  }
0xf6: {  	v18 =	vand.u32 $0xFFFF0000, v18;
	v35 =	vld [tilespmem:s26+$0xD0];
	v15 =	vadd.f32 v15, v38;
	v21 =	vmax.f32 v46, $0.0e+00;
	[tilespmem:s10+$0xFFFFFE20] =	vst v14  }
0xf7: {  	v59 =	vld [tilespmem:s26+$0x40];
	v12 =	vand.u32 $0xFFFF0000, v12;
	v17 =	vadd.f32 v44, v18;
	v16 =	vmax.f32 v16, $0.0e+00;
	[tilespmem:s10+$0xFFFFDA70] =	vst v21  }
0xf8: {  	v47 =	vadd.f32 v30, v36;
	v52 =	vld [tilespmem:s12+$0x70];
	v12 =	vadd.f32 v45, v12;
	v15 =	vmax.f32 v15, $0.0e+00;
	[tilespmem:s10+$0xFFFFDB00] =	vst v16  }
0xf9: {  	v40 =	vshll.u32 v26, $0x10;
	v41 =	vshll.u32 v19, $0x10;
	v17 =	vmax.f32 v17, $0.0e+00;
	v55 =	vld [tilespmem:s3+$0xFFFFFF10];
	[tilespmem:s10+$0xFFFFDB40] =	vst v15  }
0xfa: {  	v26 =	vand.u32 $0xFFFF0000, v26;
	v62 =	vshll.u32 v32, $0x10;
	v21 =	vmax.f32 v12, $0.0e+00;
	v57 =	vld [tilespmem:s3+$0xFFFFFF50];
	[tilespmem:s10+$0xFFFFFF00] =	vst v17  }
0xfb: {  	v63 =	vshll.u32 v35, $0x10;
	v19 =	vand.u32 $0xFFFF0000, v19;
	v40 =	vadd.f32 v40, v41;
	v58 =	vld [tilespmem:s26+$0xFFFFF010];
	[tilespmem:s10+$0xFFFFFF40] =	vst v21  }
0xfc: {  	[tilespmem:s30+$0xFFFFFF20] =	vst v23;
	v51 =	vmax.f32 v47, $0.0e+00;
	v26 =	vadd.f32 v26, v62;
	v19 =	vadd.f32 v63, v19;
	v63 =	vld [tilespmem:s3+$0x10]  }
0xfd: {  	[tilespmem:s10+$0xFFFFDAB0] =	vst v51;
	v11 =	vand.u32 $0xFFFF0000, v35;
	v32 =	vand.u32 $0xFFFF0000, v32;
	v41 =	vmax.f32 v40, $0.0e+00;
	v46 =	vld [tilespmem:s3+$0x50]  }
0xfe: {  	v11 =	vadd.f32 v11, v32;
	v43 =	vmax.f32 v26, $0.0e+00;
	v48 =	vld [tilespmem:s26+$0xFFFFF090];
	[tilespmem:s10+$0xFFFFDBA0] =	vst v41  }
0xff: {  	v19 =	vmax.f32 v19, $0.0e+00;
	v51 =	vld [tilespmem:s26+$0x90];
	[tilespmem:s10+$0xFFFFDBE0] =	vst v43  }
0x100: {  	v33 =	vshll.u32 v59, $0x10;
	[tilespmem:s10+$0xFFFFFFA0] =	vst v19;
	v19 =	vmax.f32 v11, $0.0e+00;
	v11 =	vmax.f32 v13, $0.0e+00;
	v13 =	vld [tilespmem:s11+$0xFFFFFFF0]  }
0x101: {  	v29 =	vand.u32 $0xFFFF0000, v59;
	[tilespmem:s10+$0xFFFFFFE0] =	vst v19;
	v19 =	vadd.f32 v33, v28;
	v28 =	vld [tilespmem:s12+$0xB0]  }
0x102: {  	v5 =	vmax.f32 v5, $0.0e+00;
	v20 =	vadd.f32 v29, v27;
	v23 =	vld [tilespmem:s3+$0xA0]  }
0x103: {  	v3 =	vmax.f32 v3, $0.0e+00;
	v25 =	vand.u32 $0xFFFF0000, v52;
	v22 =	vld [tilespmem:s3+$0xE0];
	v14 =	vmax.f32 v19, $0.0e+00  }
0x104: {  	v49 =	vld [tilespmem:s26+$0xFFFFF0E0];
	v19 =	vmax.f32 v20, $0.0e+00;
	v15 =	vshll.u32 v58, $0x10;
	v60 =	vshll.u32 v55, $0x10  }
0x105: {  	v18 =	vld [tilespmem:s26+$0xE0];
	v21 =	vand.u32 $0xFFFF0000, v55;
	v62 =	vshll.u32 v57, $0x10;
	v27 =	vand.u32 $0xFFFF0000, v57  }
0x106: {  	v15 =	vadd.f32 v15, v60;
	v36 =	vand.u32 $0xFFFF0000, v63;
	v39 =	vand.u32 $0xFFFF0000, v46  }
0x107: {  	v33 =	vand.u32 $0xFFFF0000, v48;
	v57 =	vshll.u32 v51, $0x10;
	v30 =	vshll.u32 v13, $0x10  }
0x108: {  	v50 =	vld [tilespmem:s12+$0xFFFFF070];
	v31 =	vand.u32 $0xFFFF0000, v13;
	v13 =	vshll.u32 v28, $0x10;
	v15 =	vmax.f32 v15, $0.0e+00  }
0x109: {  	v20 =	vld [tilespmem:s12+$0xFFFFF0B0];
	[tilespmem:s10+$0xFFFFFE70] =	vst v14;
	v25 =	vadd.f32 v25, v31;
	v12 =	vshll.u32 v49, $0x10;
	v53 =	vand.u32 $0xFFFF0000, v49  }
0x10a: {  	[tilespmem:s10+$0xFFFFFEB0] =	vst v19;
	v54 =	vshll.u32 v23, $0x10;
	v14 =	vshll.u32 v18, $0x10;
	v56 =	vshll.u32 v22, $0x10  }
0x10b: {  	v59 =	vld [tilespmem:s3+$0xFFFFFF90];
	v18 =	vand.u32 $0xFFFF0000, v18;
	v19 =	vand.u32 $0xFFFF0000, v23;
	v12 =	vadd.f32 v12, v54  }
0x10c: {  	v61 =	vld [tilespmem:s3+$0xFFFFFFD0];
	v16 =	vand.u32 $0xFFFF0000, v22;
	v23 =	vadd.f32 v53, v56;
	v14 =	vadd.f32 v14, v19  }
0x10d: {  	v19 =	vshll.u32 v50, $0x10;
	v16 =	vadd.f32 v18, v16;
	v53 =	vshll.u32 v46, $0x10  }
0x10e: {  	v22 =	vld [tilespmem:s26+$0x10];
	v18 =	vand.u32 $0xFFFF0000, v50;
	v32 =	vshll.u32 v20, $0x10;
	v33 =	vadd.f32 v33, v53  }
0x10f: {  	v54 =	vshll.u32 v48, $0x10;
	v10 =	vadd.f32 v19, v10;
	v30 =	vadd.f32 v18, v30  }
0x110: {  	v12 =	vmax.f32 v12, $0.0e+00;
	v16 =	vmax.f32 v16, $0.0e+00;
	v45 =	vshll.u32 v59, $0x10  }
0x111: {  	v56 =	vld [tilespmem:s11+$0x30];
	v26 =	vand.u32 $0xFFFF0000, v59;
	v50 =	vshll.u32 v61, $0x10;
	v35 =	vand.u32 $0xFFFF0000, v61;
	[tilespmem:s10+$0xFFFFDBB0] =	vst v12  }
0x112: {  	v12 =	vmax.f32 v23, $0.0e+00;
	v23 =	vshll.u32 v52, $0x10;
	[tilespmem:s10+$0xFFFFFFF0] =	vst v16;
	v16 =	vand.u32 $0xFFFF0000, v58  }
0x113: {  	v52 =	vshll.u32 v63, $0x10;
	[tilespmem:s10+$0xFFFFDBF0] =	vst v12;
	v12 =	vmax.f32 v14, $0.0e+00;
	v17 =	vshll.u32 v22, $0x10  }
0x114: {  	v14 =	vld [tilespmem:s26+$0xFFFFF050];
	v22 =	vand.u32 $0xFFFF0000, v22;
	v16 =	vadd.f32 v16, v62;
	v55 =	vadd.f32 v54, v52  }
0x115: {  	v9 =	vadd.f32 v23, v9;
	[tilespmem:s10+$0xFFFFFFB0] =	vst v12;
	v12 =	vand.u32 $0xFFFF0000, v20;
	v17 =	vadd.f32 v17, v21  }
0x116: {  	v20 =	vld [tilespmem:s26+$0x50];
	v21 =	vadd.f32 v22, v27;
	v27 =	vand.u32 $0xFFFF0000, v51;
	v63 =	vshll.u32 v56, $0x10  }
0x117: {  	[tilespmem:s10+$0xFFFFD9F0] =	vst v15;
	v15 =	vld [tilespmem:s11+$0x70];
	v16 =	vmax.f32 v16, $0.0e+00;
	v27 =	vadd.f32 v27, v39;
	v60 =	vmax.f32 v55, $0.0e+00  }
0x118: {  	v34 =	vld [tilespmem:s26+$0xF0];
	v52 =	vadd.f32 v32, v63;
	[tilespmem:s10+$0xFFFFDA30] =	vst v16;
	v16 =	vmax.f32 v17, $0.0e+00;
	v17 =	vadd.f32 v57, v36  }
0x119: {  	v24 =	vld [tilespmem:s3+$0xF0];
	[tilespmem:s10+$0xFFFFFDF0] =	vst v16;
	v16 =	vmax.f32 v21, $0.0e+00;
	v27 =	vmax.f32 v27, $0.0e+00;
	v44 =	vshll.u32 v14, $0x10  }
0x11a: {  	v58 =	vld [tilespmem:s26+$0xFFFFF0F0];
	v14 =	vand.u32 $0xFFFF0000, v14;
	v17 =	vmax.f32 v17, $0.0e+00;
	v37 =	vadd.f32 v44, v45  }
0x11b: {  	v59 =	vld [tilespmem:s3+$0xB0];
	[tilespmem:s10+$0xFFFFFE30] =	vst v16;
	v47 =	vshll.u32 v20, $0x10;
	v20 =	vand.u32 $0xFFFF0000, v20;
	v29 =	vadd.f32 v14, v50  }
0x11c: {  	[tilespmem:s30+$0x0] =	vst v2;
	v14 =	vand.u32 $0xFFFF0000, v28;
	v61 =	vld [tilespmem:s3+$0xFFFFFF20];
	v26 =	vadd.f32 v47, v26;
	v21 =	vmax.f32 v37, $0.0e+00  }
0x11d: {  	v62 =	vld [tilespmem:s3+$0xFFFFFF60];
	v22 =	vand.u32 $0xFFFF0000, v34;
	v20 =	vadd.f32 v20, v35;
	v29 =	vmax.f32 v29, $0.0e+00;
	[tilespmem:s10+$0xFFFFDA80] =	vst v21  }
0x11e: {  	v44 =	vld [tilespmem:s26+$0xFFFFF020];
	v49 =	vand.u32 $0xFFFF0000, v24;
	v35 =	vand.u32 $0xFFFF0000, v56;
	v16 =	vmax.f32 v26, $0.0e+00;
	[tilespmem:s10+$0xFFFFDAC0] =	vst v29  }
0x11f: {  	v46 =	vld [tilespmem:s26+$0x20];
	v45 =	vand.u32 $0xFFFF0000, v58;
	v34 =	vshll.u32 v34, $0x10;
	v20 =	vmax.f32 v20, $0.0e+00;
	[tilespmem:s10+$0xFFFFFE80] =	vst v16  }
0x120: {  	v36 =	vand.u32 $0xFFFF0000, v59;
	v24 =	vshll.u32 v24, $0x10;
	v22 =	vadd.f32 v22, v49;
	[tilespmem:s10+$0xFFFFFEC0] =	vst v20  }
0x121: {  	[tilespmem:s10+$0xFFFFDB10] =	vst v60;
	v37 =	vshll.u32 v15, $0x10;
	v15 =	vand.u32 $0xFFFF0000, v15;
	v21 =	vmax.f32 v33, $0.0e+00;
	v47 =	vld [tilespmem:s3+$0xFFFFFFA0]  }
0x122: {  	[tilespmem:s10+$0xFFFFFF10] =	vst v17;
	v22 =	vmax.f32 v22, $0.0e+00;
	v18 =	vshll.u32 v61, $0x10;
	v19 =	vand.u32 $0xFFFF0000, v61;
	v48 =	vld [tilespmem:s3+$0xFFFFFFE0]  }
0x123: {  	[tilespmem:s10+$0xFFFFDB50] =	vst v21;
	v21 =	vshll.u32 v62, $0x10;
	v23 =	vand.u32 $0xFFFF0000, v62;
	v49 =	vld [tilespmem:s26+$0xFFFFF060];
	v17 =	vshll.u32 v44, $0x10  }
0x124: {  	[tilespmem:s10+$0xFFFFFF50] =	vst v27;
	v51 =	vld [tilespmem:s26+$0x60];
	v53 =	vshll.u32 v46, $0x10;
	v54 =	vand.u32 $0xFFFF0000, v46;
	v17 =	vadd.f32 v17, v18  }
0x125: {  	[tilespmem:s30+$0xFFFFDA10] =	vst v7;
	v50 =	vand.u32 $0xFFFF0000, v44;
	v56 =	vld [tilespmem:s3+$0x60];
	v2 =	vadd.f32 v53, v19;
	v7 =	vadd.f32 v54, v23  }
0x126: {  	v16 =	vshll.u32 v58, $0x10;
	v57 =	vld [tilespmem:s26+$0xFFFFF0A0];
	v21 =	vadd.f32 v50, v21;
	v17 =	vmax.f32 v17, $0.0e+00  }
0x127: {  	v20 =	vshll.u32 v59, $0x10;
	v59 =	vld [tilespmem:s26+$0xA0];
	v2 =	vmax.f32 v2, $0.0e+00;
	v7 =	vmax.f32 v7, $0.0e+00;
	[tilespmem:s10+$0xFFFFDA00] =	vst v17  }
0x128: {  	v17 =	vmax.f32 v21, $0.0e+00;
	[tilespmem:s10+$0xFFFFFE00] =	vst v2;
	v2 =	vmax.f32 v6, $0.0e+00;
	v6 =	vadd.f32 v12, v37  }
0x129: {  	v18 =	vld [tilespmem:s3+$0x20];
	v55 =	vshll.u32 v47, $0x10;
	v26 =	vand.u32 $0xFFFF0000, v47;
	v19 =	vshll.u32 v48, $0x10  }
0x12a: {  	v28 =	vand.u32 $0xFFFF0000, v48;
	v23 =	vshll.u32 v49, $0x10;
	v58 =	vand.u32 $0xFFFF0000, v49  }
0x12b: {  	[tilespmem:s30+$0xFFFFDA50] =	vst v8;
	v8 =	vshll.u32 v51, $0x10;
	v38 =	vand.u32 $0xFFFF0000, v51;
	v60 =	vand.u32 $0xFFFF0000, v56  }
0x12c: {  	[tilespmem:s30+$0xFFFFFE10] =	vst v11;
	v61 =	vshll.u32 v57, $0x10;
	v29 =	vand.u32 $0xFFFF0000, v57;
	v11 =	vshll.u32 v59, $0x10  }
0x12d: {  	[tilespmem:s30+$0xFFFFDBC0] =	vst v5;
	v62 =	vand.u32 $0xFFFF0000, v59;
	v23 =	vadd.f32 v23, v55;
	v5 =	vadd.f32 v58, v19  }
0x12e: {  	[tilespmem:s30+$0xFFFFDC00] =	vst v3;
	v19 =	vshll.u32 v18, $0x10;
	v18 =	vand.u32 $0xFFFF0000, v18;
	v3 =	vadd.f32 v8, v26  }
0x12f: {  	[tilespmem:s30+$0xFFFFFFC0] =	vst v4;
	v8 =	vshll.u32 v56, $0x10;
	v4 =	vadd.f32 v38, v28;
	v21 =	vadd.f32 v62, v60  }
0x130: {  	[tilespmem:s10+$0xFFFFFE40] =	vst v7;
	v7 =	vmax.f32 v6, $0.0e+00;
	v19 =	vadd.f32 v61, v19;
	v8 =	vadd.f32 v29, v8  }
0x131: {  	[tilespmem:s10+$0x0] =	vst v22;
	v11 =	vadd.f32 v11, v18;
	v22 =	vmax.f32 v23, $0.0e+00;
	v5 =	vmax.f32 v5, $0.0e+00  }
0x132: {  	[tilespmem:s10+$0xFFFFDA40] =	vst v17;
	v23 =	vmax.f32 v3, $0.0e+00;
	v63 =	vmax.f32 v4, $0.0e+00;
	v3 =	vmax.f32 v21, $0.0e+00  }
0x133: {  	v4 =	vld [tilespmem:s3+$0xFFFFFF30];
	v28 =	vmax.f32 v19, $0.0e+00;
	v18 =	vmax.f32 v8, $0.0e+00;
	[tilespmem:s10+$0xFFFFDA90] =	vst v22;
	v22 =	vadd.f32 v13, v35  }
0x134: {  	v12 =	vld [tilespmem:s3+$0xFFFFFF70];
	v17 =	vmax.f32 v11, $0.0e+00;
	[tilespmem:s10+$0xFFFFDAD0] =	vst v5;
	v19 =	vadd.f32 v16, v20;
	v5 =	vadd.f32 v14, v15  }
0x135: {  	v21 =	vld [tilespmem:s26+$0xFFFFF030];
	v13 =	vmax.f32 v10, $0.0e+00;
	[tilespmem:s10+$0xFFFFFE90] =	vst v23;
	v20 =	vadd.f32 v45, v24;
	v11 =	vadd.f32 v34, v36  }
0x136: {  	s13 =	simm.s32 $0x4;
	v16 =	vmax.f32 v30, $0.0e+00;
	v14 =	vld [tilespmem:s26+$0x30];
	[tilespmem:s10+$0xFFFFFED0] =	vst v63;
	v10 =	vmax.f32 v9, $0.0e+00;
	v9 =	vmax.f32 v25, $0.0e+00  }
0x137: {  	s14 =	simm.s32 $0x16F00;
	s12 =	simm.s32 $0x19B00;
	s11 =	simm.s32 $0x1D260;
	v8 =	vmax.f32 v52, $0.0e+00;
	v15 =	vld [tilespmem:s3+$0xFFFFFFB0];
	[tilespmem:s10+$0xFFFFDB20] =	vst v28;
	v6 =	vmax.f32 v22, $0.0e+00;
	v5 =	vmax.f32 v5, $0.0e+00  }
.LBB2_7:
0x138: {  	v22 =	vld [tilespmem:s14+$0x80];
	v23 =	vshll.u32 v4, $0x10;
	v24 =	vand.u32 $0xFFFF0000, v4;
	[tilespmem:s10+$0xFFFFDB60] =	vst v18;
	v18 =	vmax.f32 v19, $0.0e+00  }
0x139: {  	s26 =	sadd.s32 $0x100, s26;
	v19 =	vld [tilespmem:s14+$0xC0];
	v4 =	vshll.u32 v12, $0x10;
	v12 =	vand.u32 $0xFFFF0000, v12;
	[tilespmem:s10+$0xFFFFFF20] =	vst v17;
	v17 =	vmax.f32 v20, $0.0e+00  }
0x13a: {  	v11 =	vmax.f32 v11, $0.0e+00;
	v20 =	vld [tilespmem:s26+$0xFFFFF0C0];
	v25 =	vshll.u32 v21, $0x10;
	v21 =	vand.u32 $0xFFFF0000, v21;
	[tilespmem:s10+$0xFFFFFF60] =	vst v3  }
0x13b: {  	v26 =	vld [tilespmem:s26+$0xC0];
	v27 =	vshll.u32 v14, $0x10;
	v14 =	vand.u32 $0xFFFF0000, v14;
	v23 =	vadd.f32 v25, v23;
	[tilespmem:s30+$0xFFFFFE50] =	vst v2  }
0x13c: {  	v21 =	vadd.f32 v21, v4;
	v25 =	vld [tilespmem:s14+$0xFFFFFF40];
	v4 =	vshll.u32 v15, $0x10;
	v3 =	vand.u32 $0xFFFF0000, v15;
	[tilespmem:s30+$0xFFFFDAA0] =	vst v13  }
0x13d: {  	v2 =	vadd.f32 v14, v12;
	v13 =	vld [tilespmem:s26+$0xFFFFF000];
	v15 =	vmax.f32 v23, $0.0e+00;
	v23 =	vadd.f32 v27, v24;
	[tilespmem:s30+$0xFFFFDAE0] =	vst v16  }
0x13e: {  	v14 =	vmax.f32 v21, $0.0e+00;
	v12 =	vld [tilespmem:s26+$0x0];
	[tilespmem:s10+$0xFFFFDA10] =	vst v15  }
0x13f: {  	v21 =	vshll.u32 v22, $0x10;
	v15 =	vld [tilespmem:s14+$0xFFFFFF80];
	v16 =	vshll.u32 v20, $0x10;
	v20 =	vand.u32 $0xFFFF0000, v20;
	[tilespmem:s10+$0xFFFFDA50] =	vst v14  }
0x140: {  	v27 =	vshll.u32 v19, $0x10;
	v14 =	vld [tilespmem:s14+$0xFFFFFFC0];
	v24 =	vshll.u32 v26, $0x10;
	v16 =	vadd.f32 v16, v21;
	[tilespmem:s30+$0xFFFFFEA0] =	vst v10  }
0x141: {  	v22 =	vand.u32 $0xFFFF0000, v22;
	v21 =	vand.u32 $0xFFFF0000, v26;
	v20 =	vadd.f32 v20, v27;
	v10 =	vld [tilespmem:s26+$0xFFFFF040];
	[tilespmem:s30+$0xFFFFFEE0] =	vst v9  }
0x142: {  	v19 =	vand.u32 $0xFFFF0000, v19;
	s10 =	sadd.s32 $0x240, s10;
	v22 =	vadd.f32 v24, v22;
	v9 =	vld [tilespmem:s26+$0x40];
	v16 =	vmax.f32 v16, $0.0e+00;
	[tilespmem:s30+$0xFFFFDB30] =	vst v8  }
0x143: {  	v19 =	vadd.f32 v21, v19;
	v24 =	vshll.u32 v13, $0x10;
	v8 =	vld [tilespmem:s14+$0x0];
	[tilespmem:s10+$0xFFFFDB90] =	vst v16;
	v16 =	vmax.f32 v20, $0.0e+00  }
0x144: {  	v13 =	vand.u32 $0xFFFF0000, v13;
	v20 =	vshll.u32 v12, $0x10;
	v21 =	vld [tilespmem:s14+$0x40];
	[tilespmem:s10+$0xFFFFDBD0] =	vst v16;
	v16 =	vmax.f32 v22, $0.0e+00  }
0x145: {  	v12 =	vand.u32 $0xFFFF0000, v12;
	v22 =	vshll.u32 v25, $0x10;
	v26 =	vld [tilespmem:s26+$0xFFFFF080];
	[tilespmem:s10+$0xFFFFFF90] =	vst v16;
	v16 =	vmax.f32 v19, $0.0e+00  }
0x146: {  	v19 =	vand.u32 $0xFFFF0000, v25;
	v25 =	vshll.u32 v10, $0x10;
	v10 =	vand.u32 $0xFFFF0000, v10;
	v27 =	vld [tilespmem:s26+$0x80];
	[tilespmem:s10+$0xFFFFFFD0] =	vst v16  }
0x147: {  	v28 =	vshll.u32 v15, $0x10;
	v16 =	vshll.u32 v9, $0x10;
	v9 =	vand.u32 $0xFFFF0000, v9;
	v29 =	vld [tilespmem:s14+$0x90];
	[tilespmem:s30+$0xFFFFDB70] =	vst v7  }
0x148: {  	s13 =	sadd.s32 $0x4, s13;
	v7 =	vand.u32 $0xFFFF0000, v15;
	v15 =	vshll.u32 v14, $0x10;
	v14 =	vand.u32 $0xFFFF0000, v14;
	v30 =	vld [tilespmem:s14+$0xD0];
	[tilespmem:s30+$0xFFFFFF30] =	vst v6  }
0x149: {  	p0 =	slt.u32 s13, $0x3C;
	v6 =	vshll.u32 v8, $0x10;
	v31 =	vand.u32 $0xFFFF0000, v8;
	v32 =	vshll.u32 v21, $0x10;
	v8 =	vld [tilespmem:s26+$0xFFFFF0D0];
	[tilespmem:s30+$0xFFFFFF70] =	vst v5;
	s30 =	smov.u32 s11;
	s11 =	smov.u32 s10  }
0x14a: {  	v21 =	vand.u32 $0xFFFF0000, v21;
	v5 =	vshll.u32 v26, $0x10;
	v26 =	vand.u32 $0xFFFF0000, v26;
	v33 =	vld [tilespmem:s26+$0xD0];
	[tilespmem:s30+$0xFFFFDBC0] =	vst v18  }
0x14b: {  	v13 =	vadd.f32 v13, v22;
	v18 =	vld [tilespmem:s14+$0xFFFFFF00];
	v22 =	vshll.u32 v27, $0x10;
	v27 =	vand.u32 $0xFFFF0000, v27;
	[tilespmem:s30+$0xFFFFDC00] =	vst v17  }
0x14c: {  	v12 =	vadd.f32 v12, v19;
	v19 =	vmax.f32 v23, $0.0e+00;
	v17 =	vadd.f32 v25, v28;
	v23 =	vld [tilespmem:s3+$0xFFFFFFF0];
	[tilespmem:s30+$0xFFFFFFC0] =	vst v11  }
0x14d: {  	v10 =	vadd.f32 v10, v15;
	v11 =	vmax.f32 v13, $0.0e+00;
	v13 =	vadd.f32 v16, v7;
	[tilespmem:s30+$0xFFFFFE10] =	vst v19;
	v15 =	vld [tilespmem:s12+$0xFFFFF070]  }
0x14e: {  	[tilespmem:s10+$0xFFFFDA20] =	vst v11;
	v7 =	vshll.u32 v8, $0x10;
	v11 =	vand.u32 $0xFFFF0000, v8;
	v8 =	vshll.u32 v29, $0x10;
	v16 =	vld [tilespmem:s12+$0x70]  }
0x14f: {  	v25 =	vshll.u32 v30, $0x10;
	v19 =	vshll.u32 v33, $0x10;
	v28 =	vadd.f32 v7, v8;
	v8 =	vld [tilespmem:s3+$0x30]  }
0x150: {  	v29 =	vand.u32 $0xFFFF0000, v29;
	v33 =	vand.u32 $0xFFFF0000, v33;
	v11 =	vadd.f32 v11, v25;
	v7 =	vld [tilespmem:s3+$0x70];
	s3 =	smov.u32 s14  }
0x151: {  	v25 =	vand.u32 $0xFFFF0000, v30;
	v19 =	vadd.f32 v19, v29;
	v28 =	vmax.f32 v28, $0.0e+00;
	v29 =	vld [tilespmem:s12+$0xFFFFF0B0]  }
0x152: {  	v30 =	vshll.u32 v18, $0x10;
	v25 =	vadd.f32 v33, v25;
	[tilespmem:s10+$0xFFFFDBA0] =	vst v28;
	v28 =	vmax.f32 v11, $0.0e+00;
	v11 =	vld [tilespmem:s12+$0xB0];
	s12 =	smov.u32 s26  }
0x153: {  	v18 =	vand.u32 $0xFFFF0000, v18;
	v24 =	vadd.f32 v24, v30;
	v19 =	vmax.f32 v19, $0.0e+00;
	[tilespmem:s10+$0xFFFFDBE0] =	vst v28  }
0x154: {  	v9 =	vadd.f32 v9, v14;
	v18 =	vadd.f32 v20, v18;
	v14 =	vmax.f32 v25, $0.0e+00;
	[tilespmem:s10+$0xFFFFFFA0] =	vst v19  }
0x155: {  	v5 =	vadd.f32 v5, v6;
	v6 =	vadd.f32 v26, v32;
	v19 =	vmax.f32 v24, $0.0e+00;
	[tilespmem:s10+$0xFFFFFFE0] =	vst v14  }
0x156: {  	v14 =	vmax.f32 v18, $0.0e+00;
	v18 =	vadd.f32 v22, v31;
	[tilespmem:s10+$0xFFFFD9E0] =	vst v19;
	v19 =	vadd.f32 v27, v21;
	v20 =	vld [tilespmem:s14+$0xA0]  }
0x157: {  	v12 =	vmax.f32 v12, $0.0e+00;
	v10 =	vmax.f32 v10, $0.0e+00;
	[tilespmem:s10+$0xFFFFFDE0] =	vst v14;
	v14 =	vmax.f32 v17, $0.0e+00;
	v17 =	vld [tilespmem:s14+$0xE0]  }
0x158: {  	v13 =	vmax.f32 v13, $0.0e+00;
	v22 =	vmax.f32 v5, $0.0e+00;
	v21 =	vmax.f32 v9, $0.0e+00;
	[tilespmem:s10+$0xFFFFFE20] =	vst v12;
	v24 =	vld [tilespmem:s26+$0xFFFFF0E0]  }
0x159: {  	v25 =	vmax.f32 v6, $0.0e+00;
	v18 =	vmax.f32 v18, $0.0e+00;
	v19 =	vmax.f32 v19, $0.0e+00;
	[tilespmem:s10+$0xFFFFDA70] =	vst v14;
	v26 =	vld [tilespmem:s26+$0xE0]  }
0x15a: {  	v12 =	vshll.u32 v16, $0x10;
	v14 =	vshll.u32 v15, $0x10;
	v15 =	vand.u32 $0xFFFF0000, v15;
	v27 =	vld [tilespmem:s14+$0xFFFFFF10];
	[tilespmem:s10+$0xFFFFDAB0] =	vst v10  }
0x15b: {  	v9 =	vand.u32 $0xFFFF0000, v16;
	v16 =	vshll.u32 v23, $0x10;
	v28 =	vld [tilespmem:s14+$0xFFFFFF50];
	[tilespmem:s10+$0xFFFFFE70] =	vst v13;
	v13 =	vand.u32 $0xFFFF0000, v23  }
0x15c: {  	v5 =	vand.u32 $0xFFFF0000, v29;
	v6 =	vshll.u32 v11, $0x10;
	v10 =	vshll.u32 v29, $0x10;
	v23 =	vld [tilespmem:s26+$0xFFFFF010];
	[tilespmem:s10+$0xFFFFFEB0] =	vst v21  }
0x15d: {  	v29 =	vshll.u32 v20, $0x10;
	v21 =	vld [tilespmem:s26+$0x10];
	[tilespmem:s10+$0xFFFFDB00] =	vst v22;
	v22 =	vshll.u32 v24, $0x10;
	v24 =	vand.u32 $0xFFFF0000, v24  }
0x15e: {  	v31 =	vshll.u32 v17, $0x10;
	v30 =	vld [tilespmem:s14+$0xFFFFFF90];
	[tilespmem:s10+$0xFFFFDB40] =	vst v25;
	v25 =	vshll.u32 v26, $0x10;
	v22 =	vadd.f32 v22, v29  }
0x15f: {  	v20 =	vand.u32 $0xFFFF0000, v20;
	v24 =	vadd.f32 v24, v31;
	v29 =	vld [tilespmem:s14+$0xFFFFFFD0];
	[tilespmem:s10+$0xFFFFFF00] =	vst v18;
	v18 =	vand.u32 $0xFFFF0000, v26  }
0x160: {  	v17 =	vand.u32 $0xFFFF0000, v17;
	v20 =	vadd.f32 v25, v20;
	v26 =	vld [tilespmem:s26+$0xFFFFF050];
	[tilespmem:s10+$0xFFFFFF40] =	vst v19;
	v19 =	vmax.f32 v22, $0.0e+00  }
0x161: {  	v17 =	vadd.f32 v18, v17;
	v22 =	vshll.u32 v23, $0x10;
	v25 =	vld [tilespmem:s26+$0x50];
	[tilespmem:s10+$0xFFFFDBB0] =	vst v19;
	v19 =	vmax.f32 v24, $0.0e+00  }
0x162: {  	v18 =	vand.u32 $0xFFFF0000, v23;
	v23 =	vshll.u32 v21, $0x10;
	v24 =	vld [tilespmem:s14+$0x10];
	[tilespmem:s10+$0xFFFFDBF0] =	vst v19;
	v19 =	vmax.f32 v20, $0.0e+00  }
0x163: {  	v20 =	vand.u32 $0xFFFF0000, v21;
	v21 =	vshll.u32 v27, $0x10;
	v17 =	vmax.f32 v17, $0.0e+00;
	v31 =	vld [tilespmem:s14+$0x50];
	[tilespmem:s10+$0xFFFFFFB0] =	vst v19  }
0x164: {  	v19 =	vand.u32 $0xFFFF0000, v27;
	v27 =	vshll.u32 v28, $0x10;
	v28 =	vand.u32 $0xFFFF0000, v28;
	v32 =	vld [tilespmem:s26+$0xFFFFF090];
	[tilespmem:s10+$0xFFFFFFF0] =	vst v17  }
0x165: {  	v33 =	vshll.u32 v30, $0x10;
	v17 =	vshll.u32 v26, $0x10;
	v26 =	vand.u32 $0xFFFF0000, v26;
	v34 =	vld [tilespmem:s14+$0xF0]  }
0x166: {  	v30 =	vand.u32 $0xFFFF0000, v30;
	v35 =	vshll.u32 v25, $0x10;
	v25 =	vand.u32 $0xFFFF0000, v25;
	v36 =	vld [tilespmem:s26+$0xF0]  }
0x167: {  	v37 =	vshll.u32 v29, $0x10;
	v29 =	vand.u32 $0xFFFF0000, v29;
	v38 =	vld [tilespmem:s26+$0x90];
	v39 =	vshll.u32 v24, $0x10  }
0x168: {  	v24 =	vand.u32 $0xFFFF0000, v24;
	v40 =	vshll.u32 v31, $0x10;
	v31 =	vand.u32 $0xFFFF0000, v31  }
0x169: {  	v21 =	vadd.f32 v22, v21;
	v22 =	vshll.u32 v32, $0x10;
	v32 =	vand.u32 $0xFFFF0000, v32  }
0x16a: {  	v11 =	vand.u32 $0xFFFF0000, v11;
	v18 =	vadd.f32 v18, v27;
	v19 =	vadd.f32 v23, v19  }
0x16b: {  	v20 =	vadd.f32 v20, v28;
	v27 =	vand.u32 $0xFFFF0000, v34;
	v23 =	vand.u32 $0xFFFF0000, v36  }
0x16c: {  	v28 =	vshll.u32 v38, $0x10;
	v38 =	vand.u32 $0xFFFF0000, v38;
	v23 =	vadd.f32 v23, v27  }
0x16d: {  	v21 =	vmax.f32 v21, $0.0e+00;
	v17 =	vadd.f32 v17, v33;
	v26 =	vadd.f32 v26, v37  }
0x16e: {  	v25 =	vadd.f32 v25, v29;
	[tilespmem:s10+$0xFFFFD9F0] =	vst v21;
	v21 =	vadd.f32 v35, v30;
	v27 =	vld [tilespmem:s14+$0xB0];
	v23 =	vmax.f32 v23, $0.0e+00  }
0x16f: {  	v18 =	vmax.f32 v18, $0.0e+00;
	v22 =	vadd.f32 v22, v39;
	v29 =	vadd.f32 v32, v40;
	v30 =	vld [tilespmem:s26+$0xFFFFF0F0];
	[tilespmem:s10+$0x0] =	vst v23  }
0x170: {  	v23 =	vadd.f32 v38, v31;
	[tilespmem:s10+$0xFFFFDA30] =	vst v18;
	v18 =	vmax.f32 v19, $0.0e+00;
	v19 =	vadd.f32 v28, v24  }
0x171: {  	v17 =	vmax.f32 v17, $0.0e+00;
	[tilespmem:s10+$0xFFFFFDF0] =	vst v18;
	v18 =	vmax.f32 v20, $0.0e+00;
	v20 =	vmax.f32 v26, $0.0e+00  }
0x172: {  	v22 =	vmax.f32 v22, $0.0e+00;
	[tilespmem:s10+$0xFFFFFE30] =	vst v18;
	v18 =	vmax.f32 v21, $0.0e+00;
	v21 =	vmax.f32 v25, $0.0e+00  }
0x173: {  	v23 =	vmax.f32 v23, $0.0e+00;
	v19 =	vmax.f32 v19, $0.0e+00;
	v24 =	vld [tilespmem:s14+$0xFFFFFF20];
	[tilespmem:s10+$0xFFFFDA80] =	vst v17;
	v17 =	vmax.f32 v29, $0.0e+00  }
0x174: {  	v26 =	vshll.u32 v7, $0x10;
	v25 =	vld [tilespmem:s14+$0xFFFFFF60];
	[tilespmem:s10+$0xFFFFDAC0] =	vst v20;
	v20 =	vshll.u32 v8, $0x10;
	v8 =	vand.u32 $0xFFFF0000, v8  }
0x175: {  	v7 =	vand.u32 $0xFFFF0000, v7;
	v29 =	vshll.u32 v30, $0x10;
	v30 =	vand.u32 $0xFFFF0000, v30;
	v28 =	vld [tilespmem:s26+$0xFFFFF020];
	[tilespmem:s10+$0xFFFFFE80] =	vst v18  }
0x176: {  	v31 =	vshll.u32 v36, $0x10;
	v18 =	vld [tilespmem:s26+$0x20];
	[tilespmem:s10+$0xFFFFFEC0] =	vst v21;
	v21 =	vshll.u32 v27, $0x10;
	v27 =	vand.u32 $0xFFFF0000, v27  }
0x177: {  	v14 =	vadd.f32 v14, v4;
	v15 =	vadd.f32 v15, v16;
	v32 =	vld [tilespmem:s14+$0xFFFFFFA0];
	[tilespmem:s10+$0xFFFFDB10] =	vst v22;
	v22 =	vshll.u32 v34, $0x10  }
0x178: {  	v33 =	vadd.f32 v12, v3;
	v4 =	vshll.u32 v24, $0x10;
	v16 =	vand.u32 $0xFFFF0000, v24;
	v24 =	vld [tilespmem:s14+$0xFFFFFFE0];
	[tilespmem:s10+$0xFFFFDB50] =	vst v17  }
0x179: {  	v9 =	vadd.f32 v9, v13;
	v3 =	vshll.u32 v25, $0x10;
	v12 =	vand.u32 $0xFFFF0000, v25;
	v17 =	vld [tilespmem:s26+$0xFFFFF060];
	[tilespmem:s10+$0xFFFFFF10] =	vst v19  }
0x17a: {  	v13 =	vshll.u32 v28, $0x10;
	v19 =	vand.u32 $0xFFFF0000, v28;
	v25 =	vld [tilespmem:s26+$0x60];
	[tilespmem:s10+$0xFFFFFF50] =	vst v23;
	v23 =	vadd.f32 v10, v20  }
0x17b: {  	v10 =	vshll.u32 v18, $0x10;
	v18 =	vand.u32 $0xFFFF0000, v18;
	v4 =	vadd.f32 v13, v4;
	v13 =	vld [tilespmem:s14+$0x20]  }
0x17c: {  	v3 =	vadd.f32 v19, v3;
	v19 =	vshll.u32 v32, $0x10;
	v20 =	vand.u32 $0xFFFF0000, v32;
	v28 =	vld [tilespmem:s14+$0x60]  }
0x17d: {  	v10 =	vadd.f32 v10, v16;
	v16 =	vshll.u32 v24, $0x10;
	v24 =	vand.u32 $0xFFFF0000, v24;
	v32 =	vld [tilespmem:s26+$0xFFFFF0A0]  }
0x17e: {  	v12 =	vadd.f32 v18, v12;
	v18 =	vshll.u32 v17, $0x10;
	v17 =	vand.u32 $0xFFFF0000, v17;
	v34 =	vld [tilespmem:s26+$0xA0]  }
0x17f: {  	v35 =	vshll.u32 v25, $0x10;
	v25 =	vand.u32 $0xFFFF0000, v25;
	v18 =	vadd.f32 v18, v19  }
0x180: {  	v16 =	vadd.f32 v17, v16;
	v17 =	vshll.u32 v13, $0x10;
	v13 =	vand.u32 $0xFFFF0000, v13  }
0x181: {  	v19 =	vadd.f32 v35, v20;
	v20 =	vshll.u32 v28, $0x10;
	v28 =	vand.u32 $0xFFFF0000, v28  }
0x182: {  	v24 =	vadd.f32 v25, v24;
	v25 =	vshll.u32 v32, $0x10;
	v32 =	vand.u32 $0xFFFF0000, v32  }
0x183: {  	v35 =	vshll.u32 v34, $0x10;
	v34 =	vand.u32 $0xFFFF0000, v34;
	v17 =	vadd.f32 v25, v17  }
0x184: {  	v4 =	vmax.f32 v4, $0.0e+00;
	v20 =	vadd.f32 v32, v20;
	v13 =	vadd.f32 v35, v13  }
0x185: {  	v3 =	vmax.f32 v3, $0.0e+00;
	[tilespmem:s10+$0xFFFFDA00] =	vst v4;
	v4 =	vmax.f32 v10, $0.0e+00;
	v10 =	vadd.f32 v34, v28  }
0x186: {  	v16 =	vmax.f32 v16, $0.0e+00;
	[tilespmem:s10+$0xFFFFDA40] =	vst v3;
	v3 =	vmax.f32 v12, $0.0e+00;
	v12 =	vmax.f32 v18, $0.0e+00  }
0x187: {  	v24 =	vmax.f32 v24, $0.0e+00;
	v25 =	vmax.f32 v19, $0.0e+00;
	v28 =	vmax.f32 v17, $0.0e+00;
	[tilespmem:s10+$0xFFFFFE00] =	vst v4  }
0x188: {  	v18 =	vmax.f32 v20, $0.0e+00;
	v17 =	vmax.f32 v13, $0.0e+00;
	[tilespmem:s10+$0xFFFFFE40] =	vst v3;
	v3 =	vmax.f32 v10, $0.0e+00  }
.Ltmp2:
0x189: {  	v2 =	vmax.f32 v2, $0.0e+00;
	v5 =	vadd.f32 v5, v26;
	v6 =	vadd.f32 v6, v8;
	v4 =	vld [tilespmem:s14+$0xFFFFFF30];
	[tilespmem:s10+$0xFFFFDA90] =	vst v12;
	(pc) =	sbr.rel @p0 .LBB2_7-.Ltmp2, $4  }
0x18a: {  	v26 =	vadd.f32 v11, v7;
	v19 =	vadd.f32 v29, v21;
	v13 =	vmax.f32 v14, $0.0e+00;
	v12 =	vld [tilespmem:s14+$0xFFFFFF70];
	[tilespmem:s10+$0xFFFFDAD0] =	vst v16  }
0x18b: {  	v11 =	vadd.f32 v31, v27;
	v20 =	vadd.f32 v30, v22;
	v16 =	vmax.f32 v15, $0.0e+00;
	v21 =	vld [tilespmem:s26+$0xFFFFF030];
	[tilespmem:s10+$0xFFFFFE90] =	vst v25  }
0x18c: {  	v9 =	vmax.f32 v9, $0.0e+00;
	v8 =	vmax.f32 v23, $0.0e+00;
	v10 =	vmax.f32 v33, $0.0e+00;
	v14 =	vld [tilespmem:s26+$0x30];
	[tilespmem:s10+$0xFFFFFED0] =	vst v24  }
0x18d: {  	v7 =	vmax.f32 v5, $0.0e+00;
	v5 =	vmax.f32 v26, $0.0e+00;
	v6 =	vmax.f32 v6, $0.0e+00;
	s14 =	sadd.s32 $0x200, s14;
	v15 =	vld [tilespmem:s3+$0xFFFFFFB0];
	[tilespmem:s10+$0xFFFFDB20] =	vst v28  }
0x18e: {  	[tilespmem:s10+$0xFFFFDB60] =	vst v18  }
0x18f: {  	[tilespmem:s10+$0xFFFFFF20] =	vst v17  }
0x190: {  	[tilespmem:s10+$0xFFFFFF60] =	vst v3  }
0x191: {  	[tilespmem:s30+$0xFFFFFE50] =	vst v2  }
0x192: {  	[tilespmem:s30+$0xFFFFDAA0] =	vst v13  }
0x193: {  	[tilespmem:s30+$0xFFFFDAE0] =	vst v16  }
0x194: {  	[tilespmem:s30+$0xFFFFFEA0] =	vst v10  }
0x195: {  	v35 =	vshll.u32 v4, $0x10;
	[tilespmem:s30+$0xFFFFFEE0] =	vst v9;
	v38 =	vand.u32 $0xFFFF0000, v4;
	v41 =	vld [tilespmem:s3+$0xFFFFFFF0]  }
0x196: {  	v39 =	vmax.f32 v19, $0.0e+00;
	[tilespmem:s30+$0xFFFFDB30] =	vst v8;
	v3 =	vshll.u32 v12, $0x10;
	v44 =	vld [tilespmem:s12+$0xFFFFF0B0];
	v37 =	vand.u32 $0xFFFF0000, v21  }
0x197: {  	v43 =	vmax.f32 v20, $0.0e+00;
	[tilespmem:s30+$0xFFFFDB70] =	vst v7;
	v50 =	vld [tilespmem:s3+$0x30];
	v36 =	vshll.u32 v21, $0x10;
	v2 =	vadd.f32 v37, v3  }
0x198: {  	v45 =	vmax.f32 v11, $0.0e+00;
	[tilespmem:s30+$0xFFFFFF30] =	vst v6;
	v42 =	vand.u32 $0xFFFF0000, v12;
	v53 =	vld [tilespmem:s3+$0x70];
	v17 =	vadd.f32 v36, v35  }
0x199: {  	[tilespmem:s30+$0xFFFFFF70] =	vst v5;
	v40 =	vshll.u32 v14, $0x10;
	v46 =	vand.u32 $0xFFFF0000, v14;
	v2 =	vmax.f32 v2, $0.0e+00  }
0x19a: {  	v4 =	vadd.f32 v40, v38;
	v47 =	vshll.u32 v15, $0x10;
	v3 =	vmax.f32 v17, $0.0e+00;
	[tilespmem:s10+$0xFFFFDA50] =	vst v2;
	v2 =	vld [tilespmem:s12+$0xFFFFF070]  }
0x19b: {  	v49 =	vand.u32 $0xFFFF0000, v15;
	v11 =	vadd.f32 v46, v42;
	v54 =	vshll.u32 v41, $0x10;
	[tilespmem:s10+$0xFFFFDA10] =	vst v3;
	v3 =	vld [tilespmem:s12+$0x70]  }
0x19c: {  	v48 =	vld [tilespmem:s12+$0xB0];
	[tilespmem:s11+$0xFFFFDBC0] =	vst v39;
	v8 =	vand.u32 $0xFFFF0000, v41;
	v55 =	vshll.u32 v44, $0x10;
	v57 =	vshll.u32 v50, $0x10  }
0x19d: {  	[tilespmem:s11+$0xFFFFDC00] =	vst v43;
	v7 =	vand.u32 $0xFFFF0000, v44;
	v58 =	vshll.u32 v53, $0x10;
	v59 =	vadd.f32 v55, v57  }
0x19e: {  	[tilespmem:s11+$0xFFFFFFC0] =	vst v45;
	v4 =	vmax.f32 v4, $0.0e+00;
	v11 =	vmax.f32 v11, $0.0e+00;
	v61 =	vadd.f32 v7, v58  }
0x19f: {  	[tilespmem:s11+$0xFFFFFE10] =	vst v4;
	v63 =	vmax.f32 v59, $0.0e+00;
	v51 =	vshll.u32 v2, $0x10;
	v2 =	vand.u32 $0xFFFF0000, v2  }
0x1a0: {  	[tilespmem:s11+$0xFFFFFE50] =	vst v11;
	v52 =	vshll.u32 v3, $0x10;
	v3 =	vand.u32 $0xFFFF0000, v3;
	v2 =	vadd.f32 v2, v54  }
0x1a1: {  	v56 =	vshll.u32 v48, $0x10;
	v5 =	vmax.f32 v61, $0.0e+00;
	[tilespmem:s11+$0xFFFFDB30] =	vst v63;
	v3 =	vadd.f32 v3, v8  }
0x1a2: {  	v6 =	vand.u32 $0xFFFF0000, v48;
	[tilespmem:s11+$0xFFFFDB70] =	vst v5;
	v9 =	vadd.f32 v51, v47;
	v2 =	vmax.f32 v2, $0.0e+00  }
0x1a3: {  	s30 =	sadd.s32 $0x1, s28;
	v62 =	vand.u32 $0xFFFF0000, v53;
	v12 =	vadd.f32 v52, v49;
	v3 =	vmax.f32 v3, $0.0e+00;
	[tilespmem:s11+$0xFFFFDAE0] =	vst v2  }
0x1a4: {  	p0 =	sge.u32 s30, s9;
	v9 =	vmax.f32 v9, $0.0e+00;
	v2 =	vand.u32 $0xFFFF0000, v50;
	[tilespmem:s11+$0xFFFFFEE0] =	vst v3;
	v3 =	vadd.f32 v6, v62  }
0x1a5: {  	s10 =	sand.u32 @!p0 $0x1, s28;
	v60 =	vmax.f32 v12, $0.0e+00;
	[tilespmem:s11+$0xFFFFDAA0] =	vst v9;
	v2 =	vadd.f32 v56, v2  }
0x1a6: {  	p1 =	seq.s32 @!p0 s10, $0x1;
	[tilespmem:s11+$0xFFFFFEA0] =	vst v60;
	v3 =	vmax.f32 v3, $0.0e+00  }
0x1a7: {  	s10 =	simm.s32 @!p0 $0x1;
	p1 =	por !p1, p0;
	v2 =	vmax.f32 v2, $0.0e+00;
	[tilespmem:s11+$0xFFFFFF70] =	vst v3  }
0x1a8: {  	s10 =	simm.s32 @p1 $0x2;
	[tilespmem:s11+$0xFFFFFF30] =	vst v2  }
0x1a9: {  	_ =	swait.ge @!p0 [sflag:s10], $0x80  }
0x1aa: {  	s11 =	sadd.s32 s8, s28;
	[sflag:s10] =	ssyncset.done @!p0 $0x0  }
0x1ab: {  	s13 =	sand.u32 $0x1, s28;
	s12 =	sshll.u32 @!p0 s11, $0xA;
	[sflag:s10] =	ssyncadd.s32 @!p0 $0xFFFFFF80  }
0x1ac: {  	s14 =	simm.s32 @!p0 $0x16800;
	s12 =	sand.u32 @!p0 $0x1FFFFC00, s12;
	_ =	swait.ge @!p0 [sflag:s10], $0x80  }
0x1ad: {  	s26 =	simm.s32 @!p0 $0x16A00;
	s12 =	sadd.s32 @!p0 s5, s12;
	[sflag:s10] =	ssyncset.done @!p0 $0x0  }
0x1ae: {  	s12 =	sadd.s32 @!p0 $0x400, s12;
	[sflag:s10] =	ssyncadd.s32 @!p0 $0xFFFFFF80;
	s10 =	simm.s32 @!p0 $0x0  }
0x1af: {  	[tilespmem:s26], [sflag:$0x4] =	stream.linear.gather @!p0 [hbm4b:s12+s10], $0x2000, $0x38;
	[tilespmem:$0x1F200] =	vst v63  }
0x1b0: {  	s14 =	simm.s32 @p1 $0x16880;
	s10 =	simm.s32 @!p0 $0x80;
	s12 =	simm.s32 @!p0 $0x18A00  }
0x1b1: {  	[tilespmem:s12], [sflag:$0x3] =	stream.indirect.gather @!p0 [hbm4b:s1+s10], $0x40, s14, s10, $0xb8;
	[tilespmem:$0x1F200] =	vst v63  }
0x1b2: {  	p0 =	sne.s32 s13, $0x0  }
0x1b3: {  	p1 =	slt.u32 @p0 s28, s15  }
0x1b4: {  	s10 =	simm.s32 @p0 $0x80;
	s12 =	simm.s32 @p0 $0x16980;
	s13 =	simm.s32 @p0 $0x1AA00  }
0x1b5: {  	[spmem:s2] =	stream.indirect.scatter.add.f32 @p0 [tilespmem:s13], [sflag:$0x5], $0x90, s12, s10, $0xb8;
	[tilespmem:$0x1F200] =	vst v63  }
0x1b6: {  	s10 =	simm.s32 @p0 $0x5;
	p1 =	por !p1, !p0  }
0x1b7: {  	_ =	swait.ge @p0 [sflag:s10], $0x4800;
	s12 =	sshll.u32 @!p1 s11, $0x4  }
0x1b8: {  	[sflag:s10] =	ssyncset.done @p0 $0x0;
	s12 =	sand.u32 @!p1 $0x1FFFFFF0, s12  }
0x1b9: {  	[sflag:s10] =	ssyncadd.s32 @p0 $0xFFFFB800;
	s10 =	sadd.s32 @!p1 $0x20, s12  }
0x1ba: {  	s13 =	simm.s32 @!p1 $0x0;
	s14 =	simm.s32 @!p1 $0x16880;
	s12 =	sadd.s32 @!p1 s6, s10  }
0x1bb: {  	[tilespmem:s14], [sflag:$0x2] =	stream.linear.gather @!p1 [hbm4b:s12+s13], $0x80, $0x38;
	[tilespmem:$0x1F200] =	vst v63  }
0x1bc: {  	s10 =	sadd.s32 @!p1 s7, s10;
	s12 =	simm.s32 @!p1 $0x16980  }
0x1bd: {  	[tilespmem:s12], [sflag:$0x2] =	stream.linear.gather @!p1 [hbm4b:s10+s13], $0x80, $0x38;
	[tilespmem:$0x1F200] =	vst v63  }
0x1be: {  	s10 =	simm.s32 @!p0 $0x80;
	s12 =	simm.s32 @!p0 $0x16900;
	s13 =	simm.s32 @!p0 $0x1AA00  }
0x1bf: {  	[spmem:s2] =	stream.indirect.scatter.add.f32 @!p0 [tilespmem:s13], [sflag:$0x5], $0x90, s12, s10, $0xb8;
	[tilespmem:$0x1F200] =	vst v63  }
0x1c0: {  	p1 =	slt.u32 @!p0 s28, s15;
	s10 =	simm.s32 @!p0 $0x5  }
0x1c1: {  	p1 =	por !p1, p0;
	_ =	swait.ge @!p0 [sflag:s10], $0x4800  }
0x1c2: {  	s11 =	sshll.u32 @!p1 s11, $0x4;
	[sflag:s10] =	ssyncset.done @!p0 $0x0  }
0x1c3: {  	s11 =	sand.u32 @!p1 $0x1FFFFFF0, s11;
	[sflag:s10] =	ssyncadd.s32 @!p0 $0xFFFFB800;
	p0 =	sne.s32 s30, s9  }
.Ltmp3:
0x1c4: {  	s10 =	sadd.s32 @!p1 $0x20, s11;
	(pc) =	sbr.rel @p0 .LBB2_6-.Ltmp3, $4  }
0x1c5: {  	s12 =	simm.s32 @!p1 $0x0;
	s13 =	simm.s32 @!p1 $0x16800;
	s11 =	sadd.s32 @!p1 s6, s10  }
0x1c6: {  	[tilespmem:s13], [sflag:$0x1] =	stream.linear.gather @!p1 [hbm4b:s11+s12], $0x80, $0x38;
	[tilespmem:$0x1F200] =	vst v63  }
0x1c7: {  	s28 =	smov.u32 s30;
	s10 =	sadd.s32 @!p1 s7, s10;
	s11 =	simm.s32 @!p1 $0x16900  }
0x1c8: {  	[tilespmem:s11], [sflag:$0x1] =	stream.linear.gather @!p1 [hbm4b:s10+s12], $0x80, $0x38;
	[tilespmem:$0x1F200] =	vst v63  }
0x1c9: {  	s3 =	stileid.u32;
	s4 =	sadd.s32 $0x1, s4  }
0x1ca: {  	s3 =	sshll.u32 s3, $0x6;
	p0 =	sne.s32 s4, s18  }
.Ltmp4:
0x1cb: {  	[bflag:$0x0] =	sbarrier.arrive $0xFFFF;
	s3 =	sor.u32 $0x1C06, s3;
	(pc) =	sbr.rel @p0 .LBB2_1-.Ltmp4, $4  }
0x1cc: {  	[hbm:s16], [sflag:s3] =	dma.local [spmem:s25], $0x2D00  }
0x1cd: {  	_ =	swait.ge [sflag:s24], $0x2D00  }
0x1ce: {  	[sflag:s24] =	ssyncset.done $0x0  }
0x1cf: {  	[sflag:s24] =	ssyncadd.s32 $0xFFFFD300  }
0x1d0: {  	_ =	sfence.sel $0x180000  }
0x1d1: {  	[bflag:$0x0] =	sbarrier.arrive $0xFFFF  }
0x1d2: {  	_ =	strace $0x90000047  }
0x1d3: {  	s0 =	stileid.u32;
	[bflag:$0x2] =	sbarrier.arrive $0xFFFF  }
0x1d4: {  	p0 =	sne.s32 s0, $0x0;
	s0 =	rddreg [dreg:$0x3]  }
0x1d5: {  	s0 =	sadd.s32 @!p0 $0x100000, s0  }
0x1d6: {  	[sflag:s0] =	ssyncadd.tile.s32 @!p0 $0x1;
	_ =	shalt  }
.Lfunc_end2:
_tile_overlayer_lowered:
.L_overlay_start_2:
0x1d7: {  	(tag) =	ssettag $0x2  }
0x1d8: {  	s0 =	rddreg [dreg:$0x0];
	s2 =	stileid.u32  }
0x1d9: {  	s1 =	rddreg [dreg:$0x1];
	p0 =	sne.s32 s2, $0x0  }
0x1da: {  	s3 =	rddreg [dreg:$0x2];
	[bflag:$0x3] =	sbarrier.arrive $0xFFFF;
	s2 =	simm.s32 @!p0 $0x1C06  }
0x1db: {  	[timem:s3], [sflag:s2] =	dma.local @!p0 [hbm:s0], s1  }
0x1dc: {  	s0 =	simm.s32 @!p0 $0x6  }
0x1dd: {  	_ =	swait.ge @!p0 [sflag:s0], s1  }
0x1de: {  	s1 =	ssub.s32 @!p0 $0x0, s1;
	[sflag:s0] =	ssyncset.done @!p0 $0x0  }
0x1df: {  	[sflag:s0] =	ssyncadd.s32 @!p0 s1  }
0x1e0: {  	[bflag:$0x3] =	sbarrier.arrive $0xFFFF  }
0x1e1: {  	_ =	shalt  }

</sc_bundles>
